<compile_context>
chip_gen: v7x
topology: tpu7x:2x2x1
jax: 0.10.2.dev20260603
libtpu: 0.0.44.dev20260713+nightly
codegen_flags: <defaults>
</compile_context>

<pallas_src>
import functools

import jax
import jax.numpy as jnp
from jax import lax
from jax.experimental import pallas as pl
from jax.experimental.pallas import tpu as pltpu
from jax.experimental.pallas import tpu_sc as plsc

DIM = 128
ROWS = 30
L = 16
RPW = 8


def _encode_body(pc_hbm, ax_hbm, sp_hbm, bp_hbm,
                 nib_hbm, pos_hbm, typ_hbm, out_hbm,
                 r0_v, r1_v, r2_v, r3_v, inib_v, ityp_v, ipos_v,
                 nib_rows, typ_rows, pos_rows,
                 out_v, sem_n, sem_t, sem_p, sem_r):
    s = lax.axis_index("s")
    base = s * RPW

    @pl.when(base < ROWS)
    def _():
        cp_r = [pltpu.async_copy(r, v.at[pl.ds(0, 1)], sem_r)
                for r, v in ((pc_hbm, r0_v), (ax_hbm, r1_v),
                             (sp_hbm, r2_v), (bp_hbm, r3_v))]
        lane = lax.iota(jnp.int32, L)
        w_v = base + (lane & 7)
        typ_v = (jnp.where(w_v >= 5, 1, 0) + jnp.where(w_v >= 10, 1, 0)
                 + jnp.where(w_v >= 15, 1, 0) + jnp.where(w_v >= 20, 1, 0)
                 + jnp.where(w_v >= 29, 1, 0))
        pos_v = jnp.minimum(w_v, ROWS - 1)
        ityp_v[...] = typ_v
        ipos_v[...] = pos_v
        cp_t = pltpu.async_copy(
            typ_hbm.at[ityp_v.at[pl.ds(0, 8)]], typ_rows, sem_t)
        cp_p = pltpu.async_copy(
            pos_hbm.at[ipos_v.at[pl.ds(0, 8)]], pos_rows, sem_p)

        for cp in cp_r:
            cp.wait()
        rs_v = jnp.minimum(lax.div(w_v, 5), 3)
        zero = jnp.zeros((L,), jnp.int32)
        dn = lax.GatherDimensionNumbers(
            offset_dims=(), collapsed_slice_dims=(0,),
            start_index_map=(0,))
        b0, b1, b2, b3 = (
            lax.gather(v[...], zero[:, None], dimension_numbers=dn,
                       slice_sizes=(1,),
                       mode=lax.GatherScatterMode.PROMISE_IN_BOUNDS)
            for v in (r0_v, r1_v, r2_v, r3_v))
        rv_v = jnp.where(rs_v == 0, b0,
                         jnp.where(rs_v == 1, b1,
                                   jnp.where(rs_v == 2, b2, b3)))
        sh_v = jnp.minimum(w_v - rs_v * 5, 4) * 4
        nib_v = jnp.where(w_v < 20, jnp.right_shift(rv_v, sh_v) & 15, 0)
        inib_v[...] = nib_v
        cp_n = pltpu.async_copy(
            nib_hbm.at[inib_v.at[pl.ds(0, 8)]], nib_rows, sem_n)
        cp_n.wait()
        cp_t.wait()
        cp_p.wait()

        for j in range(RPW):
            scale = jnp.where(
                jnp.full((L,), base + j, jnp.int32) < ROWS - 1, 1.0, 0.0)
            for c in range(DIM // L):
                sl = pl.ds(c * L, L)
                out_v[j, sl] = (nib_rows[j, sl] * scale
                                + pos_rows[j, sl] + typ_rows[j, sl])

        @pl.when(base + RPW <= ROWS)
        def _():
            pltpu.sync_copy(out_v, out_hbm.at[pl.ds(base, RPW)])

        @pl.when(base + RPW > ROWS)
        def _():
            cps = [pltpu.async_copy(out_v.at[pl.ds(r, 1)],
                                    out_hbm.at[pl.ds(base + r, 1)], sem_p)
                   for r in range(ROWS % RPW)]
            for cp in cps:
                cp.wait()


def kernel(pc, ax, sp, bp, nibble_W, pos_W, type_W):
    pc, ax, sp, bp = (jnp.reshape(jnp.asarray(r, jnp.int32), (1,))
                      for r in (pc, ax, sp, bp))
    mesh = plsc.VectorSubcoreMesh(
        core_axis_name="c", subcore_axis_name="s", num_cores=1)
    run = functools.partial(
        pl.kernel,
        out_type=jax.ShapeDtypeStruct((ROWS, DIM), jnp.float32),
        mesh=mesh,
        scratch_types=[
            pltpu.VMEM((L,), jnp.int32),
            pltpu.VMEM((L,), jnp.int32),
            pltpu.VMEM((L,), jnp.int32),
            pltpu.VMEM((L,), jnp.int32),
            pltpu.VMEM((L,), jnp.int32),
            pltpu.VMEM((L,), jnp.int32),
            pltpu.VMEM((L,), jnp.int32),
            pltpu.VMEM((RPW, DIM), jnp.float32),
            pltpu.VMEM((RPW, DIM), jnp.float32),
            pltpu.VMEM((RPW, DIM), jnp.float32),
            pltpu.VMEM((RPW, DIM), jnp.float32),
            pltpu.SemaphoreType.DMA,
            pltpu.SemaphoreType.DMA,
            pltpu.SemaphoreType.DMA,
            pltpu.SemaphoreType.DMA,
        ],
    )(_encode_body)
    return run(pc, ax, sp, bp, nibble_W, pos_W, type_W)

# --- scband reference (transcript-rebuilt; emitter-appended) ---
"""Pipeline reference for scband-vmstate-encoder-62380105007327 (READ-ONLY COPY).

The authoritative reference and input builder live on the scoring server;
editing this copy changes nothing except your own understanding.
"""

import jax, jax.numpy as jnp
import numpy as np

DIM = 128
NIBBLES_PER_REG = 5
PC_START, AX_START, SP_START, BP_START = 0, 5, 10, 15
MEM_START, STEP_END = 20, 29


def _ortho_rows(rows, dim, seed):
    # mimic torch nn.init.orthogonal_ on a [rows, dim] weight (rows <= dim)
    g = np.random.default_rng(seed).normal(size=(dim, rows))
    q, _ = np.linalg.qr(g)
    return jnp.asarray(q.T, dtype=jnp.float32)


def setup_inputs(seed=None) -> dict:
    # Local shim: validate.py passes a seed (the authoritative builder is
    # server-side); randomize registers + tables per-seed with the same
    # STRUCTURE as the pinned defaults.
    inp = {}
    if seed is None:
        inp["pc"] = 303857
        inp["ax"] = 911234
        inp["sp"] = 524287
        inp["bp"] = 131071
        s0, s1, s2 = 0, 1, 2
    else:
        rng = np.random.default_rng(seed)
        inp["pc"] = np.int64(rng.integers(0, 2**63))
        inp["ax"] = np.int64(rng.integers(0, 2**63))
        inp["sp"] = np.int64(rng.integers(0, 2**63))
        inp["bp"] = np.int64(rng.integers(0, 2**63))
        s0, s1, s2 = seed + 10, seed + 11, seed + 12
    inp["nibble_W"] = _ortho_rows(16, DIM, s0)
    inp["pos_W"] = _ortho_rows(30, DIM, s1)
    inp["type_W"] = _ortho_rows(6, DIM, s2)
    return inp


def _token_type(pos):
    if pos < 5:
        return 0
    elif pos < 10:
        return 1
    elif pos < 15:
        return 2
    elif pos < 20:
        return 3
    elif pos < 29:
        return 4
    return 5


def _forward(nibble_W, pos_W, type_W, pc, ax, sp, bp):
    # registers -> nibble indices (5 nibbles each, little-endian 4-bit groups)
    nibs = []
    for r in (pc, ax, sp, bp):
        for i in range(NIBBLES_PER_REG):
            nibs.append((r >> (i * 4)) & 15)
    # mem_ops = None -> addr_hi, addr_lo, val all zero for 3 slots
    nibs = nibs + [0] * 9  # positions 20..28
    nib_idx = jnp.asarray(nibs, dtype=jnp.int32)
    pos_idx = jnp.arange(29, dtype=jnp.int32)
    type_idx = jnp.asarray([_token_type(p) for p in range(29)], dtype=jnp.int32)
    emb = (
        jnp.take(nibble_W, nib_idx, axis=0)
        + jnp.take(pos_W, pos_idx, axis=0)
        + jnp.take(type_W, type_idx, axis=0)
    )
    end_emb = pos_W[STEP_END] + type_W[5]
    return jnp.concatenate([emb, end_emb[None, :]], axis=0)  # [30, dim]


def reference(pc, ax, sp, bp, nibble_W, pos_W, type_W):
    return _forward(nibble_W, pos_W, type_W, pc, ax, sp, bp)

if __name__ == "__main__":
    import jax
    _d = setup_inputs()
    print(jax.jit(kernel)(*tuple(_d.values())))

</pallas_src>

<mosaic_0001>
#map = affine_map<(d0, d1) -> (0)>
#map1 = affine_map<(d0, d1) -> (0, 0)>
module attributes {stable_mosaic.version = 14 : i64} {
  func.func @_encode_body(%arg0: i32, %arg1: i32, %arg2: memref<1xi32, #tpu.memory_space<hbm>>, %arg3: memref<1xi32, #tpu.memory_space<hbm>>, %arg4: memref<1xi32, #tpu.memory_space<hbm>>, %arg5: memref<1xi32, #tpu.memory_space<hbm>>, %arg6: memref<16x128xf32, #tpu.memory_space<hbm>>, %arg7: memref<30x128xf32, #tpu.memory_space<hbm>>, %arg8: memref<6x128xf32, #tpu.memory_space<hbm>>, %arg9: memref<30x128xf32, #tpu.memory_space<hbm>>, %arg10: memref<16xi32, #tpu.memory_space<vmem>>, %arg11: memref<16xi32, #tpu.memory_space<vmem>>, %arg12: memref<16xi32, #tpu.memory_space<vmem>>, %arg13: memref<16xi32, #tpu.memory_space<vmem>>, %arg14: memref<16xi32, #tpu.memory_space<vmem>>, %arg15: memref<16xi32, #tpu.memory_space<vmem>>, %arg16: memref<16xi32, #tpu.memory_space<vmem>>, %arg17: memref<8x128xf32, #tpu.memory_space<vmem>>, %arg18: memref<8x128xf32, #tpu.memory_space<vmem>>, %arg19: memref<8x128xf32, #tpu.memory_space<vmem>>, %arg20: memref<8x128xf32, #tpu.memory_space<vmem>>, %arg21: memref<!tpu.dma_semaphore, #tpu.memory_space<semaphore_mem>>, %arg22: memref<!tpu.dma_semaphore, #tpu.memory_space<semaphore_mem>>, %arg23: memref<!tpu.dma_semaphore, #tpu.memory_space<semaphore_mem>>, %arg24: memref<!tpu.dma_semaphore, #tpu.memory_space<semaphore_mem>>) attributes {dimension_semantics = [#tpu.dimension_semantics<core_parallel>, #tpu.dimension_semantics<subcore_parallel>], iteration_bounds = array<i64: 1, 16>, scalar_prefetch = 0 : i64, scratch_operands = 15 : i64, tpu.core_type = #tpu.core_type<sc_vector_subcore>, window_params = [{transform_indices = #map}, {transform_indices = #map}, {transform_indices = #map}, {transform_indices = #map}, {transform_indices = #map1}, {transform_indices = #map1}, {transform_indices = #map1}, {transform_indices = #map1}]} {
    %mul3A = arith.constant 8 : i32
    %mul3A_0 = arith.muli %arg1, %mul3A : i32
    %lt3A = arith.constant 30 : i32
    %lt3A_1 = arith.cmpi slt, %mul3A_0, %lt3A : i32
    %convert_element_type3A = arith.extui %lt3A_1 : i1 to i32
    %cond3A = arith.constant 0 : i32
    %cond3A_2 = arith.cmpi ne, %convert_element_type3A, %cond3A : i32
    scf.if %cond3A_2 {
      %dma_start3A = arith.constant 0 : i32
      %dma_start3A_3 = tpu.memref_slice %arg10[%dma_start3A] : memref<16xi32, #tpu.memory_space<vmem>> -> memref<1xi32, #tpu.memory_space<vmem>>
      %dma_start3A_4 = arith.constant 0 : i32
      %dma_start3A_5 = tpu.memref_slice %arg10[%dma_start3A_4] : memref<16xi32, #tpu.memory_space<vmem>> -> memref<1xi32, #tpu.memory_space<vmem>>
      tpu.enqueue_dma source(%arg2 : memref<1xi32, #tpu.memory_space<hbm>>) target(%dma_start3A_5 : memref<1xi32, #tpu.memory_space<vmem>>) target_semaphore(%arg24 : memref<!tpu.dma_semaphore, #tpu.memory_space<semaphore_mem>>)
      %dma_start3A_6 = arith.constant 0 : i32
      %dma_start3A_7 = tpu.memref_slice %arg11[%dma_start3A_6] : memref<16xi32, #tpu.memory_space<vmem>> -> memref<1xi32, #tpu.memory_space<vmem>>
      %dma_start3A_8 = arith.constant 0 : i32
      %dma_start3A_9 = tpu.memref_slice %arg11[%dma_start3A_8] : memref<16xi32, #tpu.memory_space<vmem>> -> memref<1xi32, #tpu.memory_space<vmem>>
      tpu.enqueue_dma source(%arg3 : memref<1xi32, #tpu.memory_space<hbm>>) target(%dma_start3A_9 : memref<1xi32, #tpu.memory_space<vmem>>) target_semaphore(%arg24 : memref<!tpu.dma_semaphore, #tpu.memory_space<semaphore_mem>>)
      %dma_start3A_10 = arith.constant 0 : i32
      %dma_start3A_11 = tpu.memref_slice %arg12[%dma_start3A_10] : memref<16xi32, #tpu.memory_space<vmem>> -> memref<1xi32, #tpu.memory_space<vmem>>
      %dma_start3A_12 = arith.constant 0 : i32
      %dma_start3A_13 = tpu.memref_slice %arg12[%dma_start3A_12] : memref<16xi32, #tpu.memory_space<vmem>> -> memref<1xi32, #tpu.memory_space<vmem>>
      tpu.enqueue_dma source(%arg4 : memref<1xi32, #tpu.memory_space<hbm>>) target(%dma_start3A_13 : memref<1xi32, #tpu.memory_space<vmem>>) target_semaphore(%arg24 : memref<!tpu.dma_semaphore, #tpu.memory_space<semaphore_mem>>)
      %dma_start3A_14 = arith.constant 0 : i32
      %dma_start3A_15 = tpu.memref_slice %arg13[%dma_start3A_14] : memref<16xi32, #tpu.memory_space<vmem>> -> memref<1xi32, #tpu.memory_space<vmem>>
      %dma_start3A_16 = arith.constant 0 : i32
      %dma_start3A_17 = tpu.memref_slice %arg13[%dma_start3A_16] : memref<16xi32, #tpu.memory_space<vmem>> -> memref<1xi32, #tpu.memory_space<vmem>>
      tpu.enqueue_dma source(%arg5 : memref<1xi32, #tpu.memory_space<hbm>>) target(%dma_start3A_17 : memref<1xi32, #tpu.memory_space<vmem>>) target_semaphore(%arg24 : memref<!tpu.dma_semaphore, #tpu.memory_space<semaphore_mem>>)
      %iota3A = tpu.iota {dimensions = array<i32: 0>} : vector<16xi32>
      %and3A = arith.constant 7 : i32
      %and3A_18 = vector.broadcast %and3A : i32 to vector<16xi32>
      %and3A_19 = arith.andi %iota3A, %and3A_18 : vector<16xi32>
      %add3A = vector.broadcast %mul3A_0 : i32 to vector<16xi32>
      %add3A_20 = arith.addi %add3A, %and3A_19 : vector<16xi32>
      %ge3A = arith.constant 5 : i32
      %ge3A_21 = vector.broadcast %ge3A : i32 to vector<16xi32>
      %ge3A_22 = arith.cmpi sge, %add3A_20, %ge3A_21 : vector<16xi32>
      %jit3A = arith.constant 1 : i32
      %jit3A_23 = arith.constant 0 : i32
      %broadcast_in_dim3A = vector.broadcast %jit3A : i32 to vector<16xi32>
      %broadcast_in_dim3A_24 = vector.broadcast %jit3A_23 : i32 to vector<16xi32>
      %select_n3A = arith.select %ge3A_22, %broadcast_in_dim3A, %broadcast_in_dim3A_24 : vector<16xi1>, vector<16xi32>
      %ge3A_25 = arith.constant 10 : i32
      %ge3A_26 = vector.broadcast %ge3A_25 : i32 to vector<16xi32>
      %ge3A_27 = arith.cmpi sge, %add3A_20, %ge3A_26 : vector<16xi32>
      %jit3A_28 = arith.constant 1 : i32
      %jit3A_29 = arith.constant 0 : i32
      %broadcast_in_dim3A_30 = vector.broadcast %jit3A_28 : i32 to vector<16xi32>
      %broadcast_in_dim3A_31 = vector.broadcast %jit3A_29 : i32 to vector<16xi32>
      %select_n3A_32 = arith.select %ge3A_27, %broadcast_in_dim3A_30, %broadcast_in_dim3A_31 : vector<16xi1>, vector<16xi32>
      %add3A_33 = arith.addi %select_n3A, %select_n3A_32 : vector<16xi32>
      %ge3A_34 = arith.constant 15 : i32
      %ge3A_35 = vector.broadcast %ge3A_34 : i32 to vector<16xi32>
      %ge3A_36 = arith.cmpi sge, %add3A_20, %ge3A_35 : vector<16xi32>
      %jit3A_37 = arith.constant 1 : i32
      %jit3A_38 = arith.constant 0 : i32
      %broadcast_in_dim3A_39 = vector.broadcast %jit3A_37 : i32 to vector<16xi32>
      %broadcast_in_dim3A_40 = vector.broadcast %jit3A_38 : i32 to vector<16xi32>
      %select_n3A_41 = arith.select %ge3A_36, %broadcast_in_dim3A_39, %broadcast_in_dim3A_40 : vector<16xi1>, vector<16xi32>
      %add3A_42 = arith.addi %add3A_33, %select_n3A_41 : vector<16xi32>
      %ge3A_43 = arith.constant 20 : i32
      %ge3A_44 = vector.broadcast %ge3A_43 : i32 to vector<16xi32>
      %ge3A_45 = arith.cmpi sge, %add3A_20, %ge3A_44 : vector<16xi32>
      %jit3A_46 = arith.constant 1 : i32
      %jit3A_47 = arith.constant 0 : i32
      %broadcast_in_dim3A_48 = vector.broadcast %jit3A_46 : i32 to vector<16xi32>
      %broadcast_in_dim3A_49 = vector.broadcast %jit3A_47 : i32 to vector<16xi32>
      %select_n3A_50 = arith.select %ge3A_45, %broadcast_in_dim3A_48, %broadcast_in_dim3A_49 : vector<16xi1>, vector<16xi32>
      %add3A_51 = arith.addi %add3A_42, %select_n3A_50 : vector<16xi32>
      %ge3A_52 = arith.constant 29 : i32
      %ge3A_53 = vector.broadcast %ge3A_52 : i32 to vector<16xi32>
      %ge3A_54 = arith.cmpi sge, %add3A_20, %ge3A_53 : vector<16xi32>
      %jit3A_55 = arith.constant 1 : i32
      %jit3A_56 = arith.constant 0 : i32
      %broadcast_in_dim3A_57 = vector.broadcast %jit3A_55 : i32 to vector<16xi32>
      %broadcast_in_dim3A_58 = vector.broadcast %jit3A_56 : i32 to vector<16xi32>
      %select_n3A_59 = arith.select %ge3A_54, %broadcast_in_dim3A_57, %broadcast_in_dim3A_58 : vector<16xi1>, vector<16xi32>
      %add3A_60 = arith.addi %add3A_51, %select_n3A_59 : vector<16xi32>
      %min3A = arith.constant 29 : i32
      %min3A_61 = vector.broadcast %min3A : i32 to vector<16xi32>
      %min3A_62 = arith.minsi %add3A_20, %min3A_61 : vector<16xi32>
      %swap3A = arith.constant 0 : index
      %swap3A_63 = tpu.vector_load %arg15[%swap3A] {strides = array<i32>} : memref<16xi32, #tpu.memory_space<vmem>>, vector<16xi32>,
      %swap3A_64 = vector.shape_cast %swap3A_63 : vector<16xi32> to vector<16xi32>
      %swap3A_65 = vector.shape_cast %add3A_60 : vector<16xi32> to vector<16xi32>
      tpu.vector_store %arg15[%swap3A], %swap3A_65 {strides = array<i32>} : memref<16xi32, #tpu.memory_space<vmem>>, vector<16xi32>,
      %swap3A_66 = arith.constant 0 : index
      %swap3A_67 = tpu.vector_load %arg16[%swap3A_66] {strides = array<i32>} : memref<16xi32, #tpu.memory_space<vmem>>, vector<16xi32>,
      %swap3A_68 = vector.shape_cast %swap3A_67 : vector<16xi32> to vector<16xi32>
      %swap3A_69 = vector.shape_cast %min3A_62 : vector<16xi32> to vector<16xi32>
      tpu.vector_store %arg16[%swap3A_66], %swap3A_69 {strides = array<i32>} : memref<16xi32, #tpu.memory_space<vmem>>, vector<16xi32>,
      %dma_start3A_70 = arith.constant 0 : i32
      %dma_start3A_71 = tpu.memref_slice %arg15[%dma_start3A_70] : memref<16xi32, #tpu.memory_space<vmem>> -> memref<8xi32, #tpu.memory_space<vmem>>
      %dma_start3A_72 = arith.constant 0 : i32
      %dma_start3A_73 = arith.constant 0 : i32
      %dma_start3A_74 = tpu.memref_slice %arg8[%dma_start3A_72, %dma_start3A_73] : memref<6x128xf32, #tpu.memory_space<hbm>> -> memref<6x128xf32, #tpu.memory_space<hbm>>
      tpu.enqueue_indirect_dma source(%dma_start3A_74 : memref<6x128xf32, #tpu.memory_space<hbm>>) target(%arg18 : memref<8x128xf32, #tpu.memory_space<vmem>>) offsets(%dma_start3A_71 : memref<8xi32, #tpu.memory_space<vmem>>) semaphore(%arg22 : memref<!tpu.dma_semaphore, #tpu.memory_space<semaphore_mem>>)
      %dma_start3A_75 = arith.constant 0 : i32
      %dma_start3A_76 = tpu.memref_slice %arg16[%dma_start3A_75] : memref<16xi32, #tpu.memory_space<vmem>> -> memref<8xi32, #tpu.memory_space<vmem>>
      %dma_start3A_77 = arith.constant 0 : i32
      %dma_start3A_78 = arith.constant 0 : i32
      %dma_start3A_79 = tpu.memref_slice %arg7[%dma_start3A_77, %dma_start3A_78] : memref<30x128xf32, #tpu.memory_space<hbm>> -> memref<30x128xf32, #tpu.memory_space<hbm>>
      tpu.enqueue_indirect_dma source(%dma_start3A_79 : memref<30x128xf32, #tpu.memory_space<hbm>>) target(%arg19 : memref<8x128xf32, #tpu.memory_space<vmem>>) offsets(%dma_start3A_76 : memref<8xi32, #tpu.memory_space<vmem>>) semaphore(%arg23 : memref<!tpu.dma_semaphore, #tpu.memory_space<semaphore_mem>>)
      %dma_wait3A = arith.constant 0 : i32
      %dma_wait3A_80 = tpu.memref_slice %arg10[%dma_wait3A] : memref<16xi32, #tpu.memory_space<vmem>> -> memref<1xi32, #tpu.memory_space<vmem>>
      %dma_wait3A_81 = arith.constant 0 : i32
      %dma_wait3A_82 = tpu.memref_slice %arg10[%dma_wait3A_81] : memref<16xi32, #tpu.memory_space<vmem>> -> memref<1xi32, #tpu.memory_space<vmem>>
      tpu.wait_dma2 semaphore(%arg24 : memref<!tpu.dma_semaphore, #tpu.memory_space<semaphore_mem>>) src(%arg2 : memref<1xi32, #tpu.memory_space<hbm>>) dst(%dma_wait3A_82 : memref<1xi32, #tpu.memory_space<vmem>>)
      %dma_wait3A_83 = arith.constant 0 : i32
      %dma_wait3A_84 = tpu.memref_slice %arg11[%dma_wait3A_83] : memref<16xi32, #tpu.memory_space<vmem>> -> memref<1xi32, #tpu.memory_space<vmem>>
      %dma_wait3A_85 = arith.constant 0 : i32
      %dma_wait3A_86 = tpu.memref_slice %arg11[%dma_wait3A_85] : memref<16xi32, #tpu.memory_space<vmem>> -> memref<1xi32, #tpu.memory_space<vmem>>
      tpu.wait_dma2 semaphore(%arg24 : memref<!tpu.dma_semaphore, #tpu.memory_space<semaphore_mem>>) src(%arg3 : memref<1xi32, #tpu.memory_space<hbm>>) dst(%dma_wait3A_86 : memref<1xi32, #tpu.memory_space<vmem>>)
      %dma_wait3A_87 = arith.constant 0 : i32
      %dma_wait3A_88 = tpu.memref_slice %arg12[%dma_wait3A_87] : memref<16xi32, #tpu.memory_space<vmem>> -> memref<1xi32, #tpu.memory_space<vmem>>
      %dma_wait3A_89 = arith.constant 0 : i32
      %dma_wait3A_90 = tpu.memref_slice %arg12[%dma_wait3A_89] : memref<16xi32, #tpu.memory_space<vmem>> -> memref<1xi32, #tpu.memory_space<vmem>>
      tpu.wait_dma2 semaphore(%arg24 : memref<!tpu.dma_semaphore, #tpu.memory_space<semaphore_mem>>) src(%arg4 : memref<1xi32, #tpu.memory_space<hbm>>) dst(%dma_wait3A_90 : memref<1xi32, #tpu.memory_space<vmem>>)
      %dma_wait3A_91 = arith.constant 0 : i32
      %dma_wait3A_92 = tpu.memref_slice %arg13[%dma_wait3A_91] : memref<16xi32, #tpu.memory_space<vmem>> -> memref<1xi32, #tpu.memory_space<vmem>>
      %dma_wait3A_93 = arith.constant 0 : i32
      %dma_wait3A_94 = tpu.memref_slice %arg13[%dma_wait3A_93] : memref<16xi32, #tpu.memory_space<vmem>> -> memref<1xi32, #tpu.memory_space<vmem>>
      tpu.wait_dma2 semaphore(%arg24 : memref<!tpu.dma_semaphore, #tpu.memory_space<semaphore_mem>>) src(%arg5 : memref<1xi32, #tpu.memory_space<hbm>>) dst(%dma_wait3A_94 : memref<1xi32, #tpu.memory_space<vmem>>)
      %div3A = arith.constant 5 : i32
      %div3A_95 = vector.broadcast %div3A : i32 to vector<16xi32>
      %div3A_96 = arith.divsi %add3A_20, %div3A_95 : vector<16xi32>
      %min3A_97 = arith.constant 3 : i32
      %min3A_98 = vector.broadcast %min3A_97 : i32 to vector<16xi32>
      %min3A_99 = arith.minsi %div3A_96, %min3A_98 : vector<16xi32>
      %broadcast_in_dim3A_100 = arith.constant 0 : i32
      %broadcast_in_dim3A_101 = vector.broadcast %broadcast_in_dim3A_100 : i32 to vector<16xi32>
      %get3A = arith.constant 0 : index
      %get3A_102 = tpu.vector_load %arg10[%get3A] {strides = array<i32>} : memref<16xi32, #tpu.memory_space<vmem>>, vector<16xi32>,
      %get3A_103 = vector.shape_cast %get3A_102 : vector<16xi32> to vector<16xi32>
      %broadcast_in_dim3A_104 = vector.shape_cast %broadcast_in_dim3A_101 : vector<16xi32> to vector<16x1xi32>
      %gather3A = vector.shape_cast %broadcast_in_dim3A_104 : vector<16x1xi32> to vector<16xi32>
      %gather3A_105 = tpu.dynamic_gather %get3A_103[%gather3A] in [0] : vector<16xi32>, vector<16xi32> -> vector<16xi32>
      %get3A_106 = arith.constant 0 : index
      %get3A_107 = tpu.vector_load %arg11[%get3A_106] {strides = array<i32>} : memref<16xi32, #tpu.memory_space<vmem>>, vector<16xi32>,
      %get3A_108 = vector.shape_cast %get3A_107 : vector<16xi32> to vector<16xi32>
      %broadcast_in_dim3A_109 = vector.shape_cast %broadcast_in_dim3A_101 : vector<16xi32> to vector<16x1xi32>
      %gather3A_110 = vector.shape_cast %broadcast_in_dim3A_109 : vector<16x1xi32> to vector<16xi32>
      %gather3A_111 = tpu.dynamic_gather %get3A_108[%gather3A_110] in [0] : vector<16xi32>, vector<16xi32> -> vector<16xi32>
      %get3A_112 = arith.constant 0 : index
      %get3A_113 = tpu.vector_load %arg12[%get3A_112] {strides = array<i32>} : memref<16xi32, #tpu.memory_space<vmem>>, vector<16xi32>,
      %get3A_114 = vector.shape_cast %get3A_113 : vector<16xi32> to vector<16xi32>
      %broadcast_in_dim3A_115 = vector.shape_cast %broadcast_in_dim3A_101 : vector<16xi32> to vector<16x1xi32>
      %gather3A_116 = vector.shape_cast %broadcast_in_dim3A_115 : vector<16x1xi32> to vector<16xi32>
      %gather3A_117 = tpu.dynamic_gather %get3A_114[%gather3A_116] in [0] : vector<16xi32>, vector<16xi32> -> vector<16xi32>
      %get3A_118 = arith.constant 0 : index
      %get3A_119 = tpu.vector_load %arg13[%get3A_118] {strides = array<i32>} : memref<16xi32, #tpu.memory_space<vmem>>, vector<16xi32>,
      %get3A_120 = vector.shape_cast %get3A_119 : vector<16xi32> to vector<16xi32>
      %broadcast_in_dim3A_121 = vector.shape_cast %broadcast_in_dim3A_101 : vector<16xi32> to vector<16x1xi32>
      %gather3A_122 = vector.shape_cast %broadcast_in_dim3A_121 : vector<16x1xi32> to vector<16xi32>
      %gather3A_123 = tpu.dynamic_gather %get3A_120[%gather3A_122] in [0] : vector<16xi32>, vector<16xi32> -> vector<16xi32>
      %eq3A = arith.constant 0 : i32
      %eq3A_124 = vector.broadcast %eq3A : i32 to vector<16xi32>
      %eq3A_125 = arith.cmpi eq, %min3A_99, %eq3A_124 : vector<16xi32>
      %eq3A_126 = arith.constant 1 : i32
      %eq3A_127 = vector.broadcast %eq3A_126 : i32 to vector<16xi32>
      %eq3A_128 = arith.cmpi eq, %min3A_99, %eq3A_127 : vector<16xi32>
      %eq3A_129 = arith.constant 2 : i32
      %eq3A_130 = vector.broadcast %eq3A_129 : i32 to vector<16xi32>
      %eq3A_131 = arith.cmpi eq, %min3A_99, %eq3A_130 : vector<16xi32>
      %select_n3A_132 = arith.select %eq3A_131, %gather3A_117, %gather3A_123 : vector<16xi1>, vector<16xi32>
      %select_n3A_133 = arith.select %eq3A_128, %gather3A_111, %select_n3A_132 : vector<16xi1>, vector<16xi32>
      %select_n3A_134 = arith.select %eq3A_125, %gather3A_105, %select_n3A_133 : vector<16xi1>, vector<16xi32>
      %mul3A_135 = arith.constant 5 : i32
      %mul3A_136 = vector.broadcast %mul3A_135 : i32 to vector<16xi32>
      %mul3A_137 = arith.muli %min3A_99, %mul3A_136 : vector<16xi32>
      %sub3A = arith.subi %add3A_20, %mul3A_137 : vector<16xi32>
      %min3A_138 = arith.constant 4 : i32
      %min3A_139 = vector.broadcast %min3A_138 : i32 to vector<16xi32>
      %min3A_140 = arith.minsi %sub3A, %min3A_139 : vector<16xi32>
      %mul3A_141 = arith.constant 4 : i32
      %mul3A_142 = vector.broadcast %mul3A_141 : i32 to vector<16xi32>
      %mul3A_143 = arith.muli %min3A_140, %mul3A_142 : vector<16xi32>
      %lt3A_144 = arith.constant 20 : i32
      %lt3A_145 = vector.broadcast %lt3A_144 : i32 to vector<16xi32>
      %lt3A_146 = arith.cmpi slt, %add3A_20, %lt3A_145 : vector<16xi32>
      %shift_right_arithmetic3A = arith.shrsi %select_n3A_134, %mul3A_143 : vector<16xi32>
      %and3A_147 = arith.constant 15 : i32
      %and3A_148 = vector.broadcast %and3A_147 : i32 to vector<16xi32>
      %and3A_149 = arith.andi %shift_right_arithmetic3A, %and3A_148 : vector<16xi32>
      %jit3A_150 = arith.constant 0 : i32
      %broadcast_in_dim3A_151 = vector.broadcast %jit3A_150 : i32 to vector<16xi32>
      %select_n3A_152 = arith.select %lt3A_146, %and3A_149, %broadcast_in_dim3A_151 : vector<16xi1>, vector<16xi32>
      %swap3A_153 = arith.constant 0 : index
      %swap3A_154 = tpu.vector_load %arg14[%swap3A_153] {strides = array<i32>} : memref<16xi32, #tpu.memory_space<vmem>>, vector<16xi32>,
      %swap3A_155 = vector.shape_cast %swap3A_154 : vector<16xi32> to vector<16xi32>
      %swap3A_156 = vector.shape_cast %select_n3A_152 : vector<16xi32> to vector<16xi32>
      tpu.vector_store %arg14[%swap3A_153], %swap3A_156 {strides = array<i32>} : memref<16xi32, #tpu.memory_space<vmem>>, vector<16xi32>,
      %dma_start3A_157 = arith.constant 0 : i32
      %dma_start3A_158 = tpu.memref_slice %arg14[%dma_start3A_157] : memref<16xi32, #tpu.memory_space<vmem>> -> memref<8xi32, #tpu.memory_space<vmem>>
      %dma_start3A_159 = arith.constant 0 : i32
      %dma_start3A_160 = arith.constant 0 : i32
      %dma_start3A_161 = tpu.memref_slice %arg6[%dma_start3A_159, %dma_start3A_160] : memref<16x128xf32, #tpu.memory_space<hbm>> -> memref<16x128xf32, #tpu.memory_space<hbm>>
      tpu.enqueue_indirect_dma source(%dma_start3A_161 : memref<16x128xf32, #tpu.memory_space<hbm>>) target(%arg17 : memref<8x128xf32, #tpu.memory_space<vmem>>) offsets(%dma_start3A_158 : memref<8xi32, #tpu.memory_space<vmem>>) semaphore(%arg21 : memref<!tpu.dma_semaphore, #tpu.memory_space<semaphore_mem>>)
      %dma_wait3A_162 = arith.constant 0 : i32
      %dma_wait3A_163 = tpu.memref_slice %arg14[%dma_wait3A_162] : memref<16xi32, #tpu.memory_space<vmem>> -> memref<8xi32, #tpu.memory_space<vmem>>
      %dma_wait3A_164 = arith.constant 0 : i32
      %dma_wait3A_165 = arith.constant 0 : i32
      %dma_wait3A_166 = tpu.memref_slice %arg6[%dma_wait3A_164, %dma_wait3A_165] : memref<16x128xf32, #tpu.memory_space<hbm>> -> memref<16x128xf32, #tpu.memory_space<hbm>>
      tpu.wait_indirect_dma semaphore(%arg21 : memref<!tpu.dma_semaphore, #tpu.memory_space<semaphore_mem>>) src(%dma_wait3A_166 : memref<16x128xf32, #tpu.memory_space<hbm>>) dst(%arg17 : memref<8x128xf32, #tpu.memory_space<vmem>>)
      %dma_wait3A_167 = arith.constant 0 : i32
      %dma_wait3A_168 = tpu.memref_slice %arg15[%dma_wait3A_167] : memref<16xi32, #tpu.memory_space<vmem>> -> memref<8xi32, #tpu.memory_space<vmem>>
      %dma_wait3A_169 = arith.constant 0 : i32
      %dma_wait3A_170 = arith.constant 0 : i32
      %dma_wait3A_171 = tpu.memref_slice %arg8[%dma_wait3A_169, %dma_wait3A_170] : memref<6x128xf32, #tpu.memory_space<hbm>> -> memref<6x128xf32, #tpu.memory_space<hbm>>
      tpu.wait_indirect_dma semaphore(%arg22 : memref<!tpu.dma_semaphore, #tpu.memory_space<semaphore_mem>>) src(%dma_wait3A_171 : memref<6x128xf32, #tpu.memory_space<hbm>>) dst(%arg18 : memref<8x128xf32, #tpu.memory_space<vmem>>)
      %dma_wait3A_172 = arith.constant 0 : i32
      %dma_wait3A_173 = tpu.memref_slice %arg16[%dma_wait3A_172] : memref<16xi32, #tpu.memory_space<vmem>> -> memref<8xi32, #tpu.memory_space<vmem>>
      %dma_wait3A_174 = arith.constant 0 : i32
      %dma_wait3A_175 = arith.constant 0 : i32
      %dma_wait3A_176 = tpu.memref_slice %arg7[%dma_wait3A_174, %dma_wait3A_175] : memref<30x128xf32, #tpu.memory_space<hbm>> -> memref<30x128xf32, #tpu.memory_space<hbm>>
      tpu.wait_indirect_dma semaphore(%arg23 : memref<!tpu.dma_semaphore, #tpu.memory_space<semaphore_mem>>) src(%dma_wait3A_176 : memref<30x128xf32, #tpu.memory_space<hbm>>) dst(%arg19 : memref<8x128xf32, #tpu.memory_space<vmem>>)
      %add3A_177 = arith.constant 0 : i32
      %add3A_178 = arith.addi %mul3A_0, %add3A_177 : i32
      %broadcast_in_dim3A_179 = vector.broadcast %add3A_178 : i32 to vector<16xi32>
      %lt3A_180 = arith.constant 29 : i32
      %lt3A_181 = vector.broadcast %lt3A_180 : i32 to vector<16xi32>
      %lt3A_182 = arith.cmpi slt, %broadcast_in_dim3A_179, %lt3A_181 : vector<16xi32>
      %jit3A_183 = arith.constant 1.000000e+00 : f32
      %jit3A_184 = arith.constant 0.000000e+00 : f32
      %broadcast_in_dim3A_185 = vector.broadcast %jit3A_183 : f32 to vector<16xf32>
      %broadcast_in_dim3A_186 = vector.broadcast %jit3A_184 : f32 to vector<16xf32>
      %select_n3A_187 = arith.select %lt3A_182, %broadcast_in_dim3A_185, %broadcast_in_dim3A_186 : vector<16xi1>, vector<16xf32>
      %get3A_188 = arith.constant 0 : i32
      %get3A_189 = arith.index_cast %get3A_188 : i32 to index
      %get3A_190 = arith.constant 0 : index
      %get3A_191 = tpu.vector_load %arg17[%get3A_189, %get3A_190] {strides = array<i32>} : memref<8x128xf32, #tpu.memory_space<vmem>>, vector<1x16xf32>,
      %get3A_192 = vector.shape_cast %get3A_191 : vector<1x16xf32> to vector<16xf32>
      %mul3A_193 = arith.mulf %get3A_192, %select_n3A_187 : vector<16xf32>
      %get3A_194 = arith.constant 0 : i32
      %get3A_195 = arith.index_cast %get3A_194 : i32 to index
      %get3A_196 = arith.constant 0 : index
      %get3A_197 = tpu.vector_load %arg19[%get3A_195, %get3A_196] {strides = array<i32>} : memref<8x128xf32, #tpu.memory_space<vmem>>, vector<1x16xf32>,
      %get3A_198 = vector.shape_cast %get3A_197 : vector<1x16xf32> to vector<16xf32>
      %add3A_199 = arith.addf %mul3A_193, %get3A_198 : vector<16xf32>
      %get3A_200 = arith.constant 0 : i32
      %get3A_201 = arith.index_cast %get3A_200 : i32 to index
      %get3A_202 = arith.constant 0 : index
      %get3A_203 = tpu.vector_load %arg18[%get3A_201, %get3A_202] {strides = array<i32>} : memref<8x128xf32, #tpu.memory_space<vmem>>, vector<1x16xf32>,
      %get3A_204 = vector.shape_cast %get3A_203 : vector<1x16xf32> to vector<16xf32>
      %add3A_205 = arith.addf %add3A_199, %get3A_204 : vector<16xf32>
      %swap3A_206 = arith.constant 0 : i32
      %swap3A_207 = arith.index_cast %swap3A_206 : i32 to index
      %swap3A_208 = arith.constant 0 : index
      %swap3A_209 = tpu.vector_load %arg20[%swap3A_207, %swap3A_208] {strides = array<i32>} : memref<8x128xf32, #tpu.memory_space<vmem>>, vector<1x16xf32>,
      %swap3A_210 = vector.shape_cast %swap3A_209 : vector<1x16xf32> to vector<16xf32>
      %swap3A_211 = vector.shape_cast %add3A_205 : vector<16xf32> to vector<1x16xf32>
      tpu.vector_store %arg20[%swap3A_207, %swap3A_208], %swap3A_211 {strides = array<i32>} : memref<8x128xf32, #tpu.memory_space<vmem>>, vector<1x16xf32>,
      %get3A_212 = arith.constant 0 : i32
      %get3A_213 = arith.index_cast %get3A_212 : i32 to index
      %get3A_214 = arith.constant 16 : index
      %get3A_215 = tpu.vector_load %arg17[%get3A_213, %get3A_214] {strides = array<i32>} : memref<8x128xf32, #tpu.memory_space<vmem>>, vector<1x16xf32>,
      %get3A_216 = vector.shape_cast %get3A_215 : vector<1x16xf32> to vector<16xf32>
      %mul3A_217 = arith.mulf %get3A_216, %select_n3A_187 : vector<16xf32>
      %get3A_218 = arith.constant 0 : i32
      %get3A_219 = arith.index_cast %get3A_218 : i32 to index
      %get3A_220 = arith.constant 16 : index
      %get3A_221 = tpu.vector_load %arg19[%get3A_219, %get3A_220] {strides = array<i32>} : memref<8x128xf32, #tpu.memory_space<vmem>>, vector<1x16xf32>,
      %get3A_222 = vector.shape_cast %get3A_221 : vector<1x16xf32> to vector<16xf32>
      %add3A_223 = arith.addf %mul3A_217, %get3A_222 : vector<16xf32>
      %get3A_224 = arith.constant 0 : i32
      %get3A_225 = arith.index_cast %get3A_224 : i32 to index
      %get3A_226 = arith.constant 16 : index
      %get3A_227 = tpu.vector_load %arg18[%get3A_225, %get3A_226] {strides = array<i32>} : memref<8x128xf32, #tpu.memory_space<vmem>>, vector<1x16xf32>,
      %get3A_228 = vector.shape_cast %get3A_227 : vector<1x16xf32> to vector<16xf32>
      %add3A_229 = arith.addf %add3A_223, %get3A_228 : vector<16xf32>
      %swap3A_230 = arith.constant 0 : i32
      %swap3A_231 = arith.index_cast %swap3A_230 : i32 to index
      %swap3A_232 = arith.constant 16 : index
      %swap3A_233 = tpu.vector_load %arg20[%swap3A_231, %swap3A_232] {strides = array<i32>} : memref<8x128xf32, #tpu.memory_space<vmem>>, vector<1x16xf32>,
      %swap3A_234 = vector.shape_cast %swap3A_233 : vector<1x16xf32> to vector<16xf32>
      %swap3A_235 = vector.shape_cast %add3A_229 : vector<16xf32> to vector<1x16xf32>
      tpu.vector_store %arg20[%swap3A_231, %swap3A_232], %swap3A_235 {strides = array<i32>} : memref<8x128xf32, #tpu.memory_space<vmem>>, vector<1x16xf32>,
      %get3A_236 = arith.constant 0 : i32
      %get3A_237 = arith.index_cast %get3A_236 : i32 to index
      %get3A_238 = arith.constant 32 : index
      %get3A_239 = tpu.vector_load %arg17[%get3A_237, %get3A_238] {strides = array<i32>} : memref<8x128xf32, #tpu.memory_space<vmem>>, vector<1x16xf32>,
      %get3A_240 = vector.shape_cast %get3A_239 : vector<1x16xf32> to vector<16xf32>
      %mul3A_241 = arith.mulf %get3A_240, %select_n3A_187 : vector<16xf32>
      %get3A_242 = arith.constant 0 : i32
      %get3A_243 = arith.index_cast %get3A_242 : i32 to index
      %get3A_244 = arith.constant 32 : index
      %get3A_245 = tpu.vector_load %arg19[%get3A_243, %get3A_244] {strides = array<i32>} : memref<8x128xf32, #tpu.memory_space<vmem>>, vector<1x16xf32>,
      %get3A_246 = vector.shape_cast %get3A_245 : vector<1x16xf32> to vector<16xf32>
      %add3A_247 = arith.addf %mul3A_241, %get3A_246 : vector<16xf32>
      %get3A_248 = arith.constant 0 : i32
      %get3A_249 = arith.index_cast %get3A_248 : i32 to index
      %get3A_250 = arith.constant 32 : index
      %get3A_251 = tpu.vector_load %arg18[%get3A_249, %get3A_250] {strides = array<i32>} : memref<8x128xf32, #tpu.memory_space<vmem>>, vector<1x16xf32>,
      %get3A_252 = vector.shape_cast %get3A_251 : vector<1x16xf32> to vector<16xf32>
      %add3A_253 = arith.addf %add3A_247, %get3A_252 : vector<16xf32>
      %swap3A_254 = arith.constant 0 : i32
      %swap3A_255 = arith.index_cast %swap3A_254 : i32 to index
      %swap3A_256 = arith.constant 32 : index
      %swap3A_257 = tpu.vector_load %arg20[%swap3A_255, %swap3A_256] {strides = array<i32>} : memref<8x128xf32, #tpu.memory_space<vmem>>, vector<1x16xf32>,
      %swap3A_258 = vector.shape_cast %swap3A_257 : vector<1x16xf32> to vector<16xf32>
      %swap3A_259 = vector.shape_cast %add3A_253 : vector<16xf32> to vector<1x16xf32>
      tpu.vector_store %arg20[%swap3A_255, %swap3A_256], %swap3A_259 {strides = array<i32>} : memref<8x128xf32, #tpu.memory_space<vmem>>, vector<1x16xf32>,
      %get3A_260 = arith.constant 0 : i32
      %get3A_261 = arith.index_cast %get3A_260 : i32 to index
      %get3A_262 = arith.constant 48 : index
      %get3A_263 = tpu.vector_load %arg17[%get3A_261, %get3A_262] {strides = array<i32>} : memref<8x128xf32, #tpu.memory_space<vmem>>, vector<1x16xf32>,
      %get3A_264 = vector.shape_cast %get3A_263 : vector<1x16xf32> to vector<16xf32>
      %mul3A_265 = arith.mulf %get3A_264, %select_n3A_187 : vector<16xf32>
      %get3A_266 = arith.constant 0 : i32
      %get3A_267 = arith.index_cast %get3A_266 : i32 to index
      %get3A_268 = arith.constant 48 : index
      %get3A_269 = tpu.vector_load %arg19[%get3A_267, %get3A_268] {strides = array<i32>} : memref<8x128xf32, #tpu.memory_space<vmem>>, vector<1x16xf32>,
      %get3A_270 = vector.shape_cast %get3A_269 : vector<1x16xf32> to vector<16xf32>
      %add3A_271 = arith.addf %mul3A_265, %get3A_270 : vector<16xf32>
      %get3A_272 = arith.constant 0 : i32
      %get3A_273 = arith.index_cast %get3A_272 : i32 to index
      %get3A_274 = arith.constant 48 : index
      %get3A_275 = tpu.vector_load %arg18[%get3A_273, %get3A_274] {strides = array<i32>} : memref<8x128xf32, #tpu.memory_space<vmem>>, vector<1x16xf32>,
      %get3A_276 = vector.shape_cast %get3A_275 : vector<1x16xf32> to vector<16xf32>
      %add3A_277 = arith.addf %add3A_271, %get3A_276 : vector<16xf32>
      %swap3A_278 = arith.constant 0 : i32
      %swap3A_279 = arith.index_cast %swap3A_278 : i32 to index
      %swap3A_280 = arith.constant 48 : index
      %swap3A_281 = tpu.vector_load %arg20[%swap3A_279, %swap3A_280] {strides = array<i32>} : memref<8x128xf32, #tpu.memory_space<vmem>>, vector<1x16xf32>,
      %swap3A_282 = vector.shape_cast %swap3A_281 : vector<1x16xf32> to vector<16xf32>
      %swap3A_283 = vector.shape_cast %add3A_277 : vector<16xf32> to vector<1x16xf32>
      tpu.vector_store %arg20[%swap3A_279, %swap3A_280], %swap3A_283 {strides = array<i32>} : memref<8x128xf32, #tpu.memory_space<vmem>>, vector<1x16xf32>,
      %get3A_284 = arith.constant 0 : i32
      %get3A_285 = arith.index_cast %get3A_284 : i32 to index
      %get3A_286 = arith.constant 64 : index
      %get3A_287 = tpu.vector_load %arg17[%get3A_285, %get3A_286] {strides = array<i32>} : memref<8x128xf32, #tpu.memory_space<vmem>>, vector<1x16xf32>,
      %get3A_288 = vector.shape_cast %get3A_287 : vector<1x16xf32> to vector<16xf32>
      %mul3A_289 = arith.mulf %get3A_288, %select_n3A_187 : vector<16xf32>
      %get3A_290 = arith.constant 0 : i32
      %get3A_291 = arith.index_cast %get3A_290 : i32 to index
      %get3A_292 = arith.constant 64 : index
      %get3A_293 = tpu.vector_load %arg19[%get3A_291, %get3A_292] {strides = array<i32>} : memref<8x128xf32, #tpu.memory_space<vmem>>, vector<1x16xf32>,
      %get3A_294 = vector.shape_cast %get3A_293 : vector<1x16xf32> to vector<16xf32>
      %add3A_295 = arith.addf %mul3A_289, %get3A_294 : vector<16xf32>
      %get3A_296 = arith.constant 0 : i32
      %get3A_297 = arith.index_cast %get3A_296 : i32 to index
      %get3A_298 = arith.constant 64 : index
      %get3A_299 = tpu.vector_load %arg18[%get3A_297, %get3A_298] {strides = array<i32>} : memref<8x128xf32, #tpu.memory_space<vmem>>, vector<1x16xf32>,
      %get3A_300 = vector.shape_cast %get3A_299 : vector<1x16xf32> to vector<16xf32>
      %add3A_301 = arith.addf %add3A_295, %get3A_300 : vector<16xf32>
      %swap3A_302 = arith.constant 0 : i32
      %swap3A_303 = arith.index_cast %swap3A_302 : i32 to index
      %swap3A_304 = arith.constant 64 : index
      %swap3A_305 = tpu.vector_load %arg20[%swap3A_303, %swap3A_304] {strides = array<i32>} : memref<8x128xf32, #tpu.memory_space<vmem>>, vector<1x16xf32>,
      %swap3A_306 = vector.shape_cast %swap3A_305 : vector<1x16xf32> to vector<16xf32>
      %swap3A_307 = vector.shape_cast %add3A_301 : vector<16xf32> to vector<1x16xf32>
      tpu.vector_store %arg20[%swap3A_303, %swap3A_304], %swap3A_307 {strides = array<i32>} : memref<8x128xf32, #tpu.memory_space<vmem>>, vector<1x16xf32>,
      %get3A_308 = arith.constant 0 : i32
      %get3A_309 = arith.index_cast %get3A_308 : i32 to index
      %get3A_310 = arith.constant 80 : index
      %get3A_311 = tpu.vector_load %arg17[%get3A_309, %get3A_310] {strides = array<i32>} : memref<8x128xf32, #tpu.memory_space<vmem>>, vector<1x16xf32>,
      %get3A_312 = vector.shape_cast %get3A_311 : vector<1x16xf32> to vector<16xf32>
      %mul3A_313 = arith.mulf %get3A_312, %select_n3A_187 : vector<16xf32>
      %get3A_314 = arith.constant 0 : i32
      %get3A_315 = arith.index_cast %get3A_314 : i32 to index
      %get3A_316 = arith.constant 80 : index
      %get3A_317 = tpu.vector_load %arg19[%get3A_315, %get3A_316] {strides = array<i32>} : memref<8x128xf32, #tpu.memory_space<vmem>>, vector<1x16xf32>,
      %get3A_318 = vector.shape_cast %get3A_317 : vector<1x16xf32> to vector<16xf32>
      %add3A_319 = arith.addf %mul3A_313, %get3A_318 : vector<16xf32>
      %get3A_320 = arith.constant 0 : i32
      %get3A_321 = arith.index_cast %get3A_320 : i32 to index
      %get3A_322 = arith.constant 80 : index
      %get3A_323 = tpu.vector_load %arg18[%get3A_321, %get3A_322] {strides = array<i32>} : memref<8x128xf32, #tpu.memory_space<vmem>>, vector<1x16xf32>,
      %get3A_324 = vector.shape_cast %get3A_323 : vector<1x16xf32> to vector<16xf32>
      %add3A_325 = arith.addf %add3A_319, %get3A_324 : vector<16xf32>
      %swap3A_326 = arith.constant 0 : i32
      %swap3A_327 = arith.index_cast %swap3A_326 : i32 to index
      %swap3A_328 = arith.constant 80 : index
      %swap3A_329 = tpu.vector_load %arg20[%swap3A_327, %swap3A_328] {strides = array<i32>} : memref<8x128xf32, #tpu.memory_space<vmem>>, vector<1x16xf32>,
      %swap3A_330 = vector.shape_cast %swap3A_329 : vector<1x16xf32> to vector<16xf32>
      %swap3A_331 = vector.shape_cast %add3A_325 : vector<16xf32> to vector<1x16xf32>
      tpu.vector_store %arg20[%swap3A_327, %swap3A_328], %swap3A_331 {strides = array<i32>} : memref<8x128xf32, #tpu.memory_space<vmem>>, vector<1x16xf32>,
      %get3A_332 = arith.constant 0 : i32
      %get3A_333 = arith.index_cast %get3A_332 : i32 to index
      %get3A_334 = arith.constant 96 : index
      %get3A_335 = tpu.vector_load %arg17[%get3A_333, %get3A_334] {strides = array<i32>} : memref<8x128xf32, #tpu.memory_space<vmem>>, vector<1x16xf32>,
      %get3A_336 = vector.shape_cast %get3A_335 : vector<1x16xf32> to vector<16xf32>
      %mul3A_337 = arith.mulf %get3A_336, %select_n3A_187 : vector<16xf32>
      %get3A_338 = arith.constant 0 : i32
      %get3A_339 = arith.index_cast %get3A_338 : i32 to index
      %get3A_340 = arith.constant 96 : index
      %get3A_341 = tpu.vector_load %arg19[%get3A_339, %get3A_340] {strides = array<i32>} : memref<8x128xf32, #tpu.memory_space<vmem>>, vector<1x16xf32>,
      %get3A_342 = vector.shape_cast %get3A_341 : vector<1x16xf32> to vector<16xf32>
      %add3A_343 = arith.addf %mul3A_337, %get3A_342 : vector<16xf32>
      %get3A_344 = arith.constant 0 : i32
      %get3A_345 = arith.index_cast %get3A_344 : i32 to index
      %get3A_346 = arith.constant 96 : index
      %get3A_347 = tpu.vector_load %arg18[%get3A_345, %get3A_346] {strides = array<i32>} : memref<8x128xf32, #tpu.memory_space<vmem>>, vector<1x16xf32>,
      %get3A_348 = vector.shape_cast %get3A_347 : vector<1x16xf32> to vector<16xf32>
      %add3A_349 = arith.addf %add3A_343, %get3A_348 : vector<16xf32>
      %swap3A_350 = arith.constant 0 : i32
      %swap3A_351 = arith.index_cast %swap3A_350 : i32 to index
      %swap3A_352 = arith.constant 96 : index
      %swap3A_353 = tpu.vector_load %arg20[%swap3A_351, %swap3A_352] {strides = array<i32>} : memref<8x128xf32, #tpu.memory_space<vmem>>, vector<1x16xf32>,
      %swap3A_354 = vector.shape_cast %swap3A_353 : vector<1x16xf32> to vector<16xf32>
      %swap3A_355 = vector.shape_cast %add3A_349 : vector<16xf32> to vector<1x16xf32>
      tpu.vector_store %arg20[%swap3A_351, %swap3A_352], %swap3A_355 {strides = array<i32>} : memref<8x128xf32, #tpu.memory_space<vmem>>, vector<1x16xf32>,
      %get3A_356 = arith.constant 0 : i32
      %get3A_357 = arith.index_cast %get3A_356 : i32 to index
      %get3A_358 = arith.constant 112 : index
      %get3A_359 = tpu.vector_load %arg17[%get3A_357, %get3A_358] {strides = array<i32>} : memref<8x128xf32, #tpu.memory_space<vmem>>, vector<1x16xf32>,
      %get3A_360 = vector.shape_cast %get3A_359 : vector<1x16xf32> to vector<16xf32>
      %mul3A_361 = arith.mulf %get3A_360, %select_n3A_187 : vector<16xf32>
      %get3A_362 = arith.constant 0 : i32
      %get3A_363 = arith.index_cast %get3A_362 : i32 to index
      %get3A_364 = arith.constant 112 : index
      %get3A_365 = tpu.vector_load %arg19[%get3A_363, %get3A_364] {strides = array<i32>} : memref<8x128xf32, #tpu.memory_space<vmem>>, vector<1x16xf32>,
      %get3A_366 = vector.shape_cast %get3A_365 : vector<1x16xf32> to vector<16xf32>
      %add3A_367 = arith.addf %mul3A_361, %get3A_366 : vector<16xf32>
      %get3A_368 = arith.constant 0 : i32
      %get3A_369 = arith.index_cast %get3A_368 : i32 to index
      %get3A_370 = arith.constant 112 : index
      %get3A_371 = tpu.vector_load %arg18[%get3A_369, %get3A_370] {strides = array<i32>} : memref<8x128xf32, #tpu.memory_space<vmem>>, vector<1x16xf32>,
      %get3A_372 = vector.shape_cast %get3A_371 : vector<1x16xf32> to vector<16xf32>
      %add3A_373 = arith.addf %add3A_367, %get3A_372 : vector<16xf32>
      %swap3A_374 = arith.constant 0 : i32
      %swap3A_375 = arith.index_cast %swap3A_374 : i32 to index
      %swap3A_376 = arith.constant 112 : index
      %swap3A_377 = tpu.vector_load %arg20[%swap3A_375, %swap3A_376] {strides = array<i32>} : memref<8x128xf32, #tpu.memory_space<vmem>>, vector<1x16xf32>,
      %swap3A_378 = vector.shape_cast %swap3A_377 : vector<1x16xf32> to vector<16xf32>
      %swap3A_379 = vector.shape_cast %add3A_373 : vector<16xf32> to vector<1x16xf32>
      tpu.vector_store %arg20[%swap3A_375, %swap3A_376], %swap3A_379 {strides = array<i32>} : memref<8x128xf32, #tpu.memory_space<vmem>>, vector<1x16xf32>,
      %add3A_380 = arith.constant 1 : i32
      %add3A_381 = arith.addi %mul3A_0, %add3A_380 : i32
      %broadcast_in_dim3A_382 = vector.broadcast %add3A_381 : i32 to vector<16xi32>
      %lt3A_383 = arith.constant 29 : i32
      %lt3A_384 = vector.broadcast %lt3A_383 : i32 to vector<16xi32>
      %lt3A_385 = arith.cmpi slt, %broadcast_in_dim3A_382, %lt3A_384 : vector<16xi32>
      %jit3A_386 = arith.constant 1.000000e+00 : f32
      %jit3A_387 = arith.constant 0.000000e+00 : f32
      %broadcast_in_dim3A_388 = vector.broadcast %jit3A_386 : f32 to vector<16xf32>
      %broadcast_in_dim3A_389 = vector.broadcast %jit3A_387 : f32 to vector<16xf32>
      %select_n3A_390 = arith.select %lt3A_385, %broadcast_in_dim3A_388, %broadcast_in_dim3A_389 : vector<16xi1>, vector<16xf32>
      %get3A_391 = arith.constant 1 : i32
      %get3A_392 = arith.index_cast %get3A_391 : i32 to index
      %get3A_393 = arith.constant 0 : index
      %get3A_394 = tpu.vector_load %arg17[%get3A_392, %get3A_393] {strides = array<i32>} : memref<8x128xf32, #tpu.memory_space<vmem>>, vector<1x16xf32>,
      %get3A_395 = vector.shape_cast %get3A_394 : vector<1x16xf32> to vector<16xf32>
      %mul3A_396 = arith.mulf %get3A_395, %select_n3A_390 : vector<16xf32>
      %get3A_397 = arith.constant 1 : i32
      %get3A_398 = arith.index_cast %get3A_397 : i32 to index
      %get3A_399 = arith.constant 0 : index
      %get3A_400 = tpu.vector_load %arg19[%get3A_398, %get3A_399] {strides = array<i32>} : memref<8x128xf32, #tpu.memory_space<vmem>>, vector<1x16xf32>,
      %get3A_401 = vector.shape_cast %get3A_400 : vector<1x16xf32> to vector<16xf32>
      %add3A_402 = arith.addf %mul3A_396, %get3A_401 : vector<16xf32>
      %get3A_403 = arith.constant 1 : i32
      %get3A_404 = arith.index_cast %get3A_403 : i32 to index
      %get3A_405 = arith.constant 0 : index
      %get3A_406 = tpu.vector_load %arg18[%get3A_404, %get3A_405] {strides = array<i32>} : memref<8x128xf32, #tpu.memory_space<vmem>>, vector<1x16xf32>,
      %get3A_407 = vector.shape_cast %get3A_406 : vector<1x16xf32> to vector<16xf32>
      %add3A_408 = arith.addf %add3A_402, %get3A_407 : vector<16xf32>
      %swap3A_409 = arith.constant 1 : i32
      %swap3A_410 = arith.index_cast %swap3A_409 : i32 to index
      %swap3A_411 = arith.constant 0 : index
      %swap3A_412 = tpu.vector_load %arg20[%swap3A_410, %swap3A_411] {strides = array<i32>} : memref<8x128xf32, #tpu.memory_space<vmem>>, vector<1x16xf32>,
      %swap3A_413 = vector.shape_cast %swap3A_412 : vector<1x16xf32> to vector<16xf32>
      %swap3A_414 = vector.shape_cast %add3A_408 : vector<16xf32> to vector<1x16xf32>
      tpu.vector_store %arg20[%swap3A_410, %swap3A_411], %swap3A_414 {strides = array<i32>} : memref<8x128xf32, #tpu.memory_space<vmem>>, vector<1x16xf32>,
      %get3A_415 = arith.constant 1 : i32
      %get3A_416 = arith.index_cast %get3A_415 : i32 to index
      %get3A_417 = arith.constant 16 : index
      %get3A_418 = tpu.vector_load %arg17[%get3A_416, %get3A_417] {strides = array<i32>} : memref<8x128xf32, #tpu.memory_space<vmem>>, vector<1x16xf32>,
      %get3A_419 = vector.shape_cast %get3A_418 : vector<1x16xf32> to vector<16xf32>
      %mul3A_420 = arith.mulf %get3A_419, %select_n3A_390 : vector<16xf32>
      %get3A_421 = arith.constant 1 : i32
      %get3A_422 = arith.index_cast %get3A_421 : i32 to index
      %get3A_423 = arith.constant 16 : index
      %get3A_424 = tpu.vector_load %arg19[%get3A_422, %get3A_423] {strides = array<i32>} : memref<8x128xf32, #tpu.memory_space<vmem>>, vector<1x16xf32>,
      %get3A_425 = vector.shape_cast %get3A_424 : vector<1x16xf32> to vector<16xf32>
      %add3A_426 = arith.addf %mul3A_420, %get3A_425 : vector<16xf32>
      %get3A_427 = arith.constant 1 : i32
      %get3A_428 = arith.index_cast %get3A_427 : i32 to index
      %get3A_429 = arith.constant 16 : index
      %get3A_430 = tpu.vector_load %arg18[%get3A_428, %get3A_429] {strides = array<i32>} : memref<8x128xf32, #tpu.memory_space<vmem>>, vector<1x16xf32>,
      %get3A_431 = vector.shape_cast %get3A_430 : vector<1x16xf32> to vector<16xf32>
      %add3A_432 = arith.addf %add3A_426, %get3A_431 : vector<16xf32>
      %swap3A_433 = arith.constant 1 : i32
      %swap3A_434 = arith.index_cast %swap3A_433 : i32 to index
      %swap3A_435 = arith.constant 16 : index
      %swap3A_436 = tpu.vector_load %arg20[%swap3A_434, %swap3A_435] {strides = array<i32>} : memref<8x128xf32, #tpu.memory_space<vmem>>, vector<1x16xf32>,
      %swap3A_437 = vector.shape_cast %swap3A_436 : vector<1x16xf32> to vector<16xf32>
      %swap3A_438 = vector.shape_cast %add3A_432 : vector<16xf32> to vector<1x16xf32>
      tpu.vector_store %arg20[%swap3A_434, %swap3A_435], %swap3A_438 {strides = array<i32>} : memref<8x128xf32, #tpu.memory_space<vmem>>, vector<1x16xf32>,
      %get3A_439 = arith.constant 1 : i32
      %get3A_440 = arith.index_cast %get3A_439 : i32 to index
      %get3A_441 = arith.constant 32 : index
      %get3A_442 = tpu.vector_load %arg17[%get3A_440, %get3A_441] {strides = array<i32>} : memref<8x128xf32, #tpu.memory_space<vmem>>, vector<1x16xf32>,
      %get3A_443 = vector.shape_cast %get3A_442 : vector<1x16xf32> to vector<16xf32>
      %mul3A_444 = arith.mulf %get3A_443, %select_n3A_390 : vector<16xf32>
      %get3A_445 = arith.constant 1 : i32
      %get3A_446 = arith.index_cast %get3A_445 : i32 to index
      %get3A_447 = arith.constant 32 : index
      %get3A_448 = tpu.vector_load %arg19[%get3A_446, %get3A_447] {strides = array<i32>} : memref<8x128xf32, #tpu.memory_space<vmem>>, vector<1x16xf32>,
      %get3A_449 = vector.shape_cast %get3A_448 : vector<1x16xf32> to vector<16xf32>
      %add3A_450 = arith.addf %mul3A_444, %get3A_449 : vector<16xf32>
      %get3A_451 = arith.constant 1 : i32
      %get3A_452 = arith.index_cast %get3A_451 : i32 to index
      %get3A_453 = arith.constant 32 : index
      %get3A_454 = tpu.vector_load %arg18[%get3A_452, %get3A_453] {strides = array<i32>} : memref<8x128xf32, #tpu.memory_space<vmem>>, vector<1x16xf32>,
      %get3A_455 = vector.shape_cast %get3A_454 : vector<1x16xf32> to vector<16xf32>
      %add3A_456 = arith.addf %add3A_450, %get3A_455 : vector<16xf32>
      %swap3A_457 = arith.constant 1 : i32
      %swap3A_458 = arith.index_cast %swap3A_457 : i32 to index
      %swap3A_459 = arith.constant 32 : index
      %swap3A_460 = tpu.vector_load %arg20[%swap3A_458, %swap3A_459] {strides = array<i32>} : memref<8x128xf32, #tpu.memory_space<vmem>>, vector<1x16xf32>,
      %swap3A_461 = vector.shape_cast %swap3A_460 : vector<1x16xf32> to vector<16xf32>
      %swap3A_462 = vector.shape_cast %add3A_456 : vector<16xf32> to vector<1x16xf32>
      tpu.vector_store %arg20[%swap3A_458, %swap3A_459], %swap3A_462 {strides = array<i32>} : memref<8x128xf32, #tpu.memory_space<vmem>>, vector<1x16xf32>,
      %get3A_463 = arith.constant 1 : i32
      %get3A_464 = arith.index_cast %get3A_463 : i32 to index
      %get3A_465 = arith.constant 48 : index
      %get3A_466 = tpu.vector_load %arg17[%get3A_464, %get3A_465] {strides = array<i32>} : memref<8x128xf32, #tpu.memory_space<vmem>>, vector<1x16xf32>,
      %get3A_467 = vector.shape_cast %get3A_466 : vector<1x16xf32> to vector<16xf32>
      %mul3A_468 = arith.mulf %get3A_467, %select_n3A_390 : vector<16xf32>
      %get3A_469 = arith.constant 1 : i32
      %get3A_470 = arith.index_cast %get3A_469 : i32 to index
      %get3A_471 = arith.constant 48 : index
      %get3A_472 = tpu.vector_load %arg19[%get3A_470, %get3A_471] {strides = array<i32>} : memref<8x128xf32, #tpu.memory_space<vmem>>, vector<1x16xf32>,
      %get3A_473 = vector.shape_cast %get3A_472 : vector<1x16xf32> to vector<16xf32>
      %add3A_474 = arith.addf %mul3A_468, %get3A_473 : vector<16xf32>
      %get3A_475 = arith.constant 1 : i32
      %get3A_476 = arith.index_cast %get3A_475 : i32 to index
      %get3A_477 = arith.constant 48 : index
      %get3A_478 = tpu.vector_load %arg18[%get3A_476, %get3A_477] {strides = array<i32>} : memref<8x128xf32, #tpu.memory_space<vmem>>, vector<1x16xf32>,
      %get3A_479 = vector.shape_cast %get3A_478 : vector<1x16xf32> to vector<16xf32>
      %add3A_480 = arith.addf %add3A_474, %get3A_479 : vector<16xf32>
      %swap3A_481 = arith.constant 1 : i32
      %swap3A_482 = arith.index_cast %swap3A_481 : i32 to index
      %swap3A_483 = arith.constant 48 : index
      %swap3A_484 = tpu.vector_load %arg20[%swap3A_482, %swap3A_483] {strides = array<i32>} : memref<8x128xf32, #tpu.memory_space<vmem>>, vector<1x16xf32>,
      %swap3A_485 = vector.shape_cast %swap3A_484 : vector<1x16xf32> to vector<16xf32>
      %swap3A_486 = vector.shape_cast %add3A_480 : vector<16xf32> to vector<1x16xf32>
      tpu.vector_store %arg20[%swap3A_482, %swap3A_483], %swap3A_486 {strides = array<i32>} : memref<8x128xf32, #tpu.memory_space<vmem>>, vector<1x16xf32>,
      %get3A_487 = arith.constant 1 : i32
      %get3A_488 = arith.index_cast %get3A_487 : i32 to index
      %get3A_489 = arith.constant 64 : index
      %get3A_490 = tpu.vector_load %arg17[%get3A_488, %get3A_489] {strides = array<i32>} : memref<8x128xf32, #tpu.memory_space<vmem>>, vector<1x16xf32>,
      %get3A_491 = vector.shape_cast %get3A_490 : vector<1x16xf32> to vector<16xf32>
      %mul3A_492 = arith.mulf %get3A_491, %select_n3A_390 : vector<16xf32>
      %get3A_493 = arith.constant 1 : i32
      %get3A_494 = arith.index_cast %get3A_493 : i32 to index
      %get3A_495 = arith.constant 64 : index
      %get3A_496 = tpu.vector_load %arg19[%get3A_494, %get3A_495] {strides = array<i32>} : memref<8x128xf32, #tpu.memory_space<vmem>>, vector<1x16xf32>,
      %get3A_497 = vector.shape_cast %get3A_496 : vector<1x16xf32> to vector<16xf32>
      %add3A_498 = arith.addf %mul3A_492, %get3A_497 : vector<16xf32>
      %get3A_499 = arith.constant 1 : i32
      %get3A_500 = arith.index_cast %get3A_499 : i32 to index
      %get3A_501 = arith.constant 64 : index
      %get3A_502 = tpu.vector_load %arg18[%get3A_500, %get3A_501] {strides = array<i32>} : memref<8x128xf32, #tpu.memory_space<vmem>>, vector<1x16xf32>,
      %get3A_503 = vector.shape_cast %get3A_502 : vector<1x16xf32> to vector<16xf32>
      %add3A_504 = arith.addf %add3A_498, %get3A_503 : vector<16xf32>
      %swap3A_505 = arith.constant 1 : i32
      %swap3A_506 = arith.index_cast %swap3A_505 : i32 to index
      %swap3A_507 = arith.constant 64 : index
      %swap3A_508 = tpu.vector_load %arg20[%swap3A_506, %swap3A_507] {strides = array<i32>} : memref<8x128xf32, #tpu.memory_space<vmem>>, vector<1x16xf32>,
      %swap3A_509 = vector.shape_cast %swap3A_508 : vector<1x16xf32> to vector<16xf32>
      %swap3A_510 = vector.shape_cast %add3A_504 : vector<16xf32> to vector<1x16xf32>
      tpu.vector_store %arg20[%swap3A_506, %swap3A_507], %swap3A_510 {strides = array<i32>} : memref<8x128xf32, #tpu.memory_space<vmem>>, vector<1x16xf32>,
      %get3A_511 = arith.constant 1 : i32
      %get3A_512 = arith.index_cast %get3A_511 : i32 to index
      %get3A_513 = arith.constant 80 : index
      %get3A_514 = tpu.vector_load %arg17[%get3A_512, %get3A_513] {strides = array<i32>} : memref<8x128xf32, #tpu.memory_space<vmem>>, vector<1x16xf32>,
      %get3A_515 = vector.shape_cast %get3A_514 : vector<1x16xf32> to vector<16xf32>
      %mul3A_516 = arith.mulf %get3A_515, %select_n3A_390 : vector<16xf32>
      %get3A_517 = arith.constant 1 : i32
      %get3A_518 = arith.index_cast %get3A_517 : i32 to index
      %get3A_519 = arith.constant 80 : index
      %get3A_520 = tpu.vector_load %arg19[%get3A_518, %get3A_519] {strides = array<i32>} : memref<8x128xf32, #tpu.memory_space<vmem>>, vector<1x16xf32>,
      %get3A_521 = vector.shape_cast %get3A_520 : vector<1x16xf32> to vector<16xf32>
      %add3A_522 = arith.addf %mul3A_516, %get3A_521 : vector<16xf32>
      %get3A_523 = arith.constant 1 : i32
      %get3A_524 = arith.index_cast %get3A_523 : i32 to index
      %get3A_525 = arith.constant 80 : index
      %get3A_526 = tpu.vector_load %arg18[%get3A_524, %get3A_525] {strides = array<i32>} : memref<8x128xf32, #tpu.memory_space<vmem>>, vector<1x16xf32>,
      %get3A_527 = vector.shape_cast %get3A_526 : vector<1x16xf32> to vector<16xf32>
      %add3A_528 = arith.addf %add3A_522, %get3A_527 : vector<16xf32>
      %swap3A_529 = arith.constant 1 : i32
      %swap3A_530 = arith.index_cast %swap3A_529 : i32 to index
      %swap3A_531 = arith.constant 80 : index
      %swap3A_532 = tpu.vector_load %arg20[%swap3A_530, %swap3A_531] {strides = array<i32>} : memref<8x128xf32, #tpu.memory_space<vmem>>, vector<1x16xf32>,
      %swap3A_533 = vector.shape_cast %swap3A_532 : vector<1x16xf32> to vector<16xf32>
      %swap3A_534 = vector.shape_cast %add3A_528 : vector<16xf32> to vector<1x16xf32>
      tpu.vector_store %arg20[%swap3A_530, %swap3A_531], %swap3A_534 {strides = array<i32>} : memref<8x128xf32, #tpu.memory_space<vmem>>, vector<1x16xf32>,
      %get3A_535 = arith.constant 1 : i32
      %get3A_536 = arith.index_cast %get3A_535 : i32 to index
      %get3A_537 = arith.constant 96 : index
      %get3A_538 = tpu.vector_load %arg17[%get3A_536, %get3A_537] {strides = array<i32>} : memref<8x128xf32, #tpu.memory_space<vmem>>, vector<1x16xf32>,
      %get3A_539 = vector.shape_cast %get3A_538 : vector<1x16xf32> to vector<16xf32>
      %mul3A_540 = arith.mulf %get3A_539, %select_n3A_390 : vector<16xf32>
      %get3A_541 = arith.constant 1 : i32
      %get3A_542 = arith.index_cast %get3A_541 : i32 to index
      %get3A_543 = arith.constant 96 : index
      %get3A_544 = tpu.vector_load %arg19[%get3A_542, %get3A_543] {strides = array<i32>} : memref<8x128xf32, #tpu.memory_space<vmem>>, vector<1x16xf32>,
      %get3A_545 = vector.shape_cast %get3A_544 : vector<1x16xf32> to vector<16xf32>
      %add3A_546 = arith.addf %mul3A_540, %get3A_545 : vector<16xf32>
      %get3A_547 = arith.constant 1 : i32
      %get3A_548 = arith.index_cast %get3A_547 : i32 to index
      %get3A_549 = arith.constant 96 : index
      %get3A_550 = tpu.vector_load %arg18[%get3A_548, %get3A_549] {strides = array<i32>} : memref<8x128xf32, #tpu.memory_space<vmem>>, vector<1x16xf32>,
      %get3A_551 = vector.shape_cast %get3A_550 : vector<1x16xf32> to vector<16xf32>
      %add3A_552 = arith.addf %add3A_546, %get3A_551 : vector<16xf32>
      %swap3A_553 = arith.constant 1 : i32
      %swap3A_554 = arith.index_cast %swap3A_553 : i32 to index
      %swap3A_555 = arith.constant 96 : index
      %swap3A_556 = tpu.vector_load %arg20[%swap3A_554, %swap3A_555] {strides = array<i32>} : memref<8x128xf32, #tpu.memory_space<vmem>>, vector<1x16xf32>,
      %swap3A_557 = vector.shape_cast %swap3A_556 : vector<1x16xf32> to vector<16xf32>
      %swap3A_558 = vector.shape_cast %add3A_552 : vector<16xf32> to vector<1x16xf32>
      tpu.vector_store %arg20[%swap3A_554, %swap3A_555], %swap3A_558 {strides = array<i32>} : memref<8x128xf32, #tpu.memory_space<vmem>>, vector<1x16xf32>,
      %get3A_559 = arith.constant 1 : i32
      %get3A_560 = arith.index_cast %get3A_559 : i32 to index
      %get3A_561 = arith.constant 112 : index
      %get3A_562 = tpu.vector_load %arg17[%get3A_560, %get3A_561] {strides = array<i32>} : memref<8x128xf32, #tpu.memory_space<vmem>>, vector<1x16xf32>,
      %get3A_563 = vector.shape_cast %get3A_562 : vector<1x16xf32> to vector<16xf32>
      %mul3A_564 = arith.mulf %get3A_563, %select_n3A_390 : vector<16xf32>
      %get3A_565 = arith.constant 1 : i32
      %get3A_566 = arith.index_cast %get3A_565 : i32 to index
      %get3A_567 = arith.constant 112 : index
      %get3A_568 = tpu.vector_load %arg19[%get3A_566, %get3A_567] {strides = array<i32>} : memref<8x128xf32, #tpu.memory_space<vmem>>, vector<1x16xf32>,
      %get3A_569 = vector.shape_cast %get3A_568 : vector<1x16xf32> to vector<16xf32>
      %add3A_570 = arith.addf %mul3A_564, %get3A_569 : vector<16xf32>
      %get3A_571 = arith.constant 1 : i32
      %get3A_572 = arith.index_cast %get3A_571 : i32 to index
      %get3A_573 = arith.constant 112 : index
      %get3A_574 = tpu.vector_load %arg18[%get3A_572, %get3A_573] {strides = array<i32>} : memref<8x128xf32, #tpu.memory_space<vmem>>, vector<1x16xf32>,
      %get3A_575 = vector.shape_cast %get3A_574 : vector<1x16xf32> to vector<16xf32>
      %add3A_576 = arith.addf %add3A_570, %get3A_575 : vector<16xf32>
      %swap3A_577 = arith.constant 1 : i32
      %swap3A_578 = arith.index_cast %swap3A_577 : i32 to index
      %swap3A_579 = arith.constant 112 : index
      %swap3A_580 = tpu.vector_load %arg20[%swap3A_578, %swap3A_579] {strides = array<i32>} : memref<8x128xf32, #tpu.memory_space<vmem>>, vector<1x16xf32>,
      %swap3A_581 = vector.shape_cast %swap3A_580 : vector<1x16xf32> to vector<16xf32>
      %swap3A_582 = vector.shape_cast %add3A_576 : vector<16xf32> to vector<1x16xf32>
      tpu.vector_store %arg20[%swap3A_578, %swap3A_579], %swap3A_582 {strides = array<i32>} : memref<8x128xf32, #tpu.memory_space<vmem>>, vector<1x16xf32>,
      %add3A_583 = arith.constant 2 : i32
      %add3A_584 = arith.addi %mul3A_0, %add3A_583 : i32
      %broadcast_in_dim3A_585 = vector.broadcast %add3A_584 : i32 to vector<16xi32>
      %lt3A_586 = arith.constant 29 : i32
      %lt3A_587 = vector.broadcast %lt3A_586 : i32 to vector<16xi32>
      %lt3A_588 = arith.cmpi slt, %broadcast_in_dim3A_585, %lt3A_587 : vector<16xi32>
      %jit3A_589 = arith.constant 1.000000e+00 : f32
      %jit3A_590 = arith.constant 0.000000e+00 : f32
      %broadcast_in_dim3A_591 = vector.broadcast %jit3A_589 : f32 to vector<16xf32>
      %broadcast_in_dim3A_592 = vector.broadcast %jit3A_590 : f32 to vector<16xf32>
      %select_n3A_593 = arith.select %lt3A_588, %broadcast_in_dim3A_591, %broadcast_in_dim3A_592 : vector<16xi1>, vector<16xf32>
      %get3A_594 = arith.constant 2 : i32
      %get3A_595 = arith.index_cast %get3A_594 : i32 to index
      %get3A_596 = arith.constant 0 : index
      %get3A_597 = tpu.vector_load %arg17[%get3A_595, %get3A_596] {strides = array<i32>} : memref<8x128xf32, #tpu.memory_space<vmem>>, vector<1x16xf32>,
      %get3A_598 = vector.shape_cast %get3A_597 : vector<1x16xf32> to vector<16xf32>
      %mul3A_599 = arith.mulf %get3A_598, %select_n3A_593 : vector<16xf32>
      %get3A_600 = arith.constant 2 : i32
      %get3A_601 = arith.index_cast %get3A_600 : i32 to index
      %get3A_602 = arith.constant 0 : index
      %get3A_603 = tpu.vector_load %arg19[%get3A_601, %get3A_602] {strides = array<i32>} : memref<8x128xf32, #tpu.memory_space<vmem>>, vector<1x16xf32>,
      %get3A_604 = vector.shape_cast %get3A_603 : vector<1x16xf32> to vector<16xf32>
      %add3A_605 = arith.addf %mul3A_599, %get3A_604 : vector<16xf32>
      %get3A_606 = arith.constant 2 : i32
      %get3A_607 = arith.index_cast %get3A_606 : i32 to index
      %get3A_608 = arith.constant 0 : index
      %get3A_609 = tpu.vector_load %arg18[%get3A_607, %get3A_608] {strides = array<i32>} : memref<8x128xf32, #tpu.memory_space<vmem>>, vector<1x16xf32>,
      %get3A_610 = vector.shape_cast %get3A_609 : vector<1x16xf32> to vector<16xf32>
      %add3A_611 = arith.addf %add3A_605, %get3A_610 : vector<16xf32>
      %swap3A_612 = arith.constant 2 : i32
      %swap3A_613 = arith.index_cast %swap3A_612 : i32 to index
      %swap3A_614 = arith.constant 0 : index
      %swap3A_615 = tpu.vector_load %arg20[%swap3A_613, %swap3A_614] {strides = array<i32>} : memref<8x128xf32, #tpu.memory_space<vmem>>, vector<1x16xf32>,
      %swap3A_616 = vector.shape_cast %swap3A_615 : vector<1x16xf32> to vector<16xf32>
      %swap3A_617 = vector.shape_cast %add3A_611 : vector<16xf32> to vector<1x16xf32>
      tpu.vector_store %arg20[%swap3A_613, %swap3A_614], %swap3A_617 {strides = array<i32>} : memref<8x128xf32, #tpu.memory_space<vmem>>, vector<1x16xf32>,
      %get3A_618 = arith.constant 2 : i32
      %get3A_619 = arith.index_cast %get3A_618 : i32 to index
      %get3A_620 = arith.constant 16 : index
      %get3A_621 = tpu.vector_load %arg17[%get3A_619, %get3A_620] {strides = array<i32>} : memref<8x128xf32, #tpu.memory_space<vmem>>, vector<1x16xf32>,
      %get3A_622 = vector.shape_cast %get3A_621 : vector<1x16xf32> to vector<16xf32>
      %mul3A_623 = arith.mulf %get3A_622, %select_n3A_593 : vector<16xf32>
      %get3A_624 = arith.constant 2 : i32
      %get3A_625 = arith.index_cast %get3A_624 : i32 to index
      %get3A_626 = arith.constant 16 : index
      %get3A_627 = tpu.vector_load %arg19[%get3A_625, %get3A_626] {strides = array<i32>} : memref<8x128xf32, #tpu.memory_space<vmem>>, vector<1x16xf32>,
      %get3A_628 = vector.shape_cast %get3A_627 : vector<1x16xf32> to vector<16xf32>
      %add3A_629 = arith.addf %mul3A_623, %get3A_628 : vector<16xf32>
      %get3A_630 = arith.constant 2 : i32
      %get3A_631 = arith.index_cast %get3A_630 : i32 to index
      %get3A_632 = arith.constant 16 : index
      %get3A_633 = tpu.vector_load %arg18[%get3A_631, %get3A_632] {strides = array<i32>} : memref<8x128xf32, #tpu.memory_space<vmem>>, vector<1x16xf32>,
      %get3A_634 = vector.shape_cast %get3A_633 : vector<1x16xf32> to vector<16xf32>
      %add3A_635 = arith.addf %add3A_629, %get3A_634 : vector<16xf32>
      %swap3A_636 = arith.constant 2 : i32
      %swap3A_637 = arith.index_cast %swap3A_636 : i32 to index
      %swap3A_638 = arith.constant 16 : index
      %swap3A_639 = tpu.vector_load %arg20[%swap3A_637, %swap3A_638] {strides = array<i32>} : memref<8x128xf32, #tpu.memory_space<vmem>>, vector<1x16xf32>,
      %swap3A_640 = vector.shape_cast %swap3A_639 : vector<1x16xf32> to vector<16xf32>
      %swap3A_641 = vector.shape_cast %add3A_635 : vector<16xf32> to vector<1x16xf32>
      tpu.vector_store %arg20[%swap3A_637, %swap3A_638], %swap3A_641 {strides = array<i32>} : memref<8x128xf32, #tpu.memory_space<vmem>>, vector<1x16xf32>,
      %get3A_642 = arith.constant 2 : i32
      %get3A_643 = arith.index_cast %get3A_642 : i32 to index
      %get3A_644 = arith.constant 32 : index
      %get3A_645 = tpu.vector_load %arg17[%get3A_643, %get3A_644] {strides = array<i32>} : memref<8x128xf32, #tpu.memory_space<vmem>>, vector<1x16xf32>,
      %get3A_646 = vector.shape_cast %get3A_645 : vector<1x16xf32> to vector<16xf32>
      %mul3A_647 = arith.mulf %get3A_646, %select_n3A_593 : vector<16xf32>
      %get3A_648 = arith.constant 2 : i32
      %get3A_649 = arith.index_cast %get3A_648 : i32 to index
      %get3A_650 = arith.constant 32 : index
      %get3A_651 = tpu.vector_load %arg19[%get3A_649, %get3A_650] {strides = array<i32>} : memref<8x128xf32, #tpu.memory_space<vmem>>, vector<1x16xf32>,
      %get3A_652 = vector.shape_cast %get3A_651 : vector<1x16xf32> to vector<16xf32>
      %add3A_653 = arith.addf %mul3A_647, %get3A_652 : vector<16xf32>
      %get3A_654 = arith.constant 2 : i32
      %get3A_655 = arith.index_cast %get3A_654 : i32 to index
      %get3A_656 = arith.constant 32 : index
      %get3A_657 = tpu.vector_load %arg18[%get3A_655, %get3A_656] {strides = array<i32>} : memref<8x128xf32, #tpu.memory_space<vmem>>, vector<1x16xf32>,
      %get3A_658 = vector.shape_cast %get3A_657 : vector<1x16xf32> to vector<16xf32>
      %add3A_659 = arith.addf %add3A_653, %get3A_658 : vector<16xf32>
      %swap3A_660 = arith.constant 2 : i32
      %swap3A_661 = arith.index_cast %swap3A_660 : i32 to index
      %swap3A_662 = arith.constant 32 : index
      %swap3A_663 = tpu.vector_load %arg20[%swap3A_661, %swap3A_662] {strides = array<i32>} : memref<8x128xf32, #tpu.memory_space<vmem>>, vector<1x16xf32>,
      %swap3A_664 = vector.shape_cast %swap3A_663 : vector<1x16xf32> to vector<16xf32>
      %swap3A_665 = vector.shape_cast %add3A_659 : vector<16xf32> to vector<1x16xf32>
      tpu.vector_store %arg20[%swap3A_661, %swap3A_662], %swap3A_665 {strides = array<i32>} : memref<8x128xf32, #tpu.memory_space<vmem>>, vector<1x16xf32>,
      %get3A_666 = arith.constant 2 : i32
      %get3A_667 = arith.index_cast %get3A_666 : i32 to index
      %get3A_668 = arith.constant 48 : index
      %get3A_669 = tpu.vector_load %arg17[%get3A_667, %get3A_668] {strides = array<i32>} : memref<8x128xf32, #tpu.memory_space<vmem>>, vector<1x16xf32>,
      %get3A_670 = vector.shape_cast %get3A_669 : vector<1x16xf32> to vector<16xf32>
      %mul3A_671 = arith.mulf %get3A_670, %select_n3A_593 : vector<16xf32>
      %get3A_672 = arith.constant 2 : i32
      %get3A_673 = arith.index_cast %get3A_672 : i32 to index
      %get3A_674 = arith.constant 48 : index
      %get3A_675 = tpu.vector_load %arg19[%get3A_673, %get3A_674] {strides = array<i32>} : memref<8x128xf32, #tpu.memory_space<vmem>>, vector<1x16xf32>,
      %get3A_676 = vector.shape_cast %get3A_675 : vector<1x16xf32> to vector<16xf32>
      %add3A_677 = arith.addf %mul3A_671, %get3A_676 : vector<16xf32>
      %get3A_678 = arith.constant 2 : i32
      %get3A_679 = arith.index_cast %get3A_678 : i32 to index
      %get3A_680 = arith.constant 48 : index
      %get3A_681 = tpu.vector_load %arg18[%get3A_679, %get3A_680] {strides = array<i32>} : memref<8x128xf32, #tpu.memory_space<vmem>>, vector<1x16xf32>,
      %get3A_682 = vector.shape_cast %get3A_681 : vector<1x16xf32> to vector<16xf32>
      %add3A_683 = arith.addf %add3A_677, %get3A_682 : vector<16xf32>
      %swap3A_684 = arith.constant 2 : i32
      %swap3A_685 = arith.index_cast %swap3A_684 : i32 to index
      %swap3A_686 = arith.constant 48 : index
      %swap3A_687 = tpu.vector_load %arg20[%swap3A_685, %swap3A_686] {strides = array<i32>} : memref<8x128xf32, #tpu.memory_space<vmem>>, vector<1x16xf32>,
      %swap3A_688 = vector.shape_cast %swap3A_687 : vector<1x16xf32> to vector<16xf32>
      %swap3A_689 = vector.shape_cast %add3A_683 : vector<16xf32> to vector<1x16xf32>
      tpu.vector_store %arg20[%swap3A_685, %swap3A_686], %swap3A_689 {strides = array<i32>} : memref<8x128xf32, #tpu.memory_space<vmem>>, vector<1x16xf32>,
      %get3A_690 = arith.constant 2 : i32
      %get3A_691 = arith.index_cast %get3A_690 : i32 to index
      %get3A_692 = arith.constant 64 : index
      %get3A_693 = tpu.vector_load %arg17[%get3A_691, %get3A_692] {strides = array<i32>} : memref<8x128xf32, #tpu.memory_space<vmem>>, vector<1x16xf32>,
      %get3A_694 = vector.shape_cast %get3A_693 : vector<1x16xf32> to vector<16xf32>
      %mul3A_695 = arith.mulf %get3A_694, %select_n3A_593 : vector<16xf32>
      %get3A_696 = arith.constant 2 : i32
      %get3A_697 = arith.index_cast %get3A_696 : i32 to index
      %get3A_698 = arith.constant 64 : index
      %get3A_699 = tpu.vector_load %arg19[%get3A_697, %get3A_698] {strides = array<i32>} : memref<8x128xf32, #tpu.memory_space<vmem>>, vector<1x16xf32>,
      %get3A_700 = vector.shape_cast %get3A_699 : vector<1x16xf32> to vector<16xf32>
      %add3A_701 = arith.addf %mul3A_695, %get3A_700 : vector<16xf32>
      %get3A_702 = arith.constant 2 : i32
      %get3A_703 = arith.index_cast %get3A_702 : i32 to index
      %get3A_704 = arith.constant 64 : index
      %get3A_705 = tpu.vector_load %arg18[%get3A_703, %get3A_704] {strides = array<i32>} : memref<8x128xf32, #tpu.memory_space<vmem>>, vector<1x16xf32>,
      %get3A_706 = vector.shape_cast %get3A_705 : vector<1x16xf32> to vector<16xf32>
      %add3A_707 = arith.addf %add3A_701, %get3A_706 : vector<16xf32>
      %swap3A_708 = arith.constant 2 : i32
      %swap3A_709 = arith.index_cast %swap3A_708 : i32 to index
      %swap3A_710 = arith.constant 64 : index
      %swap3A_711 = tpu.vector_load %arg20[%swap3A_709, %swap3A_710] {strides = array<i32>} : memref<8x128xf32, #tpu.memory_space<vmem>>, vector<1x16xf32>,
      %swap3A_712 = vector.shape_cast %swap3A_711 : vector<1x16xf32> to vector<16xf32>
      %swap3A_713 = vector.shape_cast %add3A_707 : vector<16xf32> to vector<1x16xf32>
      tpu.vector_store %arg20[%swap3A_709, %swap3A_710], %swap3A_713 {strides = array<i32>} : memref<8x128xf32, #tpu.memory_space<vmem>>, vector<1x16xf32>,
      %get3A_714 = arith.constant 2 : i32
      %get3A_715 = arith.index_cast %get3A_714 : i32 to index
      %get3A_716 = arith.constant 80 : index
      %get3A_717 = tpu.vector_load %arg17[%get3A_715, %get3A_716] {strides = array<i32>} : memref<8x128xf32, #tpu.memory_space<vmem>>, vector<1x16xf32>,
      %get3A_718 = vector.shape_cast %get3A_717 : vector<1x16xf32> to vector<16xf32>
      %mul3A_719 = arith.mulf %get3A_718, %select_n3A_593 : vector<16xf32>
      %get3A_720 = arith.constant 2 : i32
      %get3A_721 = arith.index_cast %get3A_720 : i32 to index
      %get3A_722 = arith.constant 80 : index
      %get3A_723 = tpu.vector_load %arg19[%get3A_721, %get3A_722] {strides = array<i32>} : memref<8x128xf32, #tpu.memory_space<vmem>>, vector<1x16xf32>,
      %get3A_724 = vector.shape_cast %get3A_723 : vector<1x16xf32> to vector<16xf32>
      %add3A_725 = arith.addf %mul3A_719, %get3A_724 : vector<16xf32>
      %get3A_726 = arith.constant 2 : i32
      %get3A_727 = arith.index_cast %get3A_726 : i32 to index
      %get3A_728 = arith.constant 80 : index
      %get3A_729 = tpu.vector_load %arg18[%get3A_727, %get3A_728] {strides = array<i32>} : memref<8x128xf32, #tpu.memory_space<vmem>>, vector<1x16xf32>,
      %get3A_730 = vector.shape_cast %get3A_729 : vector<1x16xf32> to vector<16xf32>
      %add3A_731 = arith.addf %add3A_725, %get3A_730 : vector<16xf32>
      %swap3A_732 = arith.constant 2 : i32
      %swap3A_733 = arith.index_cast %swap3A_732 : i32 to index
      %swap3A_734 = arith.constant 80 : index
      %swap3A_735 = tpu.vector_load %arg20[%swap3A_733, %swap3A_734] {strides = array<i32>} : memref<8x128xf32, #tpu.memory_space<vmem>>, vector<1x16xf32>,
      %swap3A_736 = vector.shape_cast %swap3A_735 : vector<1x16xf32> to vector<16xf32>
      %swap3A_737 = vector.shape_cast %add3A_731 : vector<16xf32> to vector<1x16xf32>
      tpu.vector_store %arg20[%swap3A_733, %swap3A_734], %swap3A_737 {strides = array<i32>} : memref<8x128xf32, #tpu.memory_space<vmem>>, vector<1x16xf32>,
      %get3A_738 = arith.constant 2 : i32
      %get3A_739 = arith.index_cast %get3A_738 : i32 to index
      %get3A_740 = arith.constant 96 : index
      %get3A_741 = tpu.vector_load %arg17[%get3A_739, %get3A_740] {strides = array<i32>} : memref<8x128xf32, #tpu.memory_space<vmem>>, vector<1x16xf32>,
      %get3A_742 = vector.shape_cast %get3A_741 : vector<1x16xf32> to vector<16xf32>
      %mul3A_743 = arith.mulf %get3A_742, %select_n3A_593 : vector<16xf32>
      %get3A_744 = arith.constant 2 : i32
      %get3A_745 = arith.index_cast %get3A_744 : i32 to index
      %get3A_746 = arith.constant 96 : index
      %get3A_747 = tpu.vector_load %arg19[%get3A_745, %get3A_746] {strides = array<i32>} : memref<8x128xf32, #tpu.memory_space<vmem>>, vector<1x16xf32>,
      %get3A_748 = vector.shape_cast %get3A_747 : vector<1x16xf32> to vector<16xf32>
      %add3A_749 = arith.addf %mul3A_743, %get3A_748 : vector<16xf32>
      %get3A_750 = arith.constant 2 : i32
      %get3A_751 = arith.index_cast %get3A_750 : i32 to index
      %get3A_752 = arith.constant 96 : index
      %get3A_753 = tpu.vector_load %arg18[%get3A_751, %get3A_752] {strides = array<i32>} : memref<8x128xf32, #tpu.memory_space<vmem>>, vector<1x16xf32>,
      %get3A_754 = vector.shape_cast %get3A_753 : vector<1x16xf32> to vector<16xf32>
      %add3A_755 = arith.addf %add3A_749, %get3A_754 : vector<16xf32>
      %swap3A_756 = arith.constant 2 : i32
      %swap3A_757 = arith.index_cast %swap3A_756 : i32 to index
      %swap3A_758 = arith.constant 96 : index
      %swap3A_759 = tpu.vector_load %arg20[%swap3A_757, %swap3A_758] {strides = array<i32>} : memref<8x128xf32, #tpu.memory_space<vmem>>, vector<1x16xf32>,
      %swap3A_760 = vector.shape_cast %swap3A_759 : vector<1x16xf32> to vector<16xf32>
      %swap3A_761 = vector.shape_cast %add3A_755 : vector<16xf32> to vector<1x16xf32>
      tpu.vector_store %arg20[%swap3A_757, %swap3A_758], %swap3A_761 {strides = array<i32>} : memref<8x128xf32, #tpu.memory_space<vmem>>, vector<1x16xf32>,
      %get3A_762 = arith.constant 2 : i32
      %get3A_763 = arith.index_cast %get3A_762 : i32 to index
      %get3A_764 = arith.constant 112 : index
      %get3A_765 = tpu.vector_load %arg17[%get3A_763, %get3A_764] {strides = array<i32>} : memref<8x128xf32, #tpu.memory_space<vmem>>, vector<1x16xf32>,
      %get3A_766 = vector.shape_cast %get3A_765 : vector<1x16xf32> to vector<16xf32>
      %mul3A_767 = arith.mulf %get3A_766, %select_n3A_593 : vector<16xf32>
      %get3A_768 = arith.constant 2 : i32
      %get3A_769 = arith.index_cast %get3A_768 : i32 to index
      %get3A_770 = arith.constant 112 : index
      %get3A_771 = tpu.vector_load %arg19[%get3A_769, %get3A_770] {strides = array<i32>} : memref<8x128xf32, #tpu.memory_space<vmem>>, vector<1x16xf32>,
      %get3A_772 = vector.shape_cast %get3A_771 : vector<1x16xf32> to vector<16xf32>
      %add3A_773 = arith.addf %mul3A_767, %get3A_772 : vector<16xf32>
      %get3A_774 = arith.constant 2 : i32
      %get3A_775 = arith.index_cast %get3A_774 : i32 to index
      %get3A_776 = arith.constant 112 : index
      %get3A_777 = tpu.vector_load %arg18[%get3A_775, %get3A_776] {strides = array<i32>} : memref<8x128xf32, #tpu.memory_space<vmem>>, vector<1x16xf32>,
      %get3A_778 = vector.shape_cast %get3A_777 : vector<1x16xf32> to vector<16xf32>
      %add3A_779 = arith.addf %add3A_773, %get3A_778 : vector<16xf32>
      %swap3A_780 = arith.constant 2 : i32
      %swap3A_781 = arith.index_cast %swap3A_780 : i32 to index
      %swap3A_782 = arith.constant 112 : index
      %swap3A_783 = tpu.vector_load %arg20[%swap3A_781, %swap3A_782] {strides = array<i32>} : memref<8x128xf32, #tpu.memory_space<vmem>>, vector<1x16xf32>,
      %swap3A_784 = vector.shape_cast %swap3A_783 : vector<1x16xf32> to vector<16xf32>
      %swap3A_785 = vector.shape_cast %add3A_779 : vector<16xf32> to vector<1x16xf32>
      tpu.vector_store %arg20[%swap3A_781, %swap3A_782], %swap3A_785 {strides = array<i32>} : memref<8x128xf32, #tpu.memory_space<vmem>>, vector<1x16xf32>,
      %add3A_786 = arith.constant 3 : i32
      %add3A_787 = arith.addi %mul3A_0, %add3A_786 : i32
      %broadcast_in_dim3A_788 = vector.broadcast %add3A_787 : i32 to vector<16xi32>
      %lt3A_789 = arith.constant 29 : i32
      %lt3A_790 = vector.broadcast %lt3A_789 : i32 to vector<16xi32>
      %lt3A_791 = arith.cmpi slt, %broadcast_in_dim3A_788, %lt3A_790 : vector<16xi32>
      %jit3A_792 = arith.constant 1.000000e+00 : f32
      %jit3A_793 = arith.constant 0.000000e+00 : f32
      %broadcast_in_dim3A_794 = vector.broadcast %jit3A_792 : f32 to vector<16xf32>
      %broadcast_in_dim3A_795 = vector.broadcast %jit3A_793 : f32 to vector<16xf32>
      %select_n3A_796 = arith.select %lt3A_791, %broadcast_in_dim3A_794, %broadcast_in_dim3A_795 : vector<16xi1>, vector<16xf32>
      %get3A_797 = arith.constant 3 : i32
      %get3A_798 = arith.index_cast %get3A_797 : i32 to index
      %get3A_799 = arith.constant 0 : index
      %get3A_800 = tpu.vector_load %arg17[%get3A_798, %get3A_799] {strides = array<i32>} : memref<8x128xf32, #tpu.memory_space<vmem>>, vector<1x16xf32>,
      %get3A_801 = vector.shape_cast %get3A_800 : vector<1x16xf32> to vector<16xf32>
      %mul3A_802 = arith.mulf %get3A_801, %select_n3A_796 : vector<16xf32>
      %get3A_803 = arith.constant 3 : i32
      %get3A_804 = arith.index_cast %get3A_803 : i32 to index
      %get3A_805 = arith.constant 0 : index
      %get3A_806 = tpu.vector_load %arg19[%get3A_804, %get3A_805] {strides = array<i32>} : memref<8x128xf32, #tpu.memory_space<vmem>>, vector<1x16xf32>,
      %get3A_807 = vector.shape_cast %get3A_806 : vector<1x16xf32> to vector<16xf32>
      %add3A_808 = arith.addf %mul3A_802, %get3A_807 : vector<16xf32>
      %get3A_809 = arith.constant 3 : i32
      %get3A_810 = arith.index_cast %get3A_809 : i32 to index
      %get3A_811 = arith.constant 0 : index
      %get3A_812 = tpu.vector_load %arg18[%get3A_810, %get3A_811] {strides = array<i32>} : memref<8x128xf32, #tpu.memory_space<vmem>>, vector<1x16xf32>,
      %get3A_813 = vector.shape_cast %get3A_812 : vector<1x16xf32> to vector<16xf32>
      %add3A_814 = arith.addf %add3A_808, %get3A_813 : vector<16xf32>
      %swap3A_815 = arith.constant 3 : i32
      %swap3A_816 = arith.index_cast %swap3A_815 : i32 to index
      %swap3A_817 = arith.constant 0 : index
      %swap3A_818 = tpu.vector_load %arg20[%swap3A_816, %swap3A_817] {strides = array<i32>} : memref<8x128xf32, #tpu.memory_space<vmem>>, vector<1x16xf32>,
      %swap3A_819 = vector.shape_cast %swap3A_818 : vector<1x16xf32> to vector<16xf32>
      %swap3A_820 = vector.shape_cast %add3A_814 : vector<16xf32> to vector<1x16xf32>
      tpu.vector_store %arg20[%swap3A_816, %swap3A_817], %swap3A_820 {strides = array<i32>} : memref<8x128xf32, #tpu.memory_space<vmem>>, vector<1x16xf32>,
      %get3A_821 = arith.constant 3 : i32
      %get3A_822 = arith.index_cast %get3A_821 : i32 to index
      %get3A_823 = arith.constant 16 : index
      %get3A_824 = tpu.vector_load %arg17[%get3A_822, %get3A_823] {strides = array<i32>} : memref<8x128xf32, #tpu.memory_space<vmem>>, vector<1x16xf32>,
      %get3A_825 = vector.shape_cast %get3A_824 : vector<1x16xf32> to vector<16xf32>
      %mul3A_826 = arith.mulf %get3A_825, %select_n3A_796 : vector<16xf32>
      %get3A_827 = arith.constant 3 : i32
      %get3A_828 = arith.index_cast %get3A_827 : i32 to index
      %get3A_829 = arith.constant 16 : index
      %get3A_830 = tpu.vector_load %arg19[%get3A_828, %get3A_829] {strides = array<i32>} : memref<8x128xf32, #tpu.memory_space<vmem>>, vector<1x16xf32>,
      %get3A_831 = vector.shape_cast %get3A_830 : vector<1x16xf32> to vector<16xf32>
      %add3A_832 = arith.addf %mul3A_826, %get3A_831 : vector<16xf32>
      %get3A_833 = arith.constant 3 : i32
      %get3A_834 = arith.index_cast %get3A_833 : i32 to index
      %get3A_835 = arith.constant 16 : index
      %get3A_836 = tpu.vector_load %arg18[%get3A_834, %get3A_835] {strides = array<i32>} : memref<8x128xf32, #tpu.memory_space<vmem>>, vector<1x16xf32>,
      %get3A_837 = vector.shape_cast %get3A_836 : vector<1x16xf32> to vector<16xf32>
      %add3A_838 = arith.addf %add3A_832, %get3A_837 : vector<16xf32>
      %swap3A_839 = arith.constant 3 : i32
      %swap3A_840 = arith.index_cast %swap3A_839 : i32 to index
      %swap3A_841 = arith.constant 16 : index
      %swap3A_842 = tpu.vector_load %arg20[%swap3A_840, %swap3A_841] {strides = array<i32>} : memref<8x128xf32, #tpu.memory_space<vmem>>, vector<1x16xf32>,
      %swap3A_843 = vector.shape_cast %swap3A_842 : vector<1x16xf32> to vector<16xf32>
      %swap3A_844 = vector.shape_cast %add3A_838 : vector<16xf32> to vector<1x16xf32>
      tpu.vector_store %arg20[%swap3A_840, %swap3A_841], %swap3A_844 {strides = array<i32>} : memref<8x128xf32, #tpu.memory_space<vmem>>, vector<1x16xf32>,
      %get3A_845 = arith.constant 3 : i32
      %get3A_846 = arith.index_cast %get3A_845 : i32 to index
      %get3A_847 = arith.constant 32 : index
      %get3A_848 = tpu.vector_load %arg17[%get3A_846, %get3A_847] {strides = array<i32>} : memref<8x128xf32, #tpu.memory_space<vmem>>, vector<1x16xf32>,
      %get3A_849 = vector.shape_cast %get3A_848 : vector<1x16xf32> to vector<16xf32>
      %mul3A_850 = arith.mulf %get3A_849, %select_n3A_796 : vector<16xf32>
      %get3A_851 = arith.constant 3 : i32
      %get3A_852 = arith.index_cast %get3A_851 : i32 to index
      %get3A_853 = arith.constant 32 : index
      %get3A_854 = tpu.vector_load %arg19[%get3A_852, %get3A_853] {strides = array<i32>} : memref<8x128xf32, #tpu.memory_space<vmem>>, vector<1x16xf32>,
      %get3A_855 = vector.shape_cast %get3A_854 : vector<1x16xf32> to vector<16xf32>
      %add3A_856 = arith.addf %mul3A_850, %get3A_855 : vector<16xf32>
      %get3A_857 = arith.constant 3 : i32
      %get3A_858 = arith.index_cast %get3A_857 : i32 to index
      %get3A_859 = arith.constant 32 : index
      %get3A_860 = tpu.vector_load %arg18[%get3A_858, %get3A_859] {strides = array<i32>} : memref<8x128xf32, #tpu.memory_space<vmem>>, vector<1x16xf32>,
      %get3A_861 = vector.shape_cast %get3A_860 : vector<1x16xf32> to vector<16xf32>
      %add3A_862 = arith.addf %add3A_856, %get3A_861 : vector<16xf32>
      %swap3A_863 = arith.constant 3 : i32
      %swap3A_864 = arith.index_cast %swap3A_863 : i32 to index
      %swap3A_865 = arith.constant 32 : index
      %swap3A_866 = tpu.vector_load %arg20[%swap3A_864, %swap3A_865] {strides = array<i32>} : memref<8x128xf32, #tpu.memory_space<vmem>>, vector<1x16xf32>,
      %swap3A_867 = vector.shape_cast %swap3A_866 : vector<1x16xf32> to vector<16xf32>
      %swap3A_868 = vector.shape_cast %add3A_862 : vector<16xf32> to vector<1x16xf32>
      tpu.vector_store %arg20[%swap3A_864, %swap3A_865], %swap3A_868 {strides = array<i32>} : memref<8x128xf32, #tpu.memory_space<vmem>>, vector<1x16xf32>,
      %get3A_869 = arith.constant 3 : i32
      %get3A_870 = arith.index_cast %get3A_869 : i32 to index
      %get3A_871 = arith.constant 48 : index
      %get3A_872 = tpu.vector_load %arg17[%get3A_870, %get3A_871] {strides = array<i32>} : memref<8x128xf32, #tpu.memory_space<vmem>>, vector<1x16xf32>,
      %get3A_873 = vector.shape_cast %get3A_872 : vector<1x16xf32> to vector<16xf32>
      %mul3A_874 = arith.mulf %get3A_873, %select_n3A_796 : vector<16xf32>
      %get3A_875 = arith.constant 3 : i32
      %get3A_876 = arith.index_cast %get3A_875 : i32 to index
      %get3A_877 = arith.constant 48 : index
      %get3A_878 = tpu.vector_load %arg19[%get3A_876, %get3A_877] {strides = array<i32>} : memref<8x128xf32, #tpu.memory_space<vmem>>, vector<1x16xf32>,
      %get3A_879 = vector.shape_cast %get3A_878 : vector<1x16xf32> to vector<16xf32>
      %add3A_880 = arith.addf %mul3A_874, %get3A_879 : vector<16xf32>
      %get3A_881 = arith.constant 3 : i32
      %get3A_882 = arith.index_cast %get3A_881 : i32 to index
      %get3A_883 = arith.constant 48 : index
      %get3A_884 = tpu.vector_load %arg18[%get3A_882, %get3A_883] {strides = array<i32>} : memref<8x128xf32, #tpu.memory_space<vmem>>, vector<1x16xf32>,
      %get3A_885 = vector.shape_cast %get3A_884 : vector<1x16xf32> to vector<16xf32>
      %add3A_886 = arith.addf %add3A_880, %get3A_885 : vector<16xf32>
      %swap3A_887 = arith.constant 3 : i32
      %swap3A_888 = arith.index_cast %swap3A_887 : i32 to index
      %swap3A_889 = arith.constant 48 : index
      %swap3A_890 = tpu.vector_load %arg20[%swap3A_888, %swap3A_889] {strides = array<i32>} : memref<8x128xf32, #tpu.memory_space<vmem>>, vector<1x16xf32>,
      %swap3A_891 = vector.shape_cast %swap3A_890 : vector<1x16xf32> to vector<16xf32>
      %swap3A_892 = vector.shape_cast %add3A_886 : vector<16xf32> to vector<1x16xf32>
      tpu.vector_store %arg20[%swap3A_888, %swap3A_889], %swap3A_892 {strides = array<i32>} : memref<8x128xf32, #tpu.memory_space<vmem>>, vector<1x16xf32>,
      %get3A_893 = arith.constant 3 : i32
      %get3A_894 = arith.index_cast %get3A_893 : i32 to index
      %get3A_895 = arith.constant 64 : index
      %get3A_896 = tpu.vector_load %arg17[%get3A_894, %get3A_895] {strides = array<i32>} : memref<8x128xf32, #tpu.memory_space<vmem>>, vector<1x16xf32>,
      %get3A_897 = vector.shape_cast %get3A_896 : vector<1x16xf32> to vector<16xf32>
      %mul3A_898 = arith.mulf %get3A_897, %select_n3A_796 : vector<16xf32>
      %get3A_899 = arith.constant 3 : i32
      %get3A_900 = arith.index_cast %get3A_899 : i32 to index
      %get3A_901 = arith.constant 64 : index
      %get3A_902 = tpu.vector_load %arg19[%get3A_900, %get3A_901] {strides = array<i32>} : memref<8x128xf32, #tpu.memory_space<vmem>>, vector<1x16xf32>,
      %get3A_903 = vector.shape_cast %get3A_902 : vector<1x16xf32> to vector<16xf32>
      %add3A_904 = arith.addf %mul3A_898, %get3A_903 : vector<16xf32>
      %get3A_905 = arith.constant 3 : i32
      %get3A_906 = arith.index_cast %get3A_905 : i32 to index
      %get3A_907 = arith.constant 64 : index
      %get3A_908 = tpu.vector_load %arg18[%get3A_906, %get3A_907] {strides = array<i32>} : memref<8x128xf32, #tpu.memory_space<vmem>>, vector<1x16xf32>,
      %get3A_909 = vector.shape_cast %get3A_908 : vector<1x16xf32> to vector<16xf32>
      %add3A_910 = arith.addf %add3A_904, %get3A_909 : vector<16xf32>
      %swap3A_911 = arith.constant 3 : i32
      %swap3A_912 = arith.index_cast %swap3A_911 : i32 to index
      %swap3A_913 = arith.constant 64 : index
      %swap3A_914 = tpu.vector_load %arg20[%swap3A_912, %swap3A_913] {strides = array<i32>} : memref<8x128xf32, #tpu.memory_space<vmem>>, vector<1x16xf32>,
      %swap3A_915 = vector.shape_cast %swap3A_914 : vector<1x16xf32> to vector<16xf32>
      %swap3A_916 = vector.shape_cast %add3A_910 : vector<16xf32> to vector<1x16xf32>
      tpu.vector_store %arg20[%swap3A_912, %swap3A_913], %swap3A_916 {strides = array<i32>} : memref<8x128xf32, #tpu.memory_space<vmem>>, vector<1x16xf32>,
      %get3A_917 = arith.constant 3 : i32
      %get3A_918 = arith.index_cast %get3A_917 : i32 to index
      %get3A_919 = arith.constant 80 : index
      %get3A_920 = tpu.vector_load %arg17[%get3A_918, %get3A_919] {strides = array<i32>} : memref<8x128xf32, #tpu.memory_space<vmem>>, vector<1x16xf32>,
      %get3A_921 = vector.shape_cast %get3A_920 : vector<1x16xf32> to vector<16xf32>
      %mul3A_922 = arith.mulf %get3A_921, %select_n3A_796 : vector<16xf32>
      %get3A_923 = arith.constant 3 : i32
      %get3A_924 = arith.index_cast %get3A_923 : i32 to index
      %get3A_925 = arith.constant 80 : index
      %get3A_926 = tpu.vector_load %arg19[%get3A_924, %get3A_925] {strides = array<i32>} : memref<8x128xf32, #tpu.memory_space<vmem>>, vector<1x16xf32>,
      %get3A_927 = vector.shape_cast %get3A_926 : vector<1x16xf32> to vector<16xf32>
      %add3A_928 = arith.addf %mul3A_922, %get3A_927 : vector<16xf32>
      %get3A_929 = arith.constant 3 : i32
      %get3A_930 = arith.index_cast %get3A_929 : i32 to index
      %get3A_931 = arith.constant 80 : index
      %get3A_932 = tpu.vector_load %arg18[%get3A_930, %get3A_931] {strides = array<i32>} : memref<8x128xf32, #tpu.memory_space<vmem>>, vector<1x16xf32>,
      %get3A_933 = vector.shape_cast %get3A_932 : vector<1x16xf32> to vector<16xf32>
      %add3A_934 = arith.addf %add3A_928, %get3A_933 : vector<16xf32>
      %swap3A_935 = arith.constant 3 : i32
      %swap3A_936 = arith.index_cast %swap3A_935 : i32 to index
      %swap3A_937 = arith.constant 80 : index
      %swap3A_938 = tpu.vector_load %arg20[%swap3A_936, %swap3A_937] {strides = array<i32>} : memref<8x128xf32, #tpu.memory_space<vmem>>, vector<1x16xf32>,
      %swap3A_939 = vector.shape_cast %swap3A_938 : vector<1x16xf32> to vector<16xf32>
      %swap3A_940 = vector.shape_cast %add3A_934 : vector<16xf32> to vector<1x16xf32>
      tpu.vector_store %arg20[%swap3A_936, %swap3A_937], %swap3A_940 {strides = array<i32>} : memref<8x128xf32, #tpu.memory_space<vmem>>, vector<1x16xf32>,
      %get3A_941 = arith.constant 3 : i32
      %get3A_942 = arith.index_cast %get3A_941 : i32 to index
      %get3A_943 = arith.constant 96 : index
      %get3A_944 = tpu.vector_load %arg17[%get3A_942, %get3A_943] {strides = array<i32>} : memref<8x128xf32, #tpu.memory_space<vmem>>, vector<1x16xf32>,
      %get3A_945 = vector.shape_cast %get3A_944 : vector<1x16xf32> to vector<16xf32>
      %mul3A_946 = arith.mulf %get3A_945, %select_n3A_796 : vector<16xf32>
      %get3A_947 = arith.constant 3 : i32
      %get3A_948 = arith.index_cast %get3A_947 : i32 to index
      %get3A_949 = arith.constant 96 : index
      %get3A_950 = tpu.vector_load %arg19[%get3A_948, %get3A_949] {strides = array<i32>} : memref<8x128xf32, #tpu.memory_space<vmem>>, vector<1x16xf32>,
      %get3A_951 = vector.shape_cast %get3A_950 : vector<1x16xf32> to vector<16xf32>
      %add3A_952 = arith.addf %mul3A_946, %get3A_951 : vector<16xf32>
      %get3A_953 = arith.constant 3 : i32
      %get3A_954 = arith.index_cast %get3A_953 : i32 to index
      %get3A_955 = arith.constant 96 : index
      %get3A_956 = tpu.vector_load %arg18[%get3A_954, %get3A_955] {strides = array<i32>} : memref<8x128xf32, #tpu.memory_space<vmem>>, vector<1x16xf32>,
      %get3A_957 = vector.shape_cast %get3A_956 : vector<1x16xf32> to vector<16xf32>
      %add3A_958 = arith.addf %add3A_952, %get3A_957 : vector<16xf32>
      %swap3A_959 = arith.constant 3 : i32
      %swap3A_960 = arith.index_cast %swap3A_959 : i32 to index
      %swap3A_961 = arith.constant 96 : index
      %swap3A_962 = tpu.vector_load %arg20[%swap3A_960, %swap3A_961] {strides = array<i32>} : memref<8x128xf32, #tpu.memory_space<vmem>>, vector<1x16xf32>,
      %swap3A_963 = vector.shape_cast %swap3A_962 : vector<1x16xf32> to vector<16xf32>
      %swap3A_964 = vector.shape_cast %add3A_958 : vector<16xf32> to vector<1x16xf32>
      tpu.vector_store %arg20[%swap3A_960, %swap3A_961], %swap3A_964 {strides = array<i32>} : memref<8x128xf32, #tpu.memory_space<vmem>>, vector<1x16xf32>,
      %get3A_965 = arith.constant 3 : i32
      %get3A_966 = arith.index_cast %get3A_965 : i32 to index
      %get3A_967 = arith.constant 112 : index
      %get3A_968 = tpu.vector_load %arg17[%get3A_966, %get3A_967] {strides = array<i32>} : memref<8x128xf32, #tpu.memory_space<vmem>>, vector<1x16xf32>,
      %get3A_969 = vector.shape_cast %get3A_968 : vector<1x16xf32> to vector<16xf32>
      %mul3A_970 = arith.mulf %get3A_969, %select_n3A_796 : vector<16xf32>
      %get3A_971 = arith.constant 3 : i32
      %get3A_972 = arith.index_cast %get3A_971 : i32 to index
      %get3A_973 = arith.constant 112 : index
      %get3A_974 = tpu.vector_load %arg19[%get3A_972, %get3A_973] {strides = array<i32>} : memref<8x128xf32, #tpu.memory_space<vmem>>, vector<1x16xf32>,
      %get3A_975 = vector.shape_cast %get3A_974 : vector<1x16xf32> to vector<16xf32>
      %add3A_976 = arith.addf %mul3A_970, %get3A_975 : vector<16xf32>
      %get3A_977 = arith.constant 3 : i32
      %get3A_978 = arith.index_cast %get3A_977 : i32 to index
      %get3A_979 = arith.constant 112 : index
      %get3A_980 = tpu.vector_load %arg18[%get3A_978, %get3A_979] {strides = array<i32>} : memref<8x128xf32, #tpu.memory_space<vmem>>, vector<1x16xf32>,
      %get3A_981 = vector.shape_cast %get3A_980 : vector<1x16xf32> to vector<16xf32>
      %add3A_982 = arith.addf %add3A_976, %get3A_981 : vector<16xf32>
      %swap3A_983 = arith.constant 3 : i32
      %swap3A_984 = arith.index_cast %swap3A_983 : i32 to index
      %swap3A_985 = arith.constant 112 : index
      %swap3A_986 = tpu.vector_load %arg20[%swap3A_984, %swap3A_985] {strides = array<i32>} : memref<8x128xf32, #tpu.memory_space<vmem>>, vector<1x16xf32>,
      %swap3A_987 = vector.shape_cast %swap3A_986 : vector<1x16xf32> to vector<16xf32>
      %swap3A_988 = vector.shape_cast %add3A_982 : vector<16xf32> to vector<1x16xf32>
      tpu.vector_store %arg20[%swap3A_984, %swap3A_985], %swap3A_988 {strides = array<i32>} : memref<8x128xf32, #tpu.memory_space<vmem>>, vector<1x16xf32>,
      %add3A_989 = arith.constant 4 : i32
      %add3A_990 = arith.addi %mul3A_0, %add3A_989 : i32
      %broadcast_in_dim3A_991 = vector.broadcast %add3A_990 : i32 to vector<16xi32>
      %lt3A_992 = arith.constant 29 : i32
      %lt3A_993 = vector.broadcast %lt3A_992 : i32 to vector<16xi32>
      %lt3A_994 = arith.cmpi slt, %broadcast_in_dim3A_991, %lt3A_993 : vector<16xi32>
      %jit3A_995 = arith.constant 1.000000e+00 : f32
      %jit3A_996 = arith.constant 0.000000e+00 : f32
      %broadcast_in_dim3A_997 = vector.broadcast %jit3A_995 : f32 to vector<16xf32>
      %broadcast_in_dim3A_998 = vector.broadcast %jit3A_996 : f32 to vector<16xf32>
      %select_n3A_999 = arith.select %lt3A_994, %broadcast_in_dim3A_997, %broadcast_in_dim3A_998 : vector<16xi1>, vector<16xf32>
      %get3A_1000 = arith.constant 4 : i32
      %get3A_1001 = arith.index_cast %get3A_1000 : i32 to index
      %get3A_1002 = arith.constant 0 : index
      %get3A_1003 = tpu.vector_load %arg17[%get3A_1001, %get3A_1002] {strides = array<i32>} : memref<8x128xf32, #tpu.memory_space<vmem>>, vector<1x16xf32>,
      %get3A_1004 = vector.shape_cast %get3A_1003 : vector<1x16xf32> to vector<16xf32>
      %mul3A_1005 = arith.mulf %get3A_1004, %select_n3A_999 : vector<16xf32>
      %get3A_1006 = arith.constant 4 : i32
      %get3A_1007 = arith.index_cast %get3A_1006 : i32 to index
      %get3A_1008 = arith.constant 0 : index
      %get3A_1009 = tpu.vector_load %arg19[%get3A_1007, %get3A_1008] {strides = array<i32>} : memref<8x128xf32, #tpu.memory_space<vmem>>, vector<1x16xf32>,
      %get3A_1010 = vector.shape_cast %get3A_1009 : vector<1x16xf32> to vector<16xf32>
      %add3A_1011 = arith.addf %mul3A_1005, %get3A_1010 : vector<16xf32>
      %get3A_1012 = arith.constant 4 : i32
      %get3A_1013 = arith.index_cast %get3A_1012 : i32 to index
      %get3A_1014 = arith.constant 0 : index
      %get3A_1015 = tpu.vector_load %arg18[%get3A_1013, %get3A_1014] {strides = array<i32>} : memref<8x128xf32, #tpu.memory_space<vmem>>, vector<1x16xf32>,
      %get3A_1016 = vector.shape_cast %get3A_1015 : vector<1x16xf32> to vector<16xf32>
      %add3A_1017 = arith.addf %add3A_1011, %get3A_1016 : vector<16xf32>
      %swap3A_1018 = arith.constant 4 : i32
      %swap3A_1019 = arith.index_cast %swap3A_1018 : i32 to index
      %swap3A_1020 = arith.constant 0 : index
      %swap3A_1021 = tpu.vector_load %arg20[%swap3A_1019, %swap3A_1020] {strides = array<i32>} : memref<8x128xf32, #tpu.memory_space<vmem>>, vector<1x16xf32>,
      %swap3A_1022 = vector.shape_cast %swap3A_1021 : vector<1x16xf32> to vector<16xf32>
      %swap3A_1023 = vector.shape_cast %add3A_1017 : vector<16xf32> to vector<1x16xf32>
      tpu.vector_store %arg20[%swap3A_1019, %swap3A_1020], %swap3A_1023 {strides = array<i32>} : memref<8x128xf32, #tpu.memory_space<vmem>>, vector<1x16xf32>,
      %get3A_1024 = arith.constant 4 : i32
      %get3A_1025 = arith.index_cast %get3A_1024 : i32 to index
      %get3A_1026 = arith.constant 16 : index
      %get3A_1027 = tpu.vector_load %arg17[%get3A_1025, %get3A_1026] {strides = array<i32>} : memref<8x128xf32, #tpu.memory_space<vmem>>, vector<1x16xf32>,
      %get3A_1028 = vector.shape_cast %get3A_1027 : vector<1x16xf32> to vector<16xf32>
      %mul3A_1029 = arith.mulf %get3A_1028, %select_n3A_999 : vector<16xf32>
      %get3A_1030 = arith.constant 4 : i32
      %get3A_1031 = arith.index_cast %get3A_1030 : i32 to index
      %get3A_1032 = arith.constant 16 : index
      %get3A_1033 = tpu.vector_load %arg19[%get3A_1031, %get3A_1032] {strides = array<i32>} : memref<8x128xf32, #tpu.memory_space<vmem>>, vector<1x16xf32>,
      %get3A_1034 = vector.shape_cast %get3A_1033 : vector<1x16xf32> to vector<16xf32>
      %add3A_1035 = arith.addf %mul3A_1029, %get3A_1034 : vector<16xf32>
      %get3A_1036 = arith.constant 4 : i32
      %get3A_1037 = arith.index_cast %get3A_1036 : i32 to index
      %get3A_1038 = arith.constant 16 : index
      %get3A_1039 = tpu.vector_load %arg18[%get3A_1037, %get3A_1038] {strides = array<i32>} : memref<8x128xf32, #tpu.memory_space<vmem>>, vector<1x16xf32>,
      %get3A_1040 = vector.shape_cast %get3A_1039 : vector<1x16xf32> to vector<16xf32>
      %add3A_1041 = arith.addf %add3A_1035, %get3A_1040 : vector<16xf32>
      %swap3A_1042 = arith.constant 4 : i32
      %swap3A_1043 = arith.index_cast %swap3A_1042 : i32 to index
      %swap3A_1044 = arith.constant 16 : index
      %swap3A_1045 = tpu.vector_load %arg20[%swap3A_1043, %swap3A_1044] {strides = array<i32>} : memref<8x128xf32, #tpu.memory_space<vmem>>, vector<1x16xf32>,
      %swap3A_1046 = vector.shape_cast %swap3A_1045 : vector<1x16xf32> to vector<16xf32>
      %swap3A_1047 = vector.shape_cast %add3A_1041 : vector<16xf32> to vector<1x16xf32>
      tpu.vector_store %arg20[%swap3A_1043, %swap3A_1044], %swap3A_1047 {strides = array<i32>} : memref<8x128xf32, #tpu.memory_space<vmem>>, vector<1x16xf32>,
      %get3A_1048 = arith.constant 4 : i32
      %get3A_1049 = arith.index_cast %get3A_1048 : i32 to index
      %get3A_1050 = arith.constant 32 : index
      %get3A_1051 = tpu.vector_load %arg17[%get3A_1049, %get3A_1050] {strides = array<i32>} : memref<8x128xf32, #tpu.memory_space<vmem>>, vector<1x16xf32>,
      %get3A_1052 = vector.shape_cast %get3A_1051 : vector<1x16xf32> to vector<16xf32>
      %mul3A_1053 = arith.mulf %get3A_1052, %select_n3A_999 : vector<16xf32>
      %get3A_1054 = arith.constant 4 : i32
      %get3A_1055 = arith.index_cast %get3A_1054 : i32 to index
      %get3A_1056 = arith.constant 32 : index
      %get3A_1057 = tpu.vector_load %arg19[%get3A_1055, %get3A_1056] {strides = array<i32>} : memref<8x128xf32, #tpu.memory_space<vmem>>, vector<1x16xf32>,
      %get3A_1058 = vector.shape_cast %get3A_1057 : vector<1x16xf32> to vector<16xf32>
      %add3A_1059 = arith.addf %mul3A_1053, %get3A_1058 : vector<16xf32>
      %get3A_1060 = arith.constant 4 : i32
      %get3A_1061 = arith.index_cast %get3A_1060 : i32 to index
      %get3A_1062 = arith.constant 32 : index
      %get3A_1063 = tpu.vector_load %arg18[%get3A_1061, %get3A_1062] {strides = array<i32>} : memref<8x128xf32, #tpu.memory_space<vmem>>, vector<1x16xf32>,
      %get3A_1064 = vector.shape_cast %get3A_1063 : vector<1x16xf32> to vector<16xf32>
      %add3A_1065 = arith.addf %add3A_1059, %get3A_1064 : vector<16xf32>
      %swap3A_1066 = arith.constant 4 : i32
      %swap3A_1067 = arith.index_cast %swap3A_1066 : i32 to index
      %swap3A_1068 = arith.constant 32 : index
      %swap3A_1069 = tpu.vector_load %arg20[%swap3A_1067, %swap3A_1068] {strides = array<i32>} : memref<8x128xf32, #tpu.memory_space<vmem>>, vector<1x16xf32>,
      %swap3A_1070 = vector.shape_cast %swap3A_1069 : vector<1x16xf32> to vector<16xf32>
      %swap3A_1071 = vector.shape_cast %add3A_1065 : vector<16xf32> to vector<1x16xf32>
      tpu.vector_store %arg20[%swap3A_1067, %swap3A_1068], %swap3A_1071 {strides = array<i32>} : memref<8x128xf32, #tpu.memory_space<vmem>>, vector<1x16xf32>,
      %get3A_1072 = arith.constant 4 : i32
      %get3A_1073 = arith.index_cast %get3A_1072 : i32 to index
      %get3A_1074 = arith.constant 48 : index
      %get3A_1075 = tpu.vector_load %arg17[%get3A_1073, %get3A_1074] {strides = array<i32>} : memref<8x128xf32, #tpu.memory_space<vmem>>, vector<1x16xf32>,
      %get3A_1076 = vector.shape_cast %get3A_1075 : vector<1x16xf32> to vector<16xf32>
      %mul3A_1077 = arith.mulf %get3A_1076, %select_n3A_999 : vector<16xf32>
      %get3A_1078 = arith.constant 4 : i32
      %get3A_1079 = arith.index_cast %get3A_1078 : i32 to index
      %get3A_1080 = arith.constant 48 : index
      %get3A_1081 = tpu.vector_load %arg19[%get3A_1079, %get3A_1080] {strides = array<i32>} : memref<8x128xf32, #tpu.memory_space<vmem>>, vector<1x16xf32>,
      %get3A_1082 = vector.shape_cast %get3A_1081 : vector<1x16xf32> to vector<16xf32>
      %add3A_1083 = arith.addf %mul3A_1077, %get3A_1082 : vector<16xf32>
      %get3A_1084 = arith.constant 4 : i32
      %get3A_1085 = arith.index_cast %get3A_1084 : i32 to index
      %get3A_1086 = arith.constant 48 : index
      %get3A_1087 = tpu.vector_load %arg18[%get3A_1085, %get3A_1086] {strides = array<i32>} : memref<8x128xf32, #tpu.memory_space<vmem>>, vector<1x16xf32>,
      %get3A_1088 = vector.shape_cast %get3A_1087 : vector<1x16xf32> to vector<16xf32>
      %add3A_1089 = arith.addf %add3A_1083, %get3A_1088 : vector<16xf32>
      %swap3A_1090 = arith.constant 4 : i32
      %swap3A_1091 = arith.index_cast %swap3A_1090 : i32 to index
      %swap3A_1092 = arith.constant 48 : index
      %swap3A_1093 = tpu.vector_load %arg20[%swap3A_1091, %swap3A_1092] {strides = array<i32>} : memref<8x128xf32, #tpu.memory_space<vmem>>, vector<1x16xf32>,
      %swap3A_1094 = vector.shape_cast %swap3A_1093 : vector<1x16xf32> to vector<16xf32>
      %swap3A_1095 = vector.shape_cast %add3A_1089 : vector<16xf32> to vector<1x16xf32>
      tpu.vector_store %arg20[%swap3A_1091, %swap3A_1092], %swap3A_1095 {strides = array<i32>} : memref<8x128xf32, #tpu.memory_space<vmem>>, vector<1x16xf32>,
      %get3A_1096 = arith.constant 4 : i32
      %get3A_1097 = arith.index_cast %get3A_1096 : i32 to index
      %get3A_1098 = arith.constant 64 : index
      %get3A_1099 = tpu.vector_load %arg17[%get3A_1097, %get3A_1098] {strides = array<i32>} : memref<8x128xf32, #tpu.memory_space<vmem>>, vector<1x16xf32>,
      %get3A_1100 = vector.shape_cast %get3A_1099 : vector<1x16xf32> to vector<16xf32>
      %mul3A_1101 = arith.mulf %get3A_1100, %select_n3A_999 : vector<16xf32>
      %get3A_1102 = arith.constant 4 : i32
      %get3A_1103 = arith.index_cast %get3A_1102 : i32 to index
      %get3A_1104 = arith.constant 64 : index
      %get3A_1105 = tpu.vector_load %arg19[%get3A_1103, %get3A_1104] {strides = array<i32>} : memref<8x128xf32, #tpu.memory_space<vmem>>, vector<1x16xf32>,
      %get3A_1106 = vector.shape_cast %get3A_1105 : vector<1x16xf32> to vector<16xf32>
      %add3A_1107 = arith.addf %mul3A_1101, %get3A_1106 : vector<16xf32>
      %get3A_1108 = arith.constant 4 : i32
      %get3A_1109 = arith.index_cast %get3A_1108 : i32 to index
      %get3A_1110 = arith.constant 64 : index
      %get3A_1111 = tpu.vector_load %arg18[%get3A_1109, %get3A_1110] {strides = array<i32>} : memref<8x128xf32, #tpu.memory_space<vmem>>, vector<1x16xf32>,
      %get3A_1112 = vector.shape_cast %get3A_1111 : vector<1x16xf32> to vector<16xf32>
      %add3A_1113 = arith.addf %add3A_1107, %get3A_1112 : vector<16xf32>
      %swap3A_1114 = arith.constant 4 : i32
      %swap3A_1115 = arith.index_cast %swap3A_1114 : i32 to index
      %swap3A_1116 = arith.constant 64 : index
      %swap3A_1117 = tpu.vector_load %arg20[%swap3A_1115, %swap3A_1116] {strides = array<i32>} : memref<8x128xf32, #tpu.memory_space<vmem>>, vector<1x16xf32>,
      %swap3A_1118 = vector.shape_cast %swap3A_1117 : vector<1x16xf32> to vector<16xf32>
      %swap3A_1119 = vector.shape_cast %add3A_1113 : vector<16xf32> to vector<1x16xf32>
      tpu.vector_store %arg20[%swap3A_1115, %swap3A_1116], %swap3A_1119 {strides = array<i32>} : memref<8x128xf32, #tpu.memory_space<vmem>>, vector<1x16xf32>,
      %get3A_1120 = arith.constant 4 : i32
      %get3A_1121 = arith.index_cast %get3A_1120 : i32 to index
      %get3A_1122 = arith.constant 80 : index
      %get3A_1123 = tpu.vector_load %arg17[%get3A_1121, %get3A_1122] {strides = array<i32>} : memref<8x128xf32, #tpu.memory_space<vmem>>, vector<1x16xf32>,
      %get3A_1124 = vector.shape_cast %get3A_1123 : vector<1x16xf32> to vector<16xf32>
      %mul3A_1125 = arith.mulf %get3A_1124, %select_n3A_999 : vector<16xf32>
      %get3A_1126 = arith.constant 4 : i32
      %get3A_1127 = arith.index_cast %get3A_1126 : i32 to index
      %get3A_1128 = arith.constant 80 : index
      %get3A_1129 = tpu.vector_load %arg19[%get3A_1127, %get3A_1128] {strides = array<i32>} : memref<8x128xf32, #tpu.memory_space<vmem>>, vector<1x16xf32>,
      %get3A_1130 = vector.shape_cast %get3A_1129 : vector<1x16xf32> to vector<16xf32>
      %add3A_1131 = arith.addf %mul3A_1125, %get3A_1130 : vector<16xf32>
      %get3A_1132 = arith.constant 4 : i32
      %get3A_1133 = arith.index_cast %get3A_1132 : i32 to index
      %get3A_1134 = arith.constant 80 : index
      %get3A_1135 = tpu.vector_load %arg18[%get3A_1133, %get3A_1134] {strides = array<i32>} : memref<8x128xf32, #tpu.memory_space<vmem>>, vector<1x16xf32>,
      %get3A_1136 = vector.shape_cast %get3A_1135 : vector<1x16xf32> to vector<16xf32>
      %add3A_1137 = arith.addf %add3A_1131, %get3A_1136 : vector<16xf32>
      %swap3A_1138 = arith.constant 4 : i32
      %swap3A_1139 = arith.index_cast %swap3A_1138 : i32 to index
      %swap3A_1140 = arith.constant 80 : index
      %swap3A_1141 = tpu.vector_load %arg20[%swap3A_1139, %swap3A_1140] {strides = array<i32>} : memref<8x128xf32, #tpu.memory_space<vmem>>, vector<1x16xf32>,
      %swap3A_1142 = vector.shape_cast %swap3A_1141 : vector<1x16xf32> to vector<16xf32>
      %swap3A_1143 = vector.shape_cast %add3A_1137 : vector<16xf32> to vector<1x16xf32>
      tpu.vector_store %arg20[%swap3A_1139, %swap3A_1140], %swap3A_1143 {strides = array<i32>} : memref<8x128xf32, #tpu.memory_space<vmem>>, vector<1x16xf32>,
      %get3A_1144 = arith.constant 4 : i32
      %get3A_1145 = arith.index_cast %get3A_1144 : i32 to index
      %get3A_1146 = arith.constant 96 : index
      %get3A_1147 = tpu.vector_load %arg17[%get3A_1145, %get3A_1146] {strides = array<i32>} : memref<8x128xf32, #tpu.memory_space<vmem>>, vector<1x16xf32>,
      %get3A_1148 = vector.shape_cast %get3A_1147 : vector<1x16xf32> to vector<16xf32>
      %mul3A_1149 = arith.mulf %get3A_1148, %select_n3A_999 : vector<16xf32>
      %get3A_1150 = arith.constant 4 : i32
      %get3A_1151 = arith.index_cast %get3A_1150 : i32 to index
      %get3A_1152 = arith.constant 96 : index
      %get3A_1153 = tpu.vector_load %arg19[%get3A_1151, %get3A_1152] {strides = array<i32>} : memref<8x128xf32, #tpu.memory_space<vmem>>, vector<1x16xf32>,
      %get3A_1154 = vector.shape_cast %get3A_1153 : vector<1x16xf32> to vector<16xf32>
      %add3A_1155 = arith.addf %mul3A_1149, %get3A_1154 : vector<16xf32>
      %get3A_1156 = arith.constant 4 : i32
      %get3A_1157 = arith.index_cast %get3A_1156 : i32 to index
      %get3A_1158 = arith.constant 96 : index
      %get3A_1159 = tpu.vector_load %arg18[%get3A_1157, %get3A_1158] {strides = array<i32>} : memref<8x128xf32, #tpu.memory_space<vmem>>, vector<1x16xf32>,
      %get3A_1160 = vector.shape_cast %get3A_1159 : vector<1x16xf32> to vector<16xf32>
      %add3A_1161 = arith.addf %add3A_1155, %get3A_1160 : vector<16xf32>
      %swap3A_1162 = arith.constant 4 : i32
      %swap3A_1163 = arith.index_cast %swap3A_1162 : i32 to index
      %swap3A_1164 = arith.constant 96 : index
      %swap3A_1165 = tpu.vector_load %arg20[%swap3A_1163, %swap3A_1164] {strides = array<i32>} : memref<8x128xf32, #tpu.memory_space<vmem>>, vector<1x16xf32>,
      %swap3A_1166 = vector.shape_cast %swap3A_1165 : vector<1x16xf32> to vector<16xf32>
      %swap3A_1167 = vector.shape_cast %add3A_1161 : vector<16xf32> to vector<1x16xf32>
      tpu.vector_store %arg20[%swap3A_1163, %swap3A_1164], %swap3A_1167 {strides = array<i32>} : memref<8x128xf32, #tpu.memory_space<vmem>>, vector<1x16xf32>,
      %get3A_1168 = arith.constant 4 : i32
      %get3A_1169 = arith.index_cast %get3A_1168 : i32 to index
      %get3A_1170 = arith.constant 112 : index
      %get3A_1171 = tpu.vector_load %arg17[%get3A_1169, %get3A_1170] {strides = array<i32>} : memref<8x128xf32, #tpu.memory_space<vmem>>, vector<1x16xf32>,
      %get3A_1172 = vector.shape_cast %get3A_1171 : vector<1x16xf32> to vector<16xf32>
      %mul3A_1173 = arith.mulf %get3A_1172, %select_n3A_999 : vector<16xf32>
      %get3A_1174 = arith.constant 4 : i32
      %get3A_1175 = arith.index_cast %get3A_1174 : i32 to index
      %get3A_1176 = arith.constant 112 : index
      %get3A_1177 = tpu.vector_load %arg19[%get3A_1175, %get3A_1176] {strides = array<i32>} : memref<8x128xf32, #tpu.memory_space<vmem>>, vector<1x16xf32>,
      %get3A_1178 = vector.shape_cast %get3A_1177 : vector<1x16xf32> to vector<16xf32>
      %add3A_1179 = arith.addf %mul3A_1173, %get3A_1178 : vector<16xf32>
      %get3A_1180 = arith.constant 4 : i32
      %get3A_1181 = arith.index_cast %get3A_1180 : i32 to index
      %get3A_1182 = arith.constant 112 : index
      %get3A_1183 = tpu.vector_load %arg18[%get3A_1181, %get3A_1182] {strides = array<i32>} : memref<8x128xf32, #tpu.memory_space<vmem>>, vector<1x16xf32>,
      %get3A_1184 = vector.shape_cast %get3A_1183 : vector<1x16xf32> to vector<16xf32>
      %add3A_1185 = arith.addf %add3A_1179, %get3A_1184 : vector<16xf32>
      %swap3A_1186 = arith.constant 4 : i32
      %swap3A_1187 = arith.index_cast %swap3A_1186 : i32 to index
      %swap3A_1188 = arith.constant 112 : index
      %swap3A_1189 = tpu.vector_load %arg20[%swap3A_1187, %swap3A_1188] {strides = array<i32>} : memref<8x128xf32, #tpu.memory_space<vmem>>, vector<1x16xf32>,
      %swap3A_1190 = vector.shape_cast %swap3A_1189 : vector<1x16xf32> to vector<16xf32>
      %swap3A_1191 = vector.shape_cast %add3A_1185 : vector<16xf32> to vector<1x16xf32>
      tpu.vector_store %arg20[%swap3A_1187, %swap3A_1188], %swap3A_1191 {strides = array<i32>} : memref<8x128xf32, #tpu.memory_space<vmem>>, vector<1x16xf32>,
      %add3A_1192 = arith.constant 5 : i32
      %add3A_1193 = arith.addi %mul3A_0, %add3A_1192 : i32
      %broadcast_in_dim3A_1194 = vector.broadcast %add3A_1193 : i32 to vector<16xi32>
      %lt3A_1195 = arith.constant 29 : i32
      %lt3A_1196 = vector.broadcast %lt3A_1195 : i32 to vector<16xi32>
      %lt3A_1197 = arith.cmpi slt, %broadcast_in_dim3A_1194, %lt3A_1196 : vector<16xi32>
      %jit3A_1198 = arith.constant 1.000000e+00 : f32
      %jit3A_1199 = arith.constant 0.000000e+00 : f32
      %broadcast_in_dim3A_1200 = vector.broadcast %jit3A_1198 : f32 to vector<16xf32>
      %broadcast_in_dim3A_1201 = vector.broadcast %jit3A_1199 : f32 to vector<16xf32>
      %select_n3A_1202 = arith.select %lt3A_1197, %broadcast_in_dim3A_1200, %broadcast_in_dim3A_1201 : vector<16xi1>, vector<16xf32>
      %get3A_1203 = arith.constant 5 : i32
      %get3A_1204 = arith.index_cast %get3A_1203 : i32 to index
      %get3A_1205 = arith.constant 0 : index
      %get3A_1206 = tpu.vector_load %arg17[%get3A_1204, %get3A_1205] {strides = array<i32>} : memref<8x128xf32, #tpu.memory_space<vmem>>, vector<1x16xf32>,
      %get3A_1207 = vector.shape_cast %get3A_1206 : vector<1x16xf32> to vector<16xf32>
      %mul3A_1208 = arith.mulf %get3A_1207, %select_n3A_1202 : vector<16xf32>
      %get3A_1209 = arith.constant 5 : i32
      %get3A_1210 = arith.index_cast %get3A_1209 : i32 to index
      %get3A_1211 = arith.constant 0 : index
      %get3A_1212 = tpu.vector_load %arg19[%get3A_1210, %get3A_1211] {strides = array<i32>} : memref<8x128xf32, #tpu.memory_space<vmem>>, vector<1x16xf32>,
      %get3A_1213 = vector.shape_cast %get3A_1212 : vector<1x16xf32> to vector<16xf32>
      %add3A_1214 = arith.addf %mul3A_1208, %get3A_1213 : vector<16xf32>
      %get3A_1215 = arith.constant 5 : i32
      %get3A_1216 = arith.index_cast %get3A_1215 : i32 to index
      %get3A_1217 = arith.constant 0 : index
      %get3A_1218 = tpu.vector_load %arg18[%get3A_1216, %get3A_1217] {strides = array<i32>} : memref<8x128xf32, #tpu.memory_space<vmem>>, vector<1x16xf32>,
      %get3A_1219 = vector.shape_cast %get3A_1218 : vector<1x16xf32> to vector<16xf32>
      %add3A_1220 = arith.addf %add3A_1214, %get3A_1219 : vector<16xf32>
      %swap3A_1221 = arith.constant 5 : i32
      %swap3A_1222 = arith.index_cast %swap3A_1221 : i32 to index
      %swap3A_1223 = arith.constant 0 : index
      %swap3A_1224 = tpu.vector_load %arg20[%swap3A_1222, %swap3A_1223] {strides = array<i32>} : memref<8x128xf32, #tpu.memory_space<vmem>>, vector<1x16xf32>,
      %swap3A_1225 = vector.shape_cast %swap3A_1224 : vector<1x16xf32> to vector<16xf32>
      %swap3A_1226 = vector.shape_cast %add3A_1220 : vector<16xf32> to vector<1x16xf32>
      tpu.vector_store %arg20[%swap3A_1222, %swap3A_1223], %swap3A_1226 {strides = array<i32>} : memref<8x128xf32, #tpu.memory_space<vmem>>, vector<1x16xf32>,
      %get3A_1227 = arith.constant 5 : i32
      %get3A_1228 = arith.index_cast %get3A_1227 : i32 to index
      %get3A_1229 = arith.constant 16 : index
      %get3A_1230 = tpu.vector_load %arg17[%get3A_1228, %get3A_1229] {strides = array<i32>} : memref<8x128xf32, #tpu.memory_space<vmem>>, vector<1x16xf32>,
      %get3A_1231 = vector.shape_cast %get3A_1230 : vector<1x16xf32> to vector<16xf32>
      %mul3A_1232 = arith.mulf %get3A_1231, %select_n3A_1202 : vector<16xf32>
      %get3A_1233 = arith.constant 5 : i32
      %get3A_1234 = arith.index_cast %get3A_1233 : i32 to index
      %get3A_1235 = arith.constant 16 : index
      %get3A_1236 = tpu.vector_load %arg19[%get3A_1234, %get3A_1235] {strides = array<i32>} : memref<8x128xf32, #tpu.memory_space<vmem>>, vector<1x16xf32>,
      %get3A_1237 = vector.shape_cast %get3A_1236 : vector<1x16xf32> to vector<16xf32>
      %add3A_1238 = arith.addf %mul3A_1232, %get3A_1237 : vector<16xf32>
      %get3A_1239 = arith.constant 5 : i32
      %get3A_1240 = arith.index_cast %get3A_1239 : i32 to index
      %get3A_1241 = arith.constant 16 : index
      %get3A_1242 = tpu.vector_load %arg18[%get3A_1240, %get3A_1241] {strides = array<i32>} : memref<8x128xf32, #tpu.memory_space<vmem>>, vector<1x16xf32>,
      %get3A_1243 = vector.shape_cast %get3A_1242 : vector<1x16xf32> to vector<16xf32>
      %add3A_1244 = arith.addf %add3A_1238, %get3A_1243 : vector<16xf32>
      %swap3A_1245 = arith.constant 5 : i32
      %swap3A_1246 = arith.index_cast %swap3A_1245 : i32 to index
      %swap3A_1247 = arith.constant 16 : index
      %swap3A_1248 = tpu.vector_load %arg20[%swap3A_1246, %swap3A_1247] {strides = array<i32>} : memref<8x128xf32, #tpu.memory_space<vmem>>, vector<1x16xf32>,
      %swap3A_1249 = vector.shape_cast %swap3A_1248 : vector<1x16xf32> to vector<16xf32>
      %swap3A_1250 = vector.shape_cast %add3A_1244 : vector<16xf32> to vector<1x16xf32>
      tpu.vector_store %arg20[%swap3A_1246, %swap3A_1247], %swap3A_1250 {strides = array<i32>} : memref<8x128xf32, #tpu.memory_space<vmem>>, vector<1x16xf32>,
      %get3A_1251 = arith.constant 5 : i32
      %get3A_1252 = arith.index_cast %get3A_1251 : i32 to index
      %get3A_1253 = arith.constant 32 : index
      %get3A_1254 = tpu.vector_load %arg17[%get3A_1252, %get3A_1253] {strides = array<i32>} : memref<8x128xf32, #tpu.memory_space<vmem>>, vector<1x16xf32>,
      %get3A_1255 = vector.shape_cast %get3A_1254 : vector<1x16xf32> to vector<16xf32>
      %mul3A_1256 = arith.mulf %get3A_1255, %select_n3A_1202 : vector<16xf32>
      %get3A_1257 = arith.constant 5 : i32
      %get3A_1258 = arith.index_cast %get3A_1257 : i32 to index
      %get3A_1259 = arith.constant 32 : index
      %get3A_1260 = tpu.vector_load %arg19[%get3A_1258, %get3A_1259] {strides = array<i32>} : memref<8x128xf32, #tpu.memory_space<vmem>>, vector<1x16xf32>,
      %get3A_1261 = vector.shape_cast %get3A_1260 : vector<1x16xf32> to vector<16xf32>
      %add3A_1262 = arith.addf %mul3A_1256, %get3A_1261 : vector<16xf32>
      %get3A_1263 = arith.constant 5 : i32
      %get3A_1264 = arith.index_cast %get3A_1263 : i32 to index
      %get3A_1265 = arith.constant 32 : index
      %get3A_1266 = tpu.vector_load %arg18[%get3A_1264, %get3A_1265] {strides = array<i32>} : memref<8x128xf32, #tpu.memory_space<vmem>>, vector<1x16xf32>,
      %get3A_1267 = vector.shape_cast %get3A_1266 : vector<1x16xf32> to vector<16xf32>
      %add3A_1268 = arith.addf %add3A_1262, %get3A_1267 : vector<16xf32>
      %swap3A_1269 = arith.constant 5 : i32
      %swap3A_1270 = arith.index_cast %swap3A_1269 : i32 to index
      %swap3A_1271 = arith.constant 32 : index
      %swap3A_1272 = tpu.vector_load %arg20[%swap3A_1270, %swap3A_1271] {strides = array<i32>} : memref<8x128xf32, #tpu.memory_space<vmem>>, vector<1x16xf32>,
      %swap3A_1273 = vector.shape_cast %swap3A_1272 : vector<1x16xf32> to vector<16xf32>
      %swap3A_1274 = vector.shape_cast %add3A_1268 : vector<16xf32> to vector<1x16xf32>
      tpu.vector_store %arg20[%swap3A_1270, %swap3A_1271], %swap3A_1274 {strides = array<i32>} : memref<8x128xf32, #tpu.memory_space<vmem>>, vector<1x16xf32>,
      %get3A_1275 = arith.constant 5 : i32
      %get3A_1276 = arith.index_cast %get3A_1275 : i32 to index
      %get3A_1277 = arith.constant 48 : index
      %get3A_1278 = tpu.vector_load %arg17[%get3A_1276, %get3A_1277] {strides = array<i32>} : memref<8x128xf32, #tpu.memory_space<vmem>>, vector<1x16xf32>,
      %get3A_1279 = vector.shape_cast %get3A_1278 : vector<1x16xf32> to vector<16xf32>
      %mul3A_1280 = arith.mulf %get3A_1279, %select_n3A_1202 : vector<16xf32>
      %get3A_1281 = arith.constant 5 : i32
      %get3A_1282 = arith.index_cast %get3A_1281 : i32 to index
      %get3A_1283 = arith.constant 48 : index
      %get3A_1284 = tpu.vector_load %arg19[%get3A_1282, %get3A_1283] {strides = array<i32>} : memref<8x128xf32, #tpu.memory_space<vmem>>, vector<1x16xf32>,
      %get3A_1285 = vector.shape_cast %get3A_1284 : vector<1x16xf32> to vector<16xf32>
      %add3A_1286 = arith.addf %mul3A_1280, %get3A_1285 : vector<16xf32>
      %get3A_1287 = arith.constant 5 : i32
      %get3A_1288 = arith.index_cast %get3A_1287 : i32 to index
      %get3A_1289 = arith.constant 48 : index
      %get3A_1290 = tpu.vector_load %arg18[%get3A_1288, %get3A_1289] {strides = array<i32>} : memref<8x128xf32, #tpu.memory_space<vmem>>, vector<1x16xf32>,
      %get3A_1291 = vector.shape_cast %get3A_1290 : vector<1x16xf32> to vector<16xf32>
      %add3A_1292 = arith.addf %add3A_1286, %get3A_1291 : vector<16xf32>
      %swap3A_1293 = arith.constant 5 : i32
      %swap3A_1294 = arith.index_cast %swap3A_1293 : i32 to index
      %swap3A_1295 = arith.constant 48 : index
      %swap3A_1296 = tpu.vector_load %arg20[%swap3A_1294, %swap3A_1295] {strides = array<i32>} : memref<8x128xf32, #tpu.memory_space<vmem>>, vector<1x16xf32>,
      %swap3A_1297 = vector.shape_cast %swap3A_1296 : vector<1x16xf32> to vector<16xf32>
      %swap3A_1298 = vector.shape_cast %add3A_1292 : vector<16xf32> to vector<1x16xf32>
      tpu.vector_store %arg20[%swap3A_1294, %swap3A_1295], %swap3A_1298 {strides = array<i32>} : memref<8x128xf32, #tpu.memory_space<vmem>>, vector<1x16xf32>,
      %get3A_1299 = arith.constant 5 : i32
      %get3A_1300 = arith.index_cast %get3A_1299 : i32 to index
      %get3A_1301 = arith.constant 64 : index
      %get3A_1302 = tpu.vector_load %arg17[%get3A_1300, %get3A_1301] {strides = array<i32>} : memref<8x128xf32, #tpu.memory_space<vmem>>, vector<1x16xf32>,
      %get3A_1303 = vector.shape_cast %get3A_1302 : vector<1x16xf32> to vector<16xf32>
      %mul3A_1304 = arith.mulf %get3A_1303, %select_n3A_1202 : vector<16xf32>
      %get3A_1305 = arith.constant 5 : i32
      %get3A_1306 = arith.index_cast %get3A_1305 : i32 to index
      %get3A_1307 = arith.constant 64 : index
      %get3A_1308 = tpu.vector_load %arg19[%get3A_1306, %get3A_1307] {strides = array<i32>} : memref<8x128xf32, #tpu.memory_space<vmem>>, vector<1x16xf32>,
      %get3A_1309 = vector.shape_cast %get3A_1308 : vector<1x16xf32> to vector<16xf32>
      %add3A_1310 = arith.addf %mul3A_1304, %get3A_1309 : vector<16xf32>
      %get3A_1311 = arith.constant 5 : i32
      %get3A_1312 = arith.index_cast %get3A_1311 : i32 to index
      %get3A_1313 = arith.constant 64 : index
      %get3A_1314 = tpu.vector_load %arg18[%get3A_1312, %get3A_1313] {strides = array<i32>} : memref<8x128xf32, #tpu.memory_space<vmem>>, vector<1x16xf32>,
      %get3A_1315 = vector.shape_cast %get3A_1314 : vector<1x16xf32> to vector<16xf32>
      %add3A_1316 = arith.addf %add3A_1310, %get3A_1315 : vector<16xf32>
      %swap3A_1317 = arith.constant 5 : i32
      %swap3A_1318 = arith.index_cast %swap3A_1317 : i32 to index
      %swap3A_1319 = arith.constant 64 : index
      %swap3A_1320 = tpu.vector_load %arg20[%swap3A_1318, %swap3A_1319] {strides = array<i32>} : memref<8x128xf32, #tpu.memory_space<vmem>>, vector<1x16xf32>,
      %swap3A_1321 = vector.shape_cast %swap3A_1320 : vector<1x16xf32> to vector<16xf32>
      %swap3A_1322 = vector.shape_cast %add3A_1316 : vector<16xf32> to vector<1x16xf32>
      tpu.vector_store %arg20[%swap3A_1318, %swap3A_1319], %swap3A_1322 {strides = array<i32>} : memref<8x128xf32, #tpu.memory_space<vmem>>, vector<1x16xf32>,
      %get3A_1323 = arith.constant 5 : i32
      %get3A_1324 = arith.index_cast %get3A_1323 : i32 to index
      %get3A_1325 = arith.constant 80 : index
      %get3A_1326 = tpu.vector_load %arg17[%get3A_1324, %get3A_1325] {strides = array<i32>} : memref<8x128xf32, #tpu.memory_space<vmem>>, vector<1x16xf32>,
      %get3A_1327 = vector.shape_cast %get3A_1326 : vector<1x16xf32> to vector<16xf32>
      %mul3A_1328 = arith.mulf %get3A_1327, %select_n3A_1202 : vector<16xf32>
      %get3A_1329 = arith.constant 5 : i32
      %get3A_1330 = arith.index_cast %get3A_1329 : i32 to index
      %get3A_1331 = arith.constant 80 : index
      %get3A_1332 = tpu.vector_load %arg19[%get3A_1330, %get3A_1331] {strides = array<i32>} : memref<8x128xf32, #tpu.memory_space<vmem>>, vector<1x16xf32>,
      %get3A_1333 = vector.shape_cast %get3A_1332 : vector<1x16xf32> to vector<16xf32>
      %add3A_1334 = arith.addf %mul3A_1328, %get3A_1333 : vector<16xf32>
      %get3A_1335 = arith.constant 5 : i32
      %get3A_1336 = arith.index_cast %get3A_1335 : i32 to index
      %get3A_1337 = arith.constant 80 : index
      %get3A_1338 = tpu.vector_load %arg18[%get3A_1336, %get3A_1337] {strides = array<i32>} : memref<8x128xf32, #tpu.memory_space<vmem>>, vector<1x16xf32>,
      %get3A_1339 = vector.shape_cast %get3A_1338 : vector<1x16xf32> to vector<16xf32>
      %add3A_1340 = arith.addf %add3A_1334, %get3A_1339 : vector<16xf32>
      %swap3A_1341 = arith.constant 5 : i32
      %swap3A_1342 = arith.index_cast %swap3A_1341 : i32 to index
      %swap3A_1343 = arith.constant 80 : index
      %swap3A_1344 = tpu.vector_load %arg20[%swap3A_1342, %swap3A_1343] {strides = array<i32>} : memref<8x128xf32, #tpu.memory_space<vmem>>, vector<1x16xf32>,
      %swap3A_1345 = vector.shape_cast %swap3A_1344 : vector<1x16xf32> to vector<16xf32>
      %swap3A_1346 = vector.shape_cast %add3A_1340 : vector<16xf32> to vector<1x16xf32>
      tpu.vector_store %arg20[%swap3A_1342, %swap3A_1343], %swap3A_1346 {strides = array<i32>} : memref<8x128xf32, #tpu.memory_space<vmem>>, vector<1x16xf32>,
      %get3A_1347 = arith.constant 5 : i32
      %get3A_1348 = arith.index_cast %get3A_1347 : i32 to index
      %get3A_1349 = arith.constant 96 : index
      %get3A_1350 = tpu.vector_load %arg17[%get3A_1348, %get3A_1349] {strides = array<i32>} : memref<8x128xf32, #tpu.memory_space<vmem>>, vector<1x16xf32>,
      %get3A_1351 = vector.shape_cast %get3A_1350 : vector<1x16xf32> to vector<16xf32>
      %mul3A_1352 = arith.mulf %get3A_1351, %select_n3A_1202 : vector<16xf32>
      %get3A_1353 = arith.constant 5 : i32
      %get3A_1354 = arith.index_cast %get3A_1353 : i32 to index
      %get3A_1355 = arith.constant 96 : index
      %get3A_1356 = tpu.vector_load %arg19[%get3A_1354, %get3A_1355] {strides = array<i32>} : memref<8x128xf32, #tpu.memory_space<vmem>>, vector<1x16xf32>,
      %get3A_1357 = vector.shape_cast %get3A_1356 : vector<1x16xf32> to vector<16xf32>
      %add3A_1358 = arith.addf %mul3A_1352, %get3A_1357 : vector<16xf32>
      %get3A_1359 = arith.constant 5 : i32
      %get3A_1360 = arith.index_cast %get3A_1359 : i32 to index
      %get3A_1361 = arith.constant 96 : index
      %get3A_1362 = tpu.vector_load %arg18[%get3A_1360, %get3A_1361] {strides = array<i32>} : memref<8x128xf32, #tpu.memory_space<vmem>>, vector<1x16xf32>,
      %get3A_1363 = vector.shape_cast %get3A_1362 : vector<1x16xf32> to vector<16xf32>
      %add3A_1364 = arith.addf %add3A_1358, %get3A_1363 : vector<16xf32>
      %swap3A_1365 = arith.constant 5 : i32
      %swap3A_1366 = arith.index_cast %swap3A_1365 : i32 to index
      %swap3A_1367 = arith.constant 96 : index
      %swap3A_1368 = tpu.vector_load %arg20[%swap3A_1366, %swap3A_1367] {strides = array<i32>} : memref<8x128xf32, #tpu.memory_space<vmem>>, vector<1x16xf32>,
      %swap3A_1369 = vector.shape_cast %swap3A_1368 : vector<1x16xf32> to vector<16xf32>
      %swap3A_1370 = vector.shape_cast %add3A_1364 : vector<16xf32> to vector<1x16xf32>
      tpu.vector_store %arg20[%swap3A_1366, %swap3A_1367], %swap3A_1370 {strides = array<i32>} : memref<8x128xf32, #tpu.memory_space<vmem>>, vector<1x16xf32>,
      %get3A_1371 = arith.constant 5 : i32
      %get3A_1372 = arith.index_cast %get3A_1371 : i32 to index
      %get3A_1373 = arith.constant 112 : index
      %get3A_1374 = tpu.vector_load %arg17[%get3A_1372, %get3A_1373] {strides = array<i32>} : memref<8x128xf32, #tpu.memory_space<vmem>>, vector<1x16xf32>,
      %get3A_1375 = vector.shape_cast %get3A_1374 : vector<1x16xf32> to vector<16xf32>
      %mul3A_1376 = arith.mulf %get3A_1375, %select_n3A_1202 : vector<16xf32>
      %get3A_1377 = arith.constant 5 : i32
      %get3A_1378 = arith.index_cast %get3A_1377 : i32 to index
      %get3A_1379 = arith.constant 112 : index
      %get3A_1380 = tpu.vector_load %arg19[%get3A_1378, %get3A_1379] {strides = array<i32>} : memref<8x128xf32, #tpu.memory_space<vmem>>, vector<1x16xf32>,
      %get3A_1381 = vector.shape_cast %get3A_1380 : vector<1x16xf32> to vector<16xf32>
      %add3A_1382 = arith.addf %mul3A_1376, %get3A_1381 : vector<16xf32>
      %get3A_1383 = arith.constant 5 : i32
      %get3A_1384 = arith.index_cast %get3A_1383 : i32 to index
      %get3A_1385 = arith.constant 112 : index
      %get3A_1386 = tpu.vector_load %arg18[%get3A_1384, %get3A_1385] {strides = array<i32>} : memref<8x128xf32, #tpu.memory_space<vmem>>, vector<1x16xf32>,
      %get3A_1387 = vector.shape_cast %get3A_1386 : vector<1x16xf32> to vector<16xf32>
      %add3A_1388 = arith.addf %add3A_1382, %get3A_1387 : vector<16xf32>
      %swap3A_1389 = arith.constant 5 : i32
      %swap3A_1390 = arith.index_cast %swap3A_1389 : i32 to index
      %swap3A_1391 = arith.constant 112 : index
      %swap3A_1392 = tpu.vector_load %arg20[%swap3A_1390, %swap3A_1391] {strides = array<i32>} : memref<8x128xf32, #tpu.memory_space<vmem>>, vector<1x16xf32>,
      %swap3A_1393 = vector.shape_cast %swap3A_1392 : vector<1x16xf32> to vector<16xf32>
      %swap3A_1394 = vector.shape_cast %add3A_1388 : vector<16xf32> to vector<1x16xf32>
      tpu.vector_store %arg20[%swap3A_1390, %swap3A_1391], %swap3A_1394 {strides = array<i32>} : memref<8x128xf32, #tpu.memory_space<vmem>>, vector<1x16xf32>,
      %add3A_1395 = arith.constant 6 : i32
      %add3A_1396 = arith.addi %mul3A_0, %add3A_1395 : i32
      %broadcast_in_dim3A_1397 = vector.broadcast %add3A_1396 : i32 to vector<16xi32>
      %lt3A_1398 = arith.constant 29 : i32
      %lt3A_1399 = vector.broadcast %lt3A_1398 : i32 to vector<16xi32>
      %lt3A_1400 = arith.cmpi slt, %broadcast_in_dim3A_1397, %lt3A_1399 : vector<16xi32>
      %jit3A_1401 = arith.constant 1.000000e+00 : f32
      %jit3A_1402 = arith.constant 0.000000e+00 : f32
      %broadcast_in_dim3A_1403 = vector.broadcast %jit3A_1401 : f32 to vector<16xf32>
      %broadcast_in_dim3A_1404 = vector.broadcast %jit3A_1402 : f32 to vector<16xf32>
      %select_n3A_1405 = arith.select %lt3A_1400, %broadcast_in_dim3A_1403, %broadcast_in_dim3A_1404 : vector<16xi1>, vector<16xf32>
      %get3A_1406 = arith.constant 6 : i32
      %get3A_1407 = arith.index_cast %get3A_1406 : i32 to index
      %get3A_1408 = arith.constant 0 : index
      %get3A_1409 = tpu.vector_load %arg17[%get3A_1407, %get3A_1408] {strides = array<i32>} : memref<8x128xf32, #tpu.memory_space<vmem>>, vector<1x16xf32>,
      %get3A_1410 = vector.shape_cast %get3A_1409 : vector<1x16xf32> to vector<16xf32>
      %mul3A_1411 = arith.mulf %get3A_1410, %select_n3A_1405 : vector<16xf32>
      %get3A_1412 = arith.constant 6 : i32
      %get3A_1413 = arith.index_cast %get3A_1412 : i32 to index
      %get3A_1414 = arith.constant 0 : index
      %get3A_1415 = tpu.vector_load %arg19[%get3A_1413, %get3A_1414] {strides = array<i32>} : memref<8x128xf32, #tpu.memory_space<vmem>>, vector<1x16xf32>,
      %get3A_1416 = vector.shape_cast %get3A_1415 : vector<1x16xf32> to vector<16xf32>
      %add3A_1417 = arith.addf %mul3A_1411, %get3A_1416 : vector<16xf32>
      %get3A_1418 = arith.constant 6 : i32
      %get3A_1419 = arith.index_cast %get3A_1418 : i32 to index
      %get3A_1420 = arith.constant 0 : index
      %get3A_1421 = tpu.vector_load %arg18[%get3A_1419, %get3A_1420] {strides = array<i32>} : memref<8x128xf32, #tpu.memory_space<vmem>>, vector<1x16xf32>,
      %get3A_1422 = vector.shape_cast %get3A_1421 : vector<1x16xf32> to vector<16xf32>
      %add3A_1423 = arith.addf %add3A_1417, %get3A_1422 : vector<16xf32>
      %swap3A_1424 = arith.constant 6 : i32
      %swap3A_1425 = arith.index_cast %swap3A_1424 : i32 to index
      %swap3A_1426 = arith.constant 0 : index
      %swap3A_1427 = tpu.vector_load %arg20[%swap3A_1425, %swap3A_1426] {strides = array<i32>} : memref<8x128xf32, #tpu.memory_space<vmem>>, vector<1x16xf32>,
      %swap3A_1428 = vector.shape_cast %swap3A_1427 : vector<1x16xf32> to vector<16xf32>
      %swap3A_1429 = vector.shape_cast %add3A_1423 : vector<16xf32> to vector<1x16xf32>
      tpu.vector_store %arg20[%swap3A_1425, %swap3A_1426], %swap3A_1429 {strides = array<i32>} : memref<8x128xf32, #tpu.memory_space<vmem>>, vector<1x16xf32>,
      %get3A_1430 = arith.constant 6 : i32
      %get3A_1431 = arith.index_cast %get3A_1430 : i32 to index
      %get3A_1432 = arith.constant 16 : index
      %get3A_1433 = tpu.vector_load %arg17[%get3A_1431, %get3A_1432] {strides = array<i32>} : memref<8x128xf32, #tpu.memory_space<vmem>>, vector<1x16xf32>,
      %get3A_1434 = vector.shape_cast %get3A_1433 : vector<1x16xf32> to vector<16xf32>
      %mul3A_1435 = arith.mulf %get3A_1434, %select_n3A_1405 : vector<16xf32>
      %get3A_1436 = arith.constant 6 : i32
      %get3A_1437 = arith.index_cast %get3A_1436 : i32 to index
      %get3A_1438 = arith.constant 16 : index
      %get3A_1439 = tpu.vector_load %arg19[%get3A_1437, %get3A_1438] {strides = array<i32>} : memref<8x128xf32, #tpu.memory_space<vmem>>, vector<1x16xf32>,
      %get3A_1440 = vector.shape_cast %get3A_1439 : vector<1x16xf32> to vector<16xf32>
      %add3A_1441 = arith.addf %mul3A_1435, %get3A_1440 : vector<16xf32>
      %get3A_1442 = arith.constant 6 : i32
      %get3A_1443 = arith.index_cast %get3A_1442 : i32 to index
      %get3A_1444 = arith.constant 16 : index
      %get3A_1445 = tpu.vector_load %arg18[%get3A_1443, %get3A_1444] {strides = array<i32>} : memref<8x128xf32, #tpu.memory_space<vmem>>, vector<1x16xf32>,
      %get3A_1446 = vector.shape_cast %get3A_1445 : vector<1x16xf32> to vector<16xf32>
      %add3A_1447 = arith.addf %add3A_1441, %get3A_1446 : vector<16xf32>
      %swap3A_1448 = arith.constant 6 : i32
      %swap3A_1449 = arith.index_cast %swap3A_1448 : i32 to index
      %swap3A_1450 = arith.constant 16 : index
      %swap3A_1451 = tpu.vector_load %arg20[%swap3A_1449, %swap3A_1450] {strides = array<i32>} : memref<8x128xf32, #tpu.memory_space<vmem>>, vector<1x16xf32>,
      %swap3A_1452 = vector.shape_cast %swap3A_1451 : vector<1x16xf32> to vector<16xf32>
      %swap3A_1453 = vector.shape_cast %add3A_1447 : vector<16xf32> to vector<1x16xf32>
      tpu.vector_store %arg20[%swap3A_1449, %swap3A_1450], %swap3A_1453 {strides = array<i32>} : memref<8x128xf32, #tpu.memory_space<vmem>>, vector<1x16xf32>,
      %get3A_1454 = arith.constant 6 : i32
      %get3A_1455 = arith.index_cast %get3A_1454 : i32 to index
      %get3A_1456 = arith.constant 32 : index
      %get3A_1457 = tpu.vector_load %arg17[%get3A_1455, %get3A_1456] {strides = array<i32>} : memref<8x128xf32, #tpu.memory_space<vmem>>, vector<1x16xf32>,
      %get3A_1458 = vector.shape_cast %get3A_1457 : vector<1x16xf32> to vector<16xf32>
      %mul3A_1459 = arith.mulf %get3A_1458, %select_n3A_1405 : vector<16xf32>
      %get3A_1460 = arith.constant 6 : i32
      %get3A_1461 = arith.index_cast %get3A_1460 : i32 to index
      %get3A_1462 = arith.constant 32 : index
      %get3A_1463 = tpu.vector_load %arg19[%get3A_1461, %get3A_1462] {strides = array<i32>} : memref<8x128xf32, #tpu.memory_space<vmem>>, vector<1x16xf32>,
      %get3A_1464 = vector.shape_cast %get3A_1463 : vector<1x16xf32> to vector<16xf32>
      %add3A_1465 = arith.addf %mul3A_1459, %get3A_1464 : vector<16xf32>
      %get3A_1466 = arith.constant 6 : i32
      %get3A_1467 = arith.index_cast %get3A_1466 : i32 to index
      %get3A_1468 = arith.constant 32 : index
      %get3A_1469 = tpu.vector_load %arg18[%get3A_1467, %get3A_1468] {strides = array<i32>} : memref<8x128xf32, #tpu.memory_space<vmem>>, vector<1x16xf32>,
      %get3A_1470 = vector.shape_cast %get3A_1469 : vector<1x16xf32> to vector<16xf32>
      %add3A_1471 = arith.addf %add3A_1465, %get3A_1470 : vector<16xf32>
      %swap3A_1472 = arith.constant 6 : i32
      %swap3A_1473 = arith.index_cast %swap3A_1472 : i32 to index
      %swap3A_1474 = arith.constant 32 : index
      %swap3A_1475 = tpu.vector_load %arg20[%swap3A_1473, %swap3A_1474] {strides = array<i32>} : memref<8x128xf32, #tpu.memory_space<vmem>>, vector<1x16xf32>,
      %swap3A_1476 = vector.shape_cast %swap3A_1475 : vector<1x16xf32> to vector<16xf32>
      %swap3A_1477 = vector.shape_cast %add3A_1471 : vector<16xf32> to vector<1x16xf32>
      tpu.vector_store %arg20[%swap3A_1473, %swap3A_1474], %swap3A_1477 {strides = array<i32>} : memref<8x128xf32, #tpu.memory_space<vmem>>, vector<1x16xf32>,
      %get3A_1478 = arith.constant 6 : i32
      %get3A_1479 = arith.index_cast %get3A_1478 : i32 to index
      %get3A_1480 = arith.constant 48 : index
      %get3A_1481 = tpu.vector_load %arg17[%get3A_1479, %get3A_1480] {strides = array<i32>} : memref<8x128xf32, #tpu.memory_space<vmem>>, vector<1x16xf32>,
      %get3A_1482 = vector.shape_cast %get3A_1481 : vector<1x16xf32> to vector<16xf32>
      %mul3A_1483 = arith.mulf %get3A_1482, %select_n3A_1405 : vector<16xf32>
      %get3A_1484 = arith.constant 6 : i32
      %get3A_1485 = arith.index_cast %get3A_1484 : i32 to index
      %get3A_1486 = arith.constant 48 : index
      %get3A_1487 = tpu.vector_load %arg19[%get3A_1485, %get3A_1486] {strides = array<i32>} : memref<8x128xf32, #tpu.memory_space<vmem>>, vector<1x16xf32>,
      %get3A_1488 = vector.shape_cast %get3A_1487 : vector<1x16xf32> to vector<16xf32>
      %add3A_1489 = arith.addf %mul3A_1483, %get3A_1488 : vector<16xf32>
      %get3A_1490 = arith.constant 6 : i32
      %get3A_1491 = arith.index_cast %get3A_1490 : i32 to index
      %get3A_1492 = arith.constant 48 : index
      %get3A_1493 = tpu.vector_load %arg18[%get3A_1491, %get3A_1492] {strides = array<i32>} : memref<8x128xf32, #tpu.memory_space<vmem>>, vector<1x16xf32>,
      %get3A_1494 = vector.shape_cast %get3A_1493 : vector<1x16xf32> to vector<16xf32>
      %add3A_1495 = arith.addf %add3A_1489, %get3A_1494 : vector<16xf32>
      %swap3A_1496 = arith.constant 6 : i32
      %swap3A_1497 = arith.index_cast %swap3A_1496 : i32 to index
      %swap3A_1498 = arith.constant 48 : index
      %swap3A_1499 = tpu.vector_load %arg20[%swap3A_1497, %swap3A_1498] {strides = array<i32>} : memref<8x128xf32, #tpu.memory_space<vmem>>, vector<1x16xf32>,
      %swap3A_1500 = vector.shape_cast %swap3A_1499 : vector<1x16xf32> to vector<16xf32>
      %swap3A_1501 = vector.shape_cast %add3A_1495 : vector<16xf32> to vector<1x16xf32>
      tpu.vector_store %arg20[%swap3A_1497, %swap3A_1498], %swap3A_1501 {strides = array<i32>} : memref<8x128xf32, #tpu.memory_space<vmem>>, vector<1x16xf32>,
      %get3A_1502 = arith.constant 6 : i32
      %get3A_1503 = arith.index_cast %get3A_1502 : i32 to index
      %get3A_1504 = arith.constant 64 : index
      %get3A_1505 = tpu.vector_load %arg17[%get3A_1503, %get3A_1504] {strides = array<i32>} : memref<8x128xf32, #tpu.memory_space<vmem>>, vector<1x16xf32>,
      %get3A_1506 = vector.shape_cast %get3A_1505 : vector<1x16xf32> to vector<16xf32>
      %mul3A_1507 = arith.mulf %get3A_1506, %select_n3A_1405 : vector<16xf32>
      %get3A_1508 = arith.constant 6 : i32
      %get3A_1509 = arith.index_cast %get3A_1508 : i32 to index
      %get3A_1510 = arith.constant 64 : index
      %get3A_1511 = tpu.vector_load %arg19[%get3A_1509, %get3A_1510] {strides = array<i32>} : memref<8x128xf32, #tpu.memory_space<vmem>>, vector<1x16xf32>,
      %get3A_1512 = vector.shape_cast %get3A_1511 : vector<1x16xf32> to vector<16xf32>
      %add3A_1513 = arith.addf %mul3A_1507, %get3A_1512 : vector<16xf32>
      %get3A_1514 = arith.constant 6 : i32
      %get3A_1515 = arith.index_cast %get3A_1514 : i32 to index
      %get3A_1516 = arith.constant 64 : index
      %get3A_1517 = tpu.vector_load %arg18[%get3A_1515, %get3A_1516] {strides = array<i32>} : memref<8x128xf32, #tpu.memory_space<vmem>>, vector<1x16xf32>,
      %get3A_1518 = vector.shape_cast %get3A_1517 : vector<1x16xf32> to vector<16xf32>
      %add3A_1519 = arith.addf %add3A_1513, %get3A_1518 : vector<16xf32>
      %swap3A_1520 = arith.constant 6 : i32
      %swap3A_1521 = arith.index_cast %swap3A_1520 : i32 to index
      %swap3A_1522 = arith.constant 64 : index
      %swap3A_1523 = tpu.vector_load %arg20[%swap3A_1521, %swap3A_1522] {strides = array<i32>} : memref<8x128xf32, #tpu.memory_space<vmem>>, vector<1x16xf32>,
      %swap3A_1524 = vector.shape_cast %swap3A_1523 : vector<1x16xf32> to vector<16xf32>
      %swap3A_1525 = vector.shape_cast %add3A_1519 : vector<16xf32> to vector<1x16xf32>
      tpu.vector_store %arg20[%swap3A_1521, %swap3A_1522], %swap3A_1525 {strides = array<i32>} : memref<8x128xf32, #tpu.memory_space<vmem>>, vector<1x16xf32>,
      %get3A_1526 = arith.constant 6 : i32
      %get3A_1527 = arith.index_cast %get3A_1526 : i32 to index
      %get3A_1528 = arith.constant 80 : index
      %get3A_1529 = tpu.vector_load %arg17[%get3A_1527, %get3A_1528] {strides = array<i32>} : memref<8x128xf32, #tpu.memory_space<vmem>>, vector<1x16xf32>,
      %get3A_1530 = vector.shape_cast %get3A_1529 : vector<1x16xf32> to vector<16xf32>
      %mul3A_1531 = arith.mulf %get3A_1530, %select_n3A_1405 : vector<16xf32>
      %get3A_1532 = arith.constant 6 : i32
      %get3A_1533 = arith.index_cast %get3A_1532 : i32 to index
      %get3A_1534 = arith.constant 80 : index
      %get3A_1535 = tpu.vector_load %arg19[%get3A_1533, %get3A_1534] {strides = array<i32>} : memref<8x128xf32, #tpu.memory_space<vmem>>, vector<1x16xf32>,
      %get3A_1536 = vector.shape_cast %get3A_1535 : vector<1x16xf32> to vector<16xf32>
      %add3A_1537 = arith.addf %mul3A_1531, %get3A_1536 : vector<16xf32>
      %get3A_1538 = arith.constant 6 : i32
      %get3A_1539 = arith.index_cast %get3A_1538 : i32 to index
      %get3A_1540 = arith.constant 80 : index
      %get3A_1541 = tpu.vector_load %arg18[%get3A_1539, %get3A_1540] {strides = array<i32>} : memref<8x128xf32, #tpu.memory_space<vmem>>, vector<1x16xf32>,
      %get3A_1542 = vector.shape_cast %get3A_1541 : vector<1x16xf32> to vector<16xf32>
      %add3A_1543 = arith.addf %add3A_1537, %get3A_1542 : vector<16xf32>
      %swap3A_1544 = arith.constant 6 : i32
      %swap3A_1545 = arith.index_cast %swap3A_1544 : i32 to index
      %swap3A_1546 = arith.constant 80 : index
      %swap3A_1547 = tpu.vector_load %arg20[%swap3A_1545, %swap3A_1546] {strides = array<i32>} : memref<8x128xf32, #tpu.memory_space<vmem>>, vector<1x16xf32>,
      %swap3A_1548 = vector.shape_cast %swap3A_1547 : vector<1x16xf32> to vector<16xf32>
      %swap3A_1549 = vector.shape_cast %add3A_1543 : vector<16xf32> to vector<1x16xf32>
      tpu.vector_store %arg20[%swap3A_1545, %swap3A_1546], %swap3A_1549 {strides = array<i32>} : memref<8x128xf32, #tpu.memory_space<vmem>>, vector<1x16xf32>,
      %get3A_1550 = arith.constant 6 : i32
      %get3A_1551 = arith.index_cast %get3A_1550 : i32 to index
      %get3A_1552 = arith.constant 96 : index
      %get3A_1553 = tpu.vector_load %arg17[%get3A_1551, %get3A_1552] {strides = array<i32>} : memref<8x128xf32, #tpu.memory_space<vmem>>, vector<1x16xf32>,
      %get3A_1554 = vector.shape_cast %get3A_1553 : vector<1x16xf32> to vector<16xf32>
      %mul3A_1555 = arith.mulf %get3A_1554, %select_n3A_1405 : vector<16xf32>
      %get3A_1556 = arith.constant 6 : i32
      %get3A_1557 = arith.index_cast %get3A_1556 : i32 to index
      %get3A_1558 = arith.constant 96 : index
      %get3A_1559 = tpu.vector_load %arg19[%get3A_1557, %get3A_1558] {strides = array<i32>} : memref<8x128xf32, #tpu.memory_space<vmem>>, vector<1x16xf32>,
      %get3A_1560 = vector.shape_cast %get3A_1559 : vector<1x16xf32> to vector<16xf32>
      %add3A_1561 = arith.addf %mul3A_1555, %get3A_1560 : vector<16xf32>
      %get3A_1562 = arith.constant 6 : i32
      %get3A_1563 = arith.index_cast %get3A_1562 : i32 to index
      %get3A_1564 = arith.constant 96 : index
      %get3A_1565 = tpu.vector_load %arg18[%get3A_1563, %get3A_1564] {strides = array<i32>} : memref<8x128xf32, #tpu.memory_space<vmem>>, vector<1x16xf32>,
      %get3A_1566 = vector.shape_cast %get3A_1565 : vector<1x16xf32> to vector<16xf32>
      %add3A_1567 = arith.addf %add3A_1561, %get3A_1566 : vector<16xf32>
      %swap3A_1568 = arith.constant 6 : i32
      %swap3A_1569 = arith.index_cast %swap3A_1568 : i32 to index
      %swap3A_1570 = arith.constant 96 : index
      %swap3A_1571 = tpu.vector_load %arg20[%swap3A_1569, %swap3A_1570] {strides = array<i32>} : memref<8x128xf32, #tpu.memory_space<vmem>>, vector<1x16xf32>,
      %swap3A_1572 = vector.shape_cast %swap3A_1571 : vector<1x16xf32> to vector<16xf32>
      %swap3A_1573 = vector.shape_cast %add3A_1567 : vector<16xf32> to vector<1x16xf32>
      tpu.vector_store %arg20[%swap3A_1569, %swap3A_1570], %swap3A_1573 {strides = array<i32>} : memref<8x128xf32, #tpu.memory_space<vmem>>, vector<1x16xf32>,
      %get3A_1574 = arith.constant 6 : i32
      %get3A_1575 = arith.index_cast %get3A_1574 : i32 to index
      %get3A_1576 = arith.constant 112 : index
      %get3A_1577 = tpu.vector_load %arg17[%get3A_1575, %get3A_1576] {strides = array<i32>} : memref<8x128xf32, #tpu.memory_space<vmem>>, vector<1x16xf32>,
      %get3A_1578 = vector.shape_cast %get3A_1577 : vector<1x16xf32> to vector<16xf32>
      %mul3A_1579 = arith.mulf %get3A_1578, %select_n3A_1405 : vector<16xf32>
      %get3A_1580 = arith.constant 6 : i32
      %get3A_1581 = arith.index_cast %get3A_1580 : i32 to index
      %get3A_1582 = arith.constant 112 : index
      %get3A_1583 = tpu.vector_load %arg19[%get3A_1581, %get3A_1582] {strides = array<i32>} : memref<8x128xf32, #tpu.memory_space<vmem>>, vector<1x16xf32>,
      %get3A_1584 = vector.shape_cast %get3A_1583 : vector<1x16xf32> to vector<16xf32>
      %add3A_1585 = arith.addf %mul3A_1579, %get3A_1584 : vector<16xf32>
      %get3A_1586 = arith.constant 6 : i32
      %get3A_1587 = arith.index_cast %get3A_1586 : i32 to index
      %get3A_1588 = arith.constant 112 : index
      %get3A_1589 = tpu.vector_load %arg18[%get3A_1587, %get3A_1588] {strides = array<i32>} : memref<8x128xf32, #tpu.memory_space<vmem>>, vector<1x16xf32>,
      %get3A_1590 = vector.shape_cast %get3A_1589 : vector<1x16xf32> to vector<16xf32>
      %add3A_1591 = arith.addf %add3A_1585, %get3A_1590 : vector<16xf32>
      %swap3A_1592 = arith.constant 6 : i32
      %swap3A_1593 = arith.index_cast %swap3A_1592 : i32 to index
      %swap3A_1594 = arith.constant 112 : index
      %swap3A_1595 = tpu.vector_load %arg20[%swap3A_1593, %swap3A_1594] {strides = array<i32>} : memref<8x128xf32, #tpu.memory_space<vmem>>, vector<1x16xf32>,
      %swap3A_1596 = vector.shape_cast %swap3A_1595 : vector<1x16xf32> to vector<16xf32>
      %swap3A_1597 = vector.shape_cast %add3A_1591 : vector<16xf32> to vector<1x16xf32>
      tpu.vector_store %arg20[%swap3A_1593, %swap3A_1594], %swap3A_1597 {strides = array<i32>} : memref<8x128xf32, #tpu.memory_space<vmem>>, vector<1x16xf32>,
      %add3A_1598 = arith.constant 7 : i32
      %add3A_1599 = arith.addi %mul3A_0, %add3A_1598 : i32
      %broadcast_in_dim3A_1600 = vector.broadcast %add3A_1599 : i32 to vector<16xi32>
      %lt3A_1601 = arith.constant 29 : i32
      %lt3A_1602 = vector.broadcast %lt3A_1601 : i32 to vector<16xi32>
      %lt3A_1603 = arith.cmpi slt, %broadcast_in_dim3A_1600, %lt3A_1602 : vector<16xi32>
      %jit3A_1604 = arith.constant 1.000000e+00 : f32
      %jit3A_1605 = arith.constant 0.000000e+00 : f32
      %broadcast_in_dim3A_1606 = vector.broadcast %jit3A_1604 : f32 to vector<16xf32>
      %broadcast_in_dim3A_1607 = vector.broadcast %jit3A_1605 : f32 to vector<16xf32>
      %select_n3A_1608 = arith.select %lt3A_1603, %broadcast_in_dim3A_1606, %broadcast_in_dim3A_1607 : vector<16xi1>, vector<16xf32>
      %get3A_1609 = arith.constant 7 : i32
      %get3A_1610 = arith.index_cast %get3A_1609 : i32 to index
      %get3A_1611 = arith.constant 0 : index
      %get3A_1612 = tpu.vector_load %arg17[%get3A_1610, %get3A_1611] {strides = array<i32>} : memref<8x128xf32, #tpu.memory_space<vmem>>, vector<1x16xf32>,
      %get3A_1613 = vector.shape_cast %get3A_1612 : vector<1x16xf32> to vector<16xf32>
      %mul3A_1614 = arith.mulf %get3A_1613, %select_n3A_1608 : vector<16xf32>
      %get3A_1615 = arith.constant 7 : i32
      %get3A_1616 = arith.index_cast %get3A_1615 : i32 to index
      %get3A_1617 = arith.constant 0 : index
      %get3A_1618 = tpu.vector_load %arg19[%get3A_1616, %get3A_1617] {strides = array<i32>} : memref<8x128xf32, #tpu.memory_space<vmem>>, vector<1x16xf32>,
      %get3A_1619 = vector.shape_cast %get3A_1618 : vector<1x16xf32> to vector<16xf32>
      %add3A_1620 = arith.addf %mul3A_1614, %get3A_1619 : vector<16xf32>
      %get3A_1621 = arith.constant 7 : i32
      %get3A_1622 = arith.index_cast %get3A_1621 : i32 to index
      %get3A_1623 = arith.constant 0 : index
      %get3A_1624 = tpu.vector_load %arg18[%get3A_1622, %get3A_1623] {strides = array<i32>} : memref<8x128xf32, #tpu.memory_space<vmem>>, vector<1x16xf32>,
      %get3A_1625 = vector.shape_cast %get3A_1624 : vector<1x16xf32> to vector<16xf32>
      %add3A_1626 = arith.addf %add3A_1620, %get3A_1625 : vector<16xf32>
      %swap3A_1627 = arith.constant 7 : i32
      %swap3A_1628 = arith.index_cast %swap3A_1627 : i32 to index
      %swap3A_1629 = arith.constant 0 : index
      %swap3A_1630 = tpu.vector_load %arg20[%swap3A_1628, %swap3A_1629] {strides = array<i32>} : memref<8x128xf32, #tpu.memory_space<vmem>>, vector<1x16xf32>,
      %swap3A_1631 = vector.shape_cast %swap3A_1630 : vector<1x16xf32> to vector<16xf32>
      %swap3A_1632 = vector.shape_cast %add3A_1626 : vector<16xf32> to vector<1x16xf32>
      tpu.vector_store %arg20[%swap3A_1628, %swap3A_1629], %swap3A_1632 {strides = array<i32>} : memref<8x128xf32, #tpu.memory_space<vmem>>, vector<1x16xf32>,
      %get3A_1633 = arith.constant 7 : i32
      %get3A_1634 = arith.index_cast %get3A_1633 : i32 to index
      %get3A_1635 = arith.constant 16 : index
      %get3A_1636 = tpu.vector_load %arg17[%get3A_1634, %get3A_1635] {strides = array<i32>} : memref<8x128xf32, #tpu.memory_space<vmem>>, vector<1x16xf32>,
      %get3A_1637 = vector.shape_cast %get3A_1636 : vector<1x16xf32> to vector<16xf32>
      %mul3A_1638 = arith.mulf %get3A_1637, %select_n3A_1608 : vector<16xf32>
      %get3A_1639 = arith.constant 7 : i32
      %get3A_1640 = arith.index_cast %get3A_1639 : i32 to index
      %get3A_1641 = arith.constant 16 : index
      %get3A_1642 = tpu.vector_load %arg19[%get3A_1640, %get3A_1641] {strides = array<i32>} : memref<8x128xf32, #tpu.memory_space<vmem>>, vector<1x16xf32>,
      %get3A_1643 = vector.shape_cast %get3A_1642 : vector<1x16xf32> to vector<16xf32>
      %add3A_1644 = arith.addf %mul3A_1638, %get3A_1643 : vector<16xf32>
      %get3A_1645 = arith.constant 7 : i32
      %get3A_1646 = arith.index_cast %get3A_1645 : i32 to index
      %get3A_1647 = arith.constant 16 : index
      %get3A_1648 = tpu.vector_load %arg18[%get3A_1646, %get3A_1647] {strides = array<i32>} : memref<8x128xf32, #tpu.memory_space<vmem>>, vector<1x16xf32>,
      %get3A_1649 = vector.shape_cast %get3A_1648 : vector<1x16xf32> to vector<16xf32>
      %add3A_1650 = arith.addf %add3A_1644, %get3A_1649 : vector<16xf32>
      %swap3A_1651 = arith.constant 7 : i32
      %swap3A_1652 = arith.index_cast %swap3A_1651 : i32 to index
      %swap3A_1653 = arith.constant 16 : index
      %swap3A_1654 = tpu.vector_load %arg20[%swap3A_1652, %swap3A_1653] {strides = array<i32>} : memref<8x128xf32, #tpu.memory_space<vmem>>, vector<1x16xf32>,
      %swap3A_1655 = vector.shape_cast %swap3A_1654 : vector<1x16xf32> to vector<16xf32>
      %swap3A_1656 = vector.shape_cast %add3A_1650 : vector<16xf32> to vector<1x16xf32>
      tpu.vector_store %arg20[%swap3A_1652, %swap3A_1653], %swap3A_1656 {strides = array<i32>} : memref<8x128xf32, #tpu.memory_space<vmem>>, vector<1x16xf32>,
      %get3A_1657 = arith.constant 7 : i32
      %get3A_1658 = arith.index_cast %get3A_1657 : i32 to index
      %get3A_1659 = arith.constant 32 : index
      %get3A_1660 = tpu.vector_load %arg17[%get3A_1658, %get3A_1659] {strides = array<i32>} : memref<8x128xf32, #tpu.memory_space<vmem>>, vector<1x16xf32>,
      %get3A_1661 = vector.shape_cast %get3A_1660 : vector<1x16xf32> to vector<16xf32>
      %mul3A_1662 = arith.mulf %get3A_1661, %select_n3A_1608 : vector<16xf32>
      %get3A_1663 = arith.constant 7 : i32
      %get3A_1664 = arith.index_cast %get3A_1663 : i32 to index
      %get3A_1665 = arith.constant 32 : index
      %get3A_1666 = tpu.vector_load %arg19[%get3A_1664, %get3A_1665] {strides = array<i32>} : memref<8x128xf32, #tpu.memory_space<vmem>>, vector<1x16xf32>,
      %get3A_1667 = vector.shape_cast %get3A_1666 : vector<1x16xf32> to vector<16xf32>
      %add3A_1668 = arith.addf %mul3A_1662, %get3A_1667 : vector<16xf32>
      %get3A_1669 = arith.constant 7 : i32
      %get3A_1670 = arith.index_cast %get3A_1669 : i32 to index
      %get3A_1671 = arith.constant 32 : index
      %get3A_1672 = tpu.vector_load %arg18[%get3A_1670, %get3A_1671] {strides = array<i32>} : memref<8x128xf32, #tpu.memory_space<vmem>>, vector<1x16xf32>,
      %get3A_1673 = vector.shape_cast %get3A_1672 : vector<1x16xf32> to vector<16xf32>
      %add3A_1674 = arith.addf %add3A_1668, %get3A_1673 : vector<16xf32>
      %swap3A_1675 = arith.constant 7 : i32
      %swap3A_1676 = arith.index_cast %swap3A_1675 : i32 to index
      %swap3A_1677 = arith.constant 32 : index
      %swap3A_1678 = tpu.vector_load %arg20[%swap3A_1676, %swap3A_1677] {strides = array<i32>} : memref<8x128xf32, #tpu.memory_space<vmem>>, vector<1x16xf32>,
      %swap3A_1679 = vector.shape_cast %swap3A_1678 : vector<1x16xf32> to vector<16xf32>
      %swap3A_1680 = vector.shape_cast %add3A_1674 : vector<16xf32> to vector<1x16xf32>
      tpu.vector_store %arg20[%swap3A_1676, %swap3A_1677], %swap3A_1680 {strides = array<i32>} : memref<8x128xf32, #tpu.memory_space<vmem>>, vector<1x16xf32>,
      %get3A_1681 = arith.constant 7 : i32
      %get3A_1682 = arith.index_cast %get3A_1681 : i32 to index
      %get3A_1683 = arith.constant 48 : index
      %get3A_1684 = tpu.vector_load %arg17[%get3A_1682, %get3A_1683] {strides = array<i32>} : memref<8x128xf32, #tpu.memory_space<vmem>>, vector<1x16xf32>,
      %get3A_1685 = vector.shape_cast %get3A_1684 : vector<1x16xf32> to vector<16xf32>
      %mul3A_1686 = arith.mulf %get3A_1685, %select_n3A_1608 : vector<16xf32>
      %get3A_1687 = arith.constant 7 : i32
      %get3A_1688 = arith.index_cast %get3A_1687 : i32 to index
      %get3A_1689 = arith.constant 48 : index
      %get3A_1690 = tpu.vector_load %arg19[%get3A_1688, %get3A_1689] {strides = array<i32>} : memref<8x128xf32, #tpu.memory_space<vmem>>, vector<1x16xf32>,
      %get3A_1691 = vector.shape_cast %get3A_1690 : vector<1x16xf32> to vector<16xf32>
      %add3A_1692 = arith.addf %mul3A_1686, %get3A_1691 : vector<16xf32>
      %get3A_1693 = arith.constant 7 : i32
      %get3A_1694 = arith.index_cast %get3A_1693 : i32 to index
      %get3A_1695 = arith.constant 48 : index
      %get3A_1696 = tpu.vector_load %arg18[%get3A_1694, %get3A_1695] {strides = array<i32>} : memref<8x128xf32, #tpu.memory_space<vmem>>, vector<1x16xf32>,
      %get3A_1697 = vector.shape_cast %get3A_1696 : vector<1x16xf32> to vector<16xf32>
      %add3A_1698 = arith.addf %add3A_1692, %get3A_1697 : vector<16xf32>
      %swap3A_1699 = arith.constant 7 : i32
      %swap3A_1700 = arith.index_cast %swap3A_1699 : i32 to index
      %swap3A_1701 = arith.constant 48 : index
      %swap3A_1702 = tpu.vector_load %arg20[%swap3A_1700, %swap3A_1701] {strides = array<i32>} : memref<8x128xf32, #tpu.memory_space<vmem>>, vector<1x16xf32>,
      %swap3A_1703 = vector.shape_cast %swap3A_1702 : vector<1x16xf32> to vector<16xf32>
      %swap3A_1704 = vector.shape_cast %add3A_1698 : vector<16xf32> to vector<1x16xf32>
      tpu.vector_store %arg20[%swap3A_1700, %swap3A_1701], %swap3A_1704 {strides = array<i32>} : memref<8x128xf32, #tpu.memory_space<vmem>>, vector<1x16xf32>,
      %get3A_1705 = arith.constant 7 : i32
      %get3A_1706 = arith.index_cast %get3A_1705 : i32 to index
      %get3A_1707 = arith.constant 64 : index
      %get3A_1708 = tpu.vector_load %arg17[%get3A_1706, %get3A_1707] {strides = array<i32>} : memref<8x128xf32, #tpu.memory_space<vmem>>, vector<1x16xf32>,
      %get3A_1709 = vector.shape_cast %get3A_1708 : vector<1x16xf32> to vector<16xf32>
      %mul3A_1710 = arith.mulf %get3A_1709, %select_n3A_1608 : vector<16xf32>
      %get3A_1711 = arith.constant 7 : i32
      %get3A_1712 = arith.index_cast %get3A_1711 : i32 to index
      %get3A_1713 = arith.constant 64 : index
      %get3A_1714 = tpu.vector_load %arg19[%get3A_1712, %get3A_1713] {strides = array<i32>} : memref<8x128xf32, #tpu.memory_space<vmem>>, vector<1x16xf32>,
      %get3A_1715 = vector.shape_cast %get3A_1714 : vector<1x16xf32> to vector<16xf32>
      %add3A_1716 = arith.addf %mul3A_1710, %get3A_1715 : vector<16xf32>
      %get3A_1717 = arith.constant 7 : i32
      %get3A_1718 = arith.index_cast %get3A_1717 : i32 to index
      %get3A_1719 = arith.constant 64 : index
      %get3A_1720 = tpu.vector_load %arg18[%get3A_1718, %get3A_1719] {strides = array<i32>} : memref<8x128xf32, #tpu.memory_space<vmem>>, vector<1x16xf32>,
      %get3A_1721 = vector.shape_cast %get3A_1720 : vector<1x16xf32> to vector<16xf32>
      %add3A_1722 = arith.addf %add3A_1716, %get3A_1721 : vector<16xf32>
      %swap3A_1723 = arith.constant 7 : i32
      %swap3A_1724 = arith.index_cast %swap3A_1723 : i32 to index
      %swap3A_1725 = arith.constant 64 : index
      %swap3A_1726 = tpu.vector_load %arg20[%swap3A_1724, %swap3A_1725] {strides = array<i32>} : memref<8x128xf32, #tpu.memory_space<vmem>>, vector<1x16xf32>,
      %swap3A_1727 = vector.shape_cast %swap3A_1726 : vector<1x16xf32> to vector<16xf32>
      %swap3A_1728 = vector.shape_cast %add3A_1722 : vector<16xf32> to vector<1x16xf32>
      tpu.vector_store %arg20[%swap3A_1724, %swap3A_1725], %swap3A_1728 {strides = array<i32>} : memref<8x128xf32, #tpu.memory_space<vmem>>, vector<1x16xf32>,
      %get3A_1729 = arith.constant 7 : i32
      %get3A_1730 = arith.index_cast %get3A_1729 : i32 to index
      %get3A_1731 = arith.constant 80 : index
      %get3A_1732 = tpu.vector_load %arg17[%get3A_1730, %get3A_1731] {strides = array<i32>} : memref<8x128xf32, #tpu.memory_space<vmem>>, vector<1x16xf32>,
      %get3A_1733 = vector.shape_cast %get3A_1732 : vector<1x16xf32> to vector<16xf32>
      %mul3A_1734 = arith.mulf %get3A_1733, %select_n3A_1608 : vector<16xf32>
      %get3A_1735 = arith.constant 7 : i32
      %get3A_1736 = arith.index_cast %get3A_1735 : i32 to index
      %get3A_1737 = arith.constant 80 : index
      %get3A_1738 = tpu.vector_load %arg19[%get3A_1736, %get3A_1737] {strides = array<i32>} : memref<8x128xf32, #tpu.memory_space<vmem>>, vector<1x16xf32>,
      %get3A_1739 = vector.shape_cast %get3A_1738 : vector<1x16xf32> to vector<16xf32>
      %add3A_1740 = arith.addf %mul3A_1734, %get3A_1739 : vector<16xf32>
      %get3A_1741 = arith.constant 7 : i32
      %get3A_1742 = arith.index_cast %get3A_1741 : i32 to index
      %get3A_1743 = arith.constant 80 : index
      %get3A_1744 = tpu.vector_load %arg18[%get3A_1742, %get3A_1743] {strides = array<i32>} : memref<8x128xf32, #tpu.memory_space<vmem>>, vector<1x16xf32>,
      %get3A_1745 = vector.shape_cast %get3A_1744 : vector<1x16xf32> to vector<16xf32>
      %add3A_1746 = arith.addf %add3A_1740, %get3A_1745 : vector<16xf32>
      %swap3A_1747 = arith.constant 7 : i32
      %swap3A_1748 = arith.index_cast %swap3A_1747 : i32 to index
      %swap3A_1749 = arith.constant 80 : index
      %swap3A_1750 = tpu.vector_load %arg20[%swap3A_1748, %swap3A_1749] {strides = array<i32>} : memref<8x128xf32, #tpu.memory_space<vmem>>, vector<1x16xf32>,
      %swap3A_1751 = vector.shape_cast %swap3A_1750 : vector<1x16xf32> to vector<16xf32>
      %swap3A_1752 = vector.shape_cast %add3A_1746 : vector<16xf32> to vector<1x16xf32>
      tpu.vector_store %arg20[%swap3A_1748, %swap3A_1749], %swap3A_1752 {strides = array<i32>} : memref<8x128xf32, #tpu.memory_space<vmem>>, vector<1x16xf32>,
      %get3A_1753 = arith.constant 7 : i32
      %get3A_1754 = arith.index_cast %get3A_1753 : i32 to index
      %get3A_1755 = arith.constant 96 : index
      %get3A_1756 = tpu.vector_load %arg17[%get3A_1754, %get3A_1755] {strides = array<i32>} : memref<8x128xf32, #tpu.memory_space<vmem>>, vector<1x16xf32>,
      %get3A_1757 = vector.shape_cast %get3A_1756 : vector<1x16xf32> to vector<16xf32>
      %mul3A_1758 = arith.mulf %get3A_1757, %select_n3A_1608 : vector<16xf32>
      %get3A_1759 = arith.constant 7 : i32
      %get3A_1760 = arith.index_cast %get3A_1759 : i32 to index
      %get3A_1761 = arith.constant 96 : index
      %get3A_1762 = tpu.vector_load %arg19[%get3A_1760, %get3A_1761] {strides = array<i32>} : memref<8x128xf32, #tpu.memory_space<vmem>>, vector<1x16xf32>,
      %get3A_1763 = vector.shape_cast %get3A_1762 : vector<1x16xf32> to vector<16xf32>
      %add3A_1764 = arith.addf %mul3A_1758, %get3A_1763 : vector<16xf32>
      %get3A_1765 = arith.constant 7 : i32
      %get3A_1766 = arith.index_cast %get3A_1765 : i32 to index
      %get3A_1767 = arith.constant 96 : index
      %get3A_1768 = tpu.vector_load %arg18[%get3A_1766, %get3A_1767] {strides = array<i32>} : memref<8x128xf32, #tpu.memory_space<vmem>>, vector<1x16xf32>,
      %get3A_1769 = vector.shape_cast %get3A_1768 : vector<1x16xf32> to vector<16xf32>
      %add3A_1770 = arith.addf %add3A_1764, %get3A_1769 : vector<16xf32>
      %swap3A_1771 = arith.constant 7 : i32
      %swap3A_1772 = arith.index_cast %swap3A_1771 : i32 to index
      %swap3A_1773 = arith.constant 96 : index
      %swap3A_1774 = tpu.vector_load %arg20[%swap3A_1772, %swap3A_1773] {strides = array<i32>} : memref<8x128xf32, #tpu.memory_space<vmem>>, vector<1x16xf32>,
      %swap3A_1775 = vector.shape_cast %swap3A_1774 : vector<1x16xf32> to vector<16xf32>
      %swap3A_1776 = vector.shape_cast %add3A_1770 : vector<16xf32> to vector<1x16xf32>
      tpu.vector_store %arg20[%swap3A_1772, %swap3A_1773], %swap3A_1776 {strides = array<i32>} : memref<8x128xf32, #tpu.memory_space<vmem>>, vector<1x16xf32>,
      %get3A_1777 = arith.constant 7 : i32
      %get3A_1778 = arith.index_cast %get3A_1777 : i32 to index
      %get3A_1779 = arith.constant 112 : index
      %get3A_1780 = tpu.vector_load %arg17[%get3A_1778, %get3A_1779] {strides = array<i32>} : memref<8x128xf32, #tpu.memory_space<vmem>>, vector<1x16xf32>,
      %get3A_1781 = vector.shape_cast %get3A_1780 : vector<1x16xf32> to vector<16xf32>
      %mul3A_1782 = arith.mulf %get3A_1781, %select_n3A_1608 : vector<16xf32>
      %get3A_1783 = arith.constant 7 : i32
      %get3A_1784 = arith.index_cast %get3A_1783 : i32 to index
      %get3A_1785 = arith.constant 112 : index
      %get3A_1786 = tpu.vector_load %arg19[%get3A_1784, %get3A_1785] {strides = array<i32>} : memref<8x128xf32, #tpu.memory_space<vmem>>, vector<1x16xf32>,
      %get3A_1787 = vector.shape_cast %get3A_1786 : vector<1x16xf32> to vector<16xf32>
      %add3A_1788 = arith.addf %mul3A_1782, %get3A_1787 : vector<16xf32>
      %get3A_1789 = arith.constant 7 : i32
      %get3A_1790 = arith.index_cast %get3A_1789 : i32 to index
      %get3A_1791 = arith.constant 112 : index
      %get3A_1792 = tpu.vector_load %arg18[%get3A_1790, %get3A_1791] {strides = array<i32>} : memref<8x128xf32, #tpu.memory_space<vmem>>, vector<1x16xf32>,
      %get3A_1793 = vector.shape_cast %get3A_1792 : vector<1x16xf32> to vector<16xf32>
      %add3A_1794 = arith.addf %add3A_1788, %get3A_1793 : vector<16xf32>
      %swap3A_1795 = arith.constant 7 : i32
      %swap3A_1796 = arith.index_cast %swap3A_1795 : i32 to index
      %swap3A_1797 = arith.constant 112 : index
      %swap3A_1798 = tpu.vector_load %arg20[%swap3A_1796, %swap3A_1797] {strides = array<i32>} : memref<8x128xf32, #tpu.memory_space<vmem>>, vector<1x16xf32>,
      %swap3A_1799 = vector.shape_cast %swap3A_1798 : vector<1x16xf32> to vector<16xf32>
      %swap3A_1800 = vector.shape_cast %add3A_1794 : vector<16xf32> to vector<1x16xf32>
      tpu.vector_store %arg20[%swap3A_1796, %swap3A_1797], %swap3A_1800 {strides = array<i32>} : memref<8x128xf32, #tpu.memory_space<vmem>>, vector<1x16xf32>,
      %add3A_1801 = arith.constant 8 : i32
      %add3A_1802 = arith.addi %mul3A_0, %add3A_1801 : i32
      %le3A = arith.constant 30 : i32
      %le3A_1803 = arith.cmpi sle, %add3A_1802, %le3A : i32
      %convert_element_type3A_1804 = arith.extui %le3A_1803 : i1 to i32
      %cond3A_1805 = arith.constant 0 : i32
      %cond3A_1806 = arith.cmpi ne, %convert_element_type3A_1804, %cond3A_1805 : i32
      scf.if %cond3A_1806 {
        "tpu.region"() ({
          %run_scoped3A = tpu.sem_alloc : memref<!tpu.dma_semaphore, #tpu.memory_space<semaphore_mem>>
          %dma_start3A_1813 = arith.constant 0 : i32
          %dma_start3A_1814 = tpu.memref_slice %arg9[%mul3A_0, %dma_start3A_1813] : memref<30x128xf32, #tpu.memory_space<hbm>> -> memref<8x128xf32, #tpu.memory_space<hbm>>
          %dma_start3A_1815 = arith.constant 0 : i32
          %dma_start3A_1816 = tpu.memref_slice %arg9[%mul3A_0, %dma_start3A_1815] : memref<30x128xf32, #tpu.memory_space<hbm>> -> memref<8x128xf32, #tpu.memory_space<hbm>>
          tpu.enqueue_dma source(%arg20 : memref<8x128xf32, #tpu.memory_space<vmem>>) target(%dma_start3A_1816 : memref<8x128xf32, #tpu.memory_space<hbm>>) target_semaphore(%run_scoped3A : memref<!tpu.dma_semaphore, #tpu.memory_space<semaphore_mem>>)
          %dma_wait3A_1817 = arith.constant 0 : i32
          %dma_wait3A_1818 = tpu.memref_slice %arg9[%mul3A_0, %dma_wait3A_1817] : memref<30x128xf32, #tpu.memory_space<hbm>> -> memref<8x128xf32, #tpu.memory_space<hbm>>
          %dma_wait3A_1819 = arith.constant 0 : i32
          %dma_wait3A_1820 = tpu.memref_slice %arg9[%mul3A_0, %dma_wait3A_1819] : memref<30x128xf32, #tpu.memory_space<hbm>> -> memref<8x128xf32, #tpu.memory_space<hbm>>
          tpu.wait_dma2 semaphore(%run_scoped3A : memref<!tpu.dma_semaphore, #tpu.memory_space<semaphore_mem>>) src(%arg20 : memref<8x128xf32, #tpu.memory_space<vmem>>) dst(%dma_wait3A_1820 : memref<8x128xf32, #tpu.memory_space<hbm>>)
          tpu.yield
        }) : () -> ()
      } else {
      }
      %add3A_1807 = arith.constant 8 : i32
      %add3A_1808 = arith.addi %mul3A_0, %add3A_1807 : i32
      %gt3A = arith.constant 30 : i32
      %gt3A_1809 = arith.cmpi sgt, %add3A_1808, %gt3A : i32
      %convert_element_type3A_1810 = arith.extui %gt3A_1809 : i1 to i32
      %cond3A_1811 = arith.constant 0 : i32
      %cond3A_1812 = arith.cmpi ne, %convert_element_type3A_1810, %cond3A_1811 : i32
      scf.if %cond3A_1812 {
        %add3A_1813 = arith.constant 0 : i32
        %add3A_1814 = arith.addi %mul3A_0, %add3A_1813 : i32
        %dma_start3A_1815 = arith.constant 0 : i32
        %dma_start3A_1816 = arith.constant 0 : i32
        %dma_start3A_1817 = tpu.memref_slice %arg20[%dma_start3A_1815, %dma_start3A_1816] : memref<8x128xf32, #tpu.memory_space<vmem>> -> memref<1x128xf32, #tpu.memory_space<vmem>>
        %dma_start3A_1818 = arith.constant 0 : i32
        %dma_start3A_1819 = tpu.memref_slice %arg9[%add3A_1814, %dma_start3A_1818] : memref<30x128xf32, #tpu.memory_space<hbm>> -> memref<1x128xf32, #tpu.memory_space<hbm>>
        %dma_start3A_1820 = arith.constant 0 : i32
        %dma_start3A_1821 = tpu.memref_slice %arg9[%add3A_1814, %dma_start3A_1820] : memref<30x128xf32, #tpu.memory_space<hbm>> -> memref<1x128xf32, #tpu.memory_space<hbm>>
        %dma_start3A_1822 = arith.constant 0 : i32
        %dma_start3A_1823 = arith.constant 0 : i32
        %dma_start3A_1824 = tpu.memref_slice %arg20[%dma_start3A_1822, %dma_start3A_1823] : memref<8x128xf32, #tpu.memory_space<vmem>> -> memref<1x128xf32, #tpu.memory_space<vmem>>
        tpu.enqueue_dma source(%dma_start3A_1824 : memref<1x128xf32, #tpu.memory_space<vmem>>) target(%dma_start3A_1821 : memref<1x128xf32, #tpu.memory_space<hbm>>) target_semaphore(%arg23 : memref<!tpu.dma_semaphore, #tpu.memory_space<semaphore_mem>>)
        %add3A_1825 = arith.constant 1 : i32
        %add3A_1826 = arith.addi %mul3A_0, %add3A_1825 : i32
        %dma_start3A_1827 = arith.constant 1 : i32
        %dma_start3A_1828 = arith.constant 0 : i32
        %dma_start3A_1829 = tpu.memref_slice %arg20[%dma_start3A_1827, %dma_start3A_1828] : memref<8x128xf32, #tpu.memory_space<vmem>> -> memref<1x128xf32, #tpu.memory_space<vmem>>
        %dma_start3A_1830 = arith.constant 0 : i32
        %dma_start3A_1831 = tpu.memref_slice %arg9[%add3A_1826, %dma_start3A_1830] : memref<30x128xf32, #tpu.memory_space<hbm>> -> memref<1x128xf32, #tpu.memory_space<hbm>>
        %dma_start3A_1832 = arith.constant 0 : i32
        %dma_start3A_1833 = tpu.memref_slice %arg9[%add3A_1826, %dma_start3A_1832] : memref<30x128xf32, #tpu.memory_space<hbm>> -> memref<1x128xf32, #tpu.memory_space<hbm>>
        %dma_start3A_1834 = arith.constant 1 : i32
        %dma_start3A_1835 = arith.constant 0 : i32
        %dma_start3A_1836 = tpu.memref_slice %arg20[%dma_start3A_1834, %dma_start3A_1835] : memref<8x128xf32, #tpu.memory_space<vmem>> -> memref<1x128xf32, #tpu.memory_space<vmem>>
        tpu.enqueue_dma source(%dma_start3A_1836 : memref<1x128xf32, #tpu.memory_space<vmem>>) target(%dma_start3A_1833 : memref<1x128xf32, #tpu.memory_space<hbm>>) target_semaphore(%arg23 : memref<!tpu.dma_semaphore, #tpu.memory_space<semaphore_mem>>)
        %add3A_1837 = arith.constant 2 : i32
        %add3A_1838 = arith.addi %mul3A_0, %add3A_1837 : i32
        %dma_start3A_1839 = arith.constant 2 : i32
        %dma_start3A_1840 = arith.constant 0 : i32
        %dma_start3A_1841 = tpu.memref_slice %arg20[%dma_start3A_1839, %dma_start3A_1840] : memref<8x128xf32, #tpu.memory_space<vmem>> -> memref<1x128xf32, #tpu.memory_space<vmem>>
        %dma_start3A_1842 = arith.constant 0 : i32
        %dma_start3A_1843 = tpu.memref_slice %arg9[%add3A_1838, %dma_start3A_1842] : memref<30x128xf32, #tpu.memory_space<hbm>> -> memref<1x128xf32, #tpu.memory_space<hbm>>
        %dma_start3A_1844 = arith.constant 0 : i32
        %dma_start3A_1845 = tpu.memref_slice %arg9[%add3A_1838, %dma_start3A_1844] : memref<30x128xf32, #tpu.memory_space<hbm>> -> memref<1x128xf32, #tpu.memory_space<hbm>>
        %dma_start3A_1846 = arith.constant 2 : i32
        %dma_start3A_1847 = arith.constant 0 : i32
        %dma_start3A_1848 = tpu.memref_slice %arg20[%dma_start3A_1846, %dma_start3A_1847] : memref<8x128xf32, #tpu.memory_space<vmem>> -> memref<1x128xf32, #tpu.memory_space<vmem>>
        tpu.enqueue_dma source(%dma_start3A_1848 : memref<1x128xf32, #tpu.memory_space<vmem>>) target(%dma_start3A_1845 : memref<1x128xf32, #tpu.memory_space<hbm>>) target_semaphore(%arg23 : memref<!tpu.dma_semaphore, #tpu.memory_space<semaphore_mem>>)
        %add3A_1849 = arith.constant 3 : i32
        %add3A_1850 = arith.addi %mul3A_0, %add3A_1849 : i32
        %dma_start3A_1851 = arith.constant 3 : i32
        %dma_start3A_1852 = arith.constant 0 : i32
        %dma_start3A_1853 = tpu.memref_slice %arg20[%dma_start3A_1851, %dma_start3A_1852] : memref<8x128xf32, #tpu.memory_space<vmem>> -> memref<1x128xf32, #tpu.memory_space<vmem>>
        %dma_start3A_1854 = arith.constant 0 : i32
        %dma_start3A_1855 = tpu.memref_slice %arg9[%add3A_1850, %dma_start3A_1854] : memref<30x128xf32, #tpu.memory_space<hbm>> -> memref<1x128xf32, #tpu.memory_space<hbm>>
        %dma_start3A_1856 = arith.constant 0 : i32
        %dma_start3A_1857 = tpu.memref_slice %arg9[%add3A_1850, %dma_start3A_1856] : memref<30x128xf32, #tpu.memory_space<hbm>> -> memref<1x128xf32, #tpu.memory_space<hbm>>
        %dma_start3A_1858 = arith.constant 3 : i32
        %dma_start3A_1859 = arith.constant 0 : i32
        %dma_start3A_1860 = tpu.memref_slice %arg20[%dma_start3A_1858, %dma_start3A_1859] : memref<8x128xf32, #tpu.memory_space<vmem>> -> memref<1x128xf32, #tpu.memory_space<vmem>>
        tpu.enqueue_dma source(%dma_start3A_1860 : memref<1x128xf32, #tpu.memory_space<vmem>>) target(%dma_start3A_1857 : memref<1x128xf32, #tpu.memory_space<hbm>>) target_semaphore(%arg23 : memref<!tpu.dma_semaphore, #tpu.memory_space<semaphore_mem>>)
        %add3A_1861 = arith.constant 4 : i32
        %add3A_1862 = arith.addi %mul3A_0, %add3A_1861 : i32
        %dma_start3A_1863 = arith.constant 4 : i32
        %dma_start3A_1864 = arith.constant 0 : i32
        %dma_start3A_1865 = tpu.memref_slice %arg20[%dma_start3A_1863, %dma_start3A_1864] : memref<8x128xf32, #tpu.memory_space<vmem>> -> memref<1x128xf32, #tpu.memory_space<vmem>>
        %dma_start3A_1866 = arith.constant 0 : i32
        %dma_start3A_1867 = tpu.memref_slice %arg9[%add3A_1862, %dma_start3A_1866] : memref<30x128xf32, #tpu.memory_space<hbm>> -> memref<1x128xf32, #tpu.memory_space<hbm>>
        %dma_start3A_1868 = arith.constant 0 : i32
        %dma_start3A_1869 = tpu.memref_slice %arg9[%add3A_1862, %dma_start3A_1868] : memref<30x128xf32, #tpu.memory_space<hbm>> -> memref<1x128xf32, #tpu.memory_space<hbm>>
        %dma_start3A_1870 = arith.constant 4 : i32
        %dma_start3A_1871 = arith.constant 0 : i32
        %dma_start3A_1872 = tpu.memref_slice %arg20[%dma_start3A_1870, %dma_start3A_1871] : memref<8x128xf32, #tpu.memory_space<vmem>> -> memref<1x128xf32, #tpu.memory_space<vmem>>
        tpu.enqueue_dma source(%dma_start3A_1872 : memref<1x128xf32, #tpu.memory_space<vmem>>) target(%dma_start3A_1869 : memref<1x128xf32, #tpu.memory_space<hbm>>) target_semaphore(%arg23 : memref<!tpu.dma_semaphore, #tpu.memory_space<semaphore_mem>>)
        %add3A_1873 = arith.constant 5 : i32
        %add3A_1874 = arith.addi %mul3A_0, %add3A_1873 : i32
        %dma_start3A_1875 = arith.constant 5 : i32
        %dma_start3A_1876 = arith.constant 0 : i32
        %dma_start3A_1877 = tpu.memref_slice %arg20[%dma_start3A_1875, %dma_start3A_1876] : memref<8x128xf32, #tpu.memory_space<vmem>> -> memref<1x128xf32, #tpu.memory_space<vmem>>
        %dma_start3A_1878 = arith.constant 0 : i32
        %dma_start3A_1879 = tpu.memref_slice %arg9[%add3A_1874, %dma_start3A_1878] : memref<30x128xf32, #tpu.memory_space<hbm>> -> memref<1x128xf32, #tpu.memory_space<hbm>>
        %dma_start3A_1880 = arith.constant 0 : i32
        %dma_start3A_1881 = tpu.memref_slice %arg9[%add3A_1874, %dma_start3A_1880] : memref<30x128xf32, #tpu.memory_space<hbm>> -> memref<1x128xf32, #tpu.memory_space<hbm>>
        %dma_start3A_1882 = arith.constant 5 : i32
        %dma_start3A_1883 = arith.constant 0 : i32
        %dma_start3A_1884 = tpu.memref_slice %arg20[%dma_start3A_1882, %dma_start3A_1883] : memref<8x128xf32, #tpu.memory_space<vmem>> -> memref<1x128xf32, #tpu.memory_space<vmem>>
        tpu.enqueue_dma source(%dma_start3A_1884 : memref<1x128xf32, #tpu.memory_space<vmem>>) target(%dma_start3A_1881 : memref<1x128xf32, #tpu.memory_space<hbm>>) target_semaphore(%arg23 : memref<!tpu.dma_semaphore, #tpu.memory_space<semaphore_mem>>)
        %dma_wait3A_1885 = arith.constant 0 : i32
        %dma_wait3A_1886 = arith.constant 0 : i32
        %dma_wait3A_1887 = tpu.memref_slice %arg20[%dma_wait3A_1885, %dma_wait3A_1886] : memref<8x128xf32, #tpu.memory_space<vmem>> -> memref<1x128xf32, #tpu.memory_space<vmem>>
        %dma_wait3A_1888 = arith.constant 0 : i32
        %dma_wait3A_1889 = tpu.memref_slice %arg9[%add3A_1814, %dma_wait3A_1888] : memref<30x128xf32, #tpu.memory_space<hbm>> -> memref<1x128xf32, #tpu.memory_space<hbm>>
        %dma_wait3A_1890 = arith.constant 0 : i32
        %dma_wait3A_1891 = tpu.memref_slice %arg9[%add3A_1814, %dma_wait3A_1890] : memref<30x128xf32, #tpu.memory_space<hbm>> -> memref<1x128xf32, #tpu.memory_space<hbm>>
        %dma_wait3A_1892 = arith.constant 0 : i32
        %dma_wait3A_1893 = arith.constant 0 : i32
        %dma_wait3A_1894 = tpu.memref_slice %arg20[%dma_wait3A_1892, %dma_wait3A_1893] : memref<8x128xf32, #tpu.memory_space<vmem>> -> memref<1x128xf32, #tpu.memory_space<vmem>>
        tpu.wait_dma2 semaphore(%arg23 : memref<!tpu.dma_semaphore, #tpu.memory_space<semaphore_mem>>) src(%dma_wait3A_1894 : memref<1x128xf32, #tpu.memory_space<vmem>>) dst(%dma_wait3A_1891 : memref<1x128xf32, #tpu.memory_space<hbm>>)
        %dma_wait3A_1895 = arith.constant 1 : i32
        %dma_wait3A_1896 = arith.constant 0 : i32
        %dma_wait3A_1897 = tpu.memref_slice %arg20[%dma_wait3A_1895, %dma_wait3A_1896] : memref<8x128xf32, #tpu.memory_space<vmem>> -> memref<1x128xf32, #tpu.memory_space<vmem>>
        %dma_wait3A_1898 = arith.constant 0 : i32
        %dma_wait3A_1899 = tpu.memref_slice %arg9[%add3A_1826, %dma_wait3A_1898] : memref<30x128xf32, #tpu.memory_space<hbm>> -> memref<1x128xf32, #tpu.memory_space<hbm>>
        %dma_wait3A_1900 = arith.constant 0 : i32
        %dma_wait3A_1901 = tpu.memref_slice %arg9[%add3A_1826, %dma_wait3A_1900] : memref<30x128xf32, #tpu.memory_space<hbm>> -> memref<1x128xf32, #tpu.memory_space<hbm>>
        %dma_wait3A_1902 = arith.constant 1 : i32
        %dma_wait3A_1903 = arith.constant 0 : i32
        %dma_wait3A_1904 = tpu.memref_slice %arg20[%dma_wait3A_1902, %dma_wait3A_1903] : memref<8x128xf32, #tpu.memory_space<vmem>> -> memref<1x128xf32, #tpu.memory_space<vmem>>
        tpu.wait_dma2 semaphore(%arg23 : memref<!tpu.dma_semaphore, #tpu.memory_space<semaphore_mem>>) src(%dma_wait3A_1904 : memref<1x128xf32, #tpu.memory_space<vmem>>) dst(%dma_wait3A_1901 : memref<1x128xf32, #tpu.memory_space<hbm>>)
        %dma_wait3A_1905 = arith.constant 2 : i32
        %dma_wait3A_1906 = arith.constant 0 : i32
        %dma_wait3A_1907 = tpu.memref_slice %arg20[%dma_wait3A_1905, %dma_wait3A_1906] : memref<8x128xf32, #tpu.memory_space<vmem>> -> memref<1x128xf32, #tpu.memory_space<vmem>>
        %dma_wait3A_1908 = arith.constant 0 : i32
        %dma_wait3A_1909 = tpu.memref_slice %arg9[%add3A_1838, %dma_wait3A_1908] : memref<30x128xf32, #tpu.memory_space<hbm>> -> memref<1x128xf32, #tpu.memory_space<hbm>>
        %dma_wait3A_1910 = arith.constant 0 : i32
        %dma_wait3A_1911 = tpu.memref_slice %arg9[%add3A_1838, %dma_wait3A_1910] : memref<30x128xf32, #tpu.memory_space<hbm>> -> memref<1x128xf32, #tpu.memory_space<hbm>>
        %dma_wait3A_1912 = arith.constant 2 : i32
        %dma_wait3A_1913 = arith.constant 0 : i32
        %dma_wait3A_1914 = tpu.memref_slice %arg20[%dma_wait3A_1912, %dma_wait3A_1913] : memref<8x128xf32, #tpu.memory_space<vmem>> -> memref<1x128xf32, #tpu.memory_space<vmem>>
        tpu.wait_dma2 semaphore(%arg23 : memref<!tpu.dma_semaphore, #tpu.memory_space<semaphore_mem>>) src(%dma_wait3A_1914 : memref<1x128xf32, #tpu.memory_space<vmem>>) dst(%dma_wait3A_1911 : memref<1x128xf32, #tpu.memory_space<hbm>>)
        %dma_wait3A_1915 = arith.constant 3 : i32
        %dma_wait3A_1916 = arith.constant 0 : i32
        %dma_wait3A_1917 = tpu.memref_slice %arg20[%dma_wait3A_1915, %dma_wait3A_1916] : memref<8x128xf32, #tpu.memory_space<vmem>> -> memref<1x128xf32, #tpu.memory_space<vmem>>
        %dma_wait3A_1918 = arith.constant 0 : i32
        %dma_wait3A_1919 = tpu.memref_slice %arg9[%add3A_1850, %dma_wait3A_1918] : memref<30x128xf32, #tpu.memory_space<hbm>> -> memref<1x128xf32, #tpu.memory_space<hbm>>
        %dma_wait3A_1920 = arith.constant 0 : i32
        %dma_wait3A_1921 = tpu.memref_slice %arg9[%add3A_1850, %dma_wait3A_1920] : memref<30x128xf32, #tpu.memory_space<hbm>> -> memref<1x128xf32, #tpu.memory_space<hbm>>
        %dma_wait3A_1922 = arith.constant 3 : i32
        %dma_wait3A_1923 = arith.constant 0 : i32
        %dma_wait3A_1924 = tpu.memref_slice %arg20[%dma_wait3A_1922, %dma_wait3A_1923] : memref<8x128xf32, #tpu.memory_space<vmem>> -> memref<1x128xf32, #tpu.memory_space<vmem>>
        tpu.wait_dma2 semaphore(%arg23 : memref<!tpu.dma_semaphore, #tpu.memory_space<semaphore_mem>>) src(%dma_wait3A_1924 : memref<1x128xf32, #tpu.memory_space<vmem>>) dst(%dma_wait3A_1921 : memref<1x128xf32, #tpu.memory_space<hbm>>)
        %dma_wait3A_1925 = arith.constant 4 : i32
        %dma_wait3A_1926 = arith.constant 0 : i32
        %dma_wait3A_1927 = tpu.memref_slice %arg20[%dma_wait3A_1925, %dma_wait3A_1926] : memref<8x128xf32, #tpu.memory_space<vmem>> -> memref<1x128xf32, #tpu.memory_space<vmem>>
        %dma_wait3A_1928 = arith.constant 0 : i32
        %dma_wait3A_1929 = tpu.memref_slice %arg9[%add3A_1862, %dma_wait3A_1928] : memref<30x128xf32, #tpu.memory_space<hbm>> -> memref<1x128xf32, #tpu.memory_space<hbm>>
        %dma_wait3A_1930 = arith.constant 0 : i32
        %dma_wait3A_1931 = tpu.memref_slice %arg9[%add3A_1862, %dma_wait3A_1930] : memref<30x128xf32, #tpu.memory_space<hbm>> -> memref<1x128xf32, #tpu.memory_space<hbm>>
        %dma_wait3A_1932 = arith.constant 4 : i32
        %dma_wait3A_1933 = arith.constant 0 : i32
        %dma_wait3A_1934 = tpu.memref_slice %arg20[%dma_wait3A_1932, %dma_wait3A_1933] : memref<8x128xf32, #tpu.memory_space<vmem>> -> memref<1x128xf32, #tpu.memory_space<vmem>>
        tpu.wait_dma2 semaphore(%arg23 : memref<!tpu.dma_semaphore, #tpu.memory_space<semaphore_mem>>) src(%dma_wait3A_1934 : memref<1x128xf32, #tpu.memory_space<vmem>>) dst(%dma_wait3A_1931 : memref<1x128xf32, #tpu.memory_space<hbm>>)
        %dma_wait3A_1935 = arith.constant 5 : i32
        %dma_wait3A_1936 = arith.constant 0 : i32
        %dma_wait3A_1937 = tpu.memref_slice %arg20[%dma_wait3A_1935, %dma_wait3A_1936] : memref<8x128xf32, #tpu.memory_space<vmem>> -> memref<1x128xf32, #tpu.memory_space<vmem>>
        %dma_wait3A_1938 = arith.constant 0 : i32
        %dma_wait3A_1939 = tpu.memref_slice %arg9[%add3A_1874, %dma_wait3A_1938] : memref<30x128xf32, #tpu.memory_space<hbm>> -> memref<1x128xf32, #tpu.memory_space<hbm>>
        %dma_wait3A_1940 = arith.constant 0 : i32
        %dma_wait3A_1941 = tpu.memref_slice %arg9[%add3A_1874, %dma_wait3A_1940] : memref<30x128xf32, #tpu.memory_space<hbm>> -> memref<1x128xf32, #tpu.memory_space<hbm>>
        %dma_wait3A_1942 = arith.constant 5 : i32
        %dma_wait3A_1943 = arith.constant 0 : i32
        %dma_wait3A_1944 = tpu.memref_slice %arg20[%dma_wait3A_1942, %dma_wait3A_1943] : memref<8x128xf32, #tpu.memory_space<vmem>> -> memref<1x128xf32, #tpu.memory_space<vmem>>
        tpu.wait_dma2 semaphore(%arg23 : memref<!tpu.dma_semaphore, #tpu.memory_space<semaphore_mem>>) src(%dma_wait3A_1944 : memref<1x128xf32, #tpu.memory_space<vmem>>) dst(%dma_wait3A_1941 : memref<1x128xf32, #tpu.memory_space<hbm>>)
      } else {
      }
    } else {
    }
    return
  }
}

</mosaic_0001>

<sc_bundles>
// kernel: kernel.3.cloned.1.call-start
scs
__scs_entry_jumppad:
0x0: {  	(pc) =	sbr.rel $0x88, $3  }
0x1: {  	(tag) =	ssettag $0x0;
	lr =	simm.s32 $0x1  }
0x2: {  	[smem:$0x3F9A] =	sst lr;
	_ =	strace $0xD0000000  }
0x3: {  	_ = 	snop  }
0x4: {  	_ = 	snop  }
0x5: {  	_ = 	snop  }
0x6: {  	_ = 	snop  }
0x7: {  	_ = 	snop  }
__scs_overlays_trampoline_lowered:
0x8: {  	[smem:$0x3FA9] =	sst s0  }
0x9: {  	[smem:$0x3FAA] =	sst s1  }
0xa: {  	[smem:$0x3FAB] =	sst s2  }
0xb: {  	[smem:$0x3FAC] =	sst s3  }
0xc: {  	[smem:$0x3FAD] =	sst s4  }
0xd: {  	[smem:$0x3FAE] =	sst s5  }
0xe: {  	[smem:$0x3FAF] =	sst s6  }
0xf: {  	[smem:$0x3FB0] =	sst s7  }
0x10: {  	[smem:$0x3FB1] =	sst s8  }
0x11: {  	[smem:$0x3FB2] =	sst s9;
	s0 =	simm.s32 @!p0 $0x0  }
0x12: {  	s1 =	sld [smem:$0x3F98];
	s0 =	simm.s32 @p0 $0x1  }
0x13: {  	[smem:$0x3FB3] =	sst s0;
	s0 =	simm.s32 @!p1 $0x0  }
0x14: {  	s2 =	sld [smem:$0x3F97];
	s0 =	simm.s32 @p1 $0x1  }
0x15: {  	[smem:$0x3FB4] =	sst s0;
	s0 =	simm.s32 @!p2 $0x0  }
0x16: {  	s3 =	sld [smem:$0x3FDB];
	s0 =	simm.s32 @p2 $0x1  }
0x17: {  	s4 =	simm.s32 $0x1BF5;
	[smem:$0x3FB6] =	sst s0  }
0x18: {  	s0 =	sld [smem:$0x3F99];
	_ =	swait.ge [sflag:s4], $0x0  }
0x19: {  	s7 =	sld [smem:$0x3F9A]  }
0x1a: {  	s8 =	sadd.s32 $0xFFFFE003, lr  }
0x1b: {  	s9 =	sadd.s32 $0xFFFFFEF7, lr;
	s5 =	simm.s32 $0xFFFFFFFF;
	p2 =	slt.u32 s8, $0xFFFFF086  }
0x1c: {  	p1 =	slt.u32 s9, $0xF7A;
	s5 =	simm.s32 @!p2 $0x0  }
0x1d: {  	s5 =	simm.s32 @p1 $0x1;
	p0 =	seq.s32 s7, s2  }
0x1e: {  	s7 =	smul.u32 @!p0 $0xF7A, s2;
	p2 =	seq.s32 @!p0 s5, $0x0  }
0x1f: {  	s9 =	smul.u32 $0xF7A, s1;
	s8 =	simm.s32 @!p0 $0x1BF5;
	p2 =	por !p2, p0  }
0x20: {  	[sflag:s8] =	ssyncset.s32 @!p0 $0xFFFFF086;
	s6 =	sadd.s32 @!p0 s3, s7;
	s7 =	simm.s32 @!p0 $0x108  }
0x21: {  	s3 =	sadd.s32 s3, s9;
	s6 =	sadd.s32 @!p0 $0x88, s6;
	s7 =	simm.s32 @p2 $0x1082  }
0x22: {  	[simem:s7], [sflag:s8] =	dma.local @!p0 [hbm:s6], $0xF7A  }
0x23: {  	s9 =	sor.u32 $0xD0000000, s2;
	s6 =	simm.s32 $0x108;
	_ =	swait.ge @!p0 [sflag:s8], $0x0  }
0x24: {  	s3 =	sadd.s32 $0x88, s3;
	s6 =	simm.s32 @!p1 $0x1082;
	[sflag:s4] =	ssyncset.s32 $0xFFFFF086  }
0x25: {  	[simem:s6], [sflag:s4] =	dma.local [hbm:s3], $0xF7A  }
0x26: {  	[smem:$0x3F9A] =	sst s1;
	(tag) =	ssettag s2;
	_ =	strace s9  }
0x27: {  	s1 =	sld [smem:$0x3FAA]  }
0x28: {  	s2 =	sld [smem:$0x3FAB]  }
0x29: {  	s4 =	sld [smem:$0x3FAD]  }
0x2a: {  	p0 =	seq.s32 s5, $0x0;
	s5 =	sld [smem:$0x3FAE]  }
0x2b: {  	s6 =	sld [smem:$0x3FAF]  }
0x2c: {  	s7 =	sld [smem:$0x3FB0]  }
0x2d: {  	s3 =	simm.s32 $0x108;
	s8 =	sld [smem:$0x3FB1]  }
0x2e: {  	s3 =	simm.s32 @!p0 $0x1082;
	s9 =	sld [smem:$0x3FB2]  }
0x2f: {  	lr =	sadd.s32 s0, s3;
	s0 =	sld [smem:$0x3FA9]  }
0x30: {  	s3 =	sld [smem:$0x3FAC]  }
0x31: {  	[smem:$0x3FB5] =	sst s10  }
0x32: {  	s10 =	sld [smem:$0x3FB3];
	_ =	sdelay $0x3  }
0x33: {  	p0 =	seq.s32 s10, $0x1;
	s10 =	sld [smem:$0x3FB5];
	_ =	sdelay $0x3  }
0x34: {  	[smem:$0x3FB5] =	sst s10  }
0x35: {  	s10 =	sld [smem:$0x3FB4];
	_ =	sdelay $0x3  }
0x36: {  	p1 =	seq.s32 s10, $0x1;
	s10 =	sld [smem:$0x3FB5];
	_ =	sdelay $0x3  }
0x37: {  	[smem:$0x3FB5] =	sst s10  }
0x38: {  	s10 =	sld [smem:$0x3FB6]  }
0x39: {  	_ = 	snop;
	(pc) =	sbr.ind lr, $3  }
0x3a: {  	_ = 	snop  }
0x3b: {  	_ = 	snop  }
0x3c: {  	p2 =	seq.s32 s10, $0x1;
	s10 =	sld [smem:$0x3FB5]  }
0x3d: {  	_ =	shalt  }
0x3e: {  	_ =	shalt  }
0x3f: {  	_ =	shalt  }
0x40: {  	_ =	shalt  }
0x41: {  	_ =	shalt  }
0x42: {  	_ =	shalt  }
0x43: {  	_ =	shalt  }
0x44: {  	_ =	shalt  }
0x45: {  	_ =	shalt  }
0x46: {  	_ =	shalt  }
0x47: {  	_ =	shalt  }
0x48: {  	_ =	shalt  }
0x49: {  	_ =	shalt  }
0x4a: {  	_ =	shalt  }
0x4b: {  	_ =	shalt  }
0x4c: {  	_ =	shalt  }
0x4d: {  	_ =	shalt  }
0x4e: {  	_ =	shalt  }
0x4f: {  	_ =	shalt  }
0x50: {  	_ =	shalt  }
0x51: {  	_ =	shalt  }
0x52: {  	_ =	shalt  }
0x53: {  	_ =	shalt  }
0x54: {  	_ =	shalt  }
0x55: {  	_ =	shalt  }
0x56: {  	_ =	shalt  }
0x57: {  	_ =	shalt  }
0x58: {  	_ =	shalt  }
0x59: {  	_ =	shalt  }
0x5a: {  	_ =	shalt  }
0x5b: {  	_ =	shalt  }
0x5c: {  	_ =	shalt  }
0x5d: {  	_ =	shalt  }
0x5e: {  	_ =	shalt  }
0x5f: {  	_ =	shalt  }
0x60: {  	_ =	shalt  }
0x61: {  	_ =	shalt  }
0x62: {  	_ =	shalt  }
0x63: {  	_ =	shalt  }
0x64: {  	_ =	shalt  }
0x65: {  	_ =	shalt  }
0x66: {  	_ =	shalt  }
0x67: {  	_ =	shalt  }
0x68: {  	_ =	shalt  }
0x69: {  	_ =	shalt  }
0x6a: {  	_ =	shalt  }
0x6b: {  	_ =	shalt  }
0x6c: {  	_ =	shalt  }
0x6d: {  	_ =	shalt  }
0x6e: {  	_ =	shalt  }
0x6f: {  	_ =	shalt  }
0x70: {  	_ =	shalt  }
0x71: {  	_ =	shalt  }
0x72: {  	_ =	shalt  }
0x73: {  	_ =	shalt  }
0x74: {  	_ =	shalt  }
0x75: {  	_ =	shalt  }
0x76: {  	_ =	shalt  }
0x77: {  	_ =	shalt  }
0x78: {  	_ =	shalt  }
0x79: {  	_ =	shalt  }
0x7a: {  	_ =	shalt  }
0x7b: {  	_ =	shalt  }
0x7c: {  	_ =	shalt  }
0x7d: {  	_ =	shalt  }
0x7e: {  	_ =	shalt  }
0x7f: {  	_ =	shalt  }
0x80: {  	_ =	shalt  }
0x81: {  	_ =	shalt  }
0x82: {  	_ =	shalt  }
0x83: {  	_ =	shalt  }
0x84: {  	_ =	shalt  }
0x85: {  	_ =	shalt  }
0x86: {  	_ =	shalt  }
0x87: {  	_ =	shalt  }
.Lfunc_end0:
.L_simem_size_0:
called_computation_lowered:
.L_overlay_start_0:
0x88: {  	s0 =	sld [smem:$0x3FD9]  }
0x89: {  	s1 =	sld [smem:$0x3FFE];
	_ =	sdelay $0x3  }
0x8a: {  	s0 =	sadd.s32 s1, s0  }
0x8b: {  	[smem:$0x3FC1] =	sst s0  }
0x8c: {  	_ = 	snop  }
0x8d: {  	s0 =	sld [smem:$0x3FC9]  }
0x8e: {  	s17 =	sld [smem:$0x3FC8]  }
0x8f: {  	s2 =	sld [smem:$0x3FC7]  }
0x90: {  	s3 =	sld [smem:$0x3FC6]  }
0x91: {  	s4 =	sld [smem:$0x3FC5]  }
0x92: {  	s5 =	sld [smem:$0x3FC4]  }
0x93: {  	s6 =	sld [smem:$0x3FC3]  }
0x94: {  	s7 =	sld [smem:$0x3FD0];
	(tm) =	ssettm $0x1  }
0x95: {  	s8 =	sld [smem:$0x3FFB];
	_ =	sdelay $0x3  }
0x96: {  	_ =	strace s8  }
0x97: {  	s8 =	sld [smem:$0x3FFC];
	_ =	sdelay $0x3  }
0x98: {  	_ =	strace s8  }
0x99: {  	s8 =	sld [smem:$0x3FFD];
	_ =	sdelay $0x3  }
0x9a: {  	_ =	strace s8  }
0x9b: {  	_ =	strace $0x8FFFFFFF  }
0x9c: {  	s18 =	sld [smem:$0x3FDB];
	_ =	sdelay $0x1  }
0x9d: {  	s9 =	simm.s32 $_scs_section_size  }
0x9e: {  	s10 =	simm.s32 $_size__tile_overlayer_lowered;
	s11 =	simm.s32 $_tile_overlayer_lowered  }
0x9f: {  	s21 =	simm.s32 $0x1BFF;
	s20 =	sshll.u32 s11, $0x1;
	s8 =	sadd.s32 s9, s18  }
0xa0: {  	s12 =	simm.s32 $0x0;
	s19 =	sshll.u32 s10, $0x1;
	s10 =	sadd.s32 s20, s8  }
0xa1: {  	[timem:s12], [sflag:s21] =	dma.local [hbm:s10], s19  }
0xa2: {  	_ =	swait.ge [sflag:s21], s19  }
0xa3: {  	s9 =	ssub.s32 $0x0, s19;
	[sflag:s21] =	ssyncset.done $0x0  }
0xa4: {  	[sflag:s21] =	ssyncadd.s32 s9;
	_ =	sdelay $0x1  }
0xa5: {  	s22 =	simm.s32 $0x1B8B  }
0xa6: {  	_ =	swait.ge [sflag:s22], $0x1  }
0xa7: {  	[sflag:s22] =	ssyncset.done $0x0  }
0xa8: {  	s23 =	simm.s32 $0x1B8E;
	[sflag:s22] =	ssyncadd.s32 $0xFFFFFFFF  }
0xa9: {  	s24 =	simm.s32 $execute0_lowered;
	[smem:$0x3FD2] =	sst s23  }
0xaa: {  	s9 =	sshll.u32 s24, $0x1;
	_ =	strace $0x80000046;
	[dreg:$0x1] =	wrdreg $0xFFFFFFFF  }
0xab: {  	s25 =	simm.s32 $_size_execute0_lowered;
	s8 =	sadd.s32 s8, s9;
	[dreg:$0x0] =	wrdreg $0x0  }
0xac: {  	s9 =	sshll.u32 s25, $0x1;
	[dreg:$0x2] =	wrdreg s8  }
0xad: {  	[dreg:$0x3] =	wrdreg s9  }
0xae: {  	[dreg:$0x4] =	wrdreg $0xC0  }
0xaf: {  	_ =	task [dreg:s12], $0x5FFFF  }
0xb0: {  	[dreg:$0x1] =	wrdreg $0xFFFFFFFF  }
0xb1: {  	[dreg:$0x0] =	wrdreg $0x60  }
0xb2: {  	[dreg:$0x2] =	wrdreg s0  }
0xb3: {  	[dreg:$0x3] =	wrdreg s17  }
0xb4: {  	[dreg:$0x4] =	wrdreg s2  }
0xb5: {  	[dreg:$0x5] =	wrdreg s3  }
0xb6: {  	[dreg:$0x6] =	wrdreg s4  }
0xb7: {  	[dreg:$0x7] =	wrdreg s5  }
0xb8: {  	[dreg:$0x8] =	wrdreg s6  }
0xb9: {  	[dreg:$0x9] =	wrdreg s7  }
0xba: {  	[dreg:$0xa] =	wrdreg $0x9  }
0xbb: {  	_ =	task.clear_ibuf [dreg:s12], $0xBFFFF;
	_ =	strace $0x90000046  }
0xbc: {  	s26 =	simm.s32 $0x9;
	_ =	strace $0x80000048  }
0xbd: {  	_ =	swait.ge [sflag:s26], $0x1  }
0xbe: {  	[sflag:s26] =	ssyncadd.s32 $0xFFFFFFFF  }
0xbf: {  	_ =	strace $0x90000048  }
0xc0: {  	_ =	sfence  }
0xc1: {  	s28 =	sld [smem:$0x0];
	_ =	sdelay $0x1  }
0xc2: {  	s29 =	srdreg.scid  }
0xc3: {  	s30 =	sshll.u32 s29, $0xD;
	s31 =	sshrl.u32 s29, $0x2  }
0xc4: {  	s1 =	sand.u32 $0x1, s29;
	s2 =	sand.u32 $0x4000, s30;
	s0 =	sadd.s32 s31, s28  }
0xc5: {  	s1 =	sor.u32 s2, s1;
	s0 =	sshll.u32 s0, $0x11  }
0xc6: {  	s0 =	sor.u32 s0, s1  }
0xc7: {  	s0 =	sadd.s32 $0x8F2B, s0  }
0xc8: {  	[sflag:s0] =	ssyncadd.remote.s32 $0x1  }
0xc9: {  	_ =	sfence.sel $0xFFFF  }
0xca: {  	[dreg:$0x0] =	wrdreg $0xFFFFFFFF;
	(pc) =	sbr.abs _section_cstart, $3  }
0xcb: {  	[dreg:$0x1] =	wrdreg $0xFFFFFFFF  }
0xcc: {  	_ =	task.clear_ibuf [dreg:s12], $0x2FFFF;
	_ =	strace $0x9FFFFFFF  }
0xcd: {  	(tm) =	ssettm $0x7FFFFFFF  }
tec
execute0_lowered:
.L_overlay_start_1:
0x0: {  	(tag) =	ssettag $0x1  }
0x1: {  	s11 =	rddreg [dreg:$0x0]  }
0x2: {  	s10 =	rddreg [dreg:$0x1]  }
0x3: {  	s8 =	rddreg [dreg:$0x2]  }
0x4: {  	s7 =	rddreg [dreg:$0x3];
	s1 =	stileid.u32  }
0x5: {  	s4 =	rddreg [dreg:$0x4];
	p0 =	sgt.u32 s1, $0x3  }
.Ltmp0:
0x6: {  	s5 =	rddreg [dreg:$0x5];
	(pc) =	sbr.rel @p0 .LBB2_2-.Ltmp0, $4  }
0x7: {  	s6 =	rddreg [dreg:$0x6]  }
0x8: {  	s2 =	rddreg [dreg:$0x7];
	s9 =	simm.s32 $0x0  }
0x9: {  	[smem:$0x7FF] =	sst s9  }
0xa: {  	s0 =	rddreg [dreg:$0x8];
	_ =	strace $0x80000047  }
0xb: {  	v0 =	vlaneseq.u32;
	s3 =	sshll.u32 s1, $0x3  }
0xc: {  	[tilespmem:s9], [sflag:$0x4] =	stream.linear.gather [hbm4b:s11+s9], $0x1, $0x38;
	v0 =	vand.u32 $0x7, v0;
	[tilespmem:$0x1380] =	vst v63  }
0xd: {  	s13 =	simm.s32 $0x80;
	v1 =	vor.u32 s3, v0  }
0xe: {  	v2 =	vimm.s32 $0x0;
	[tilespmem:s13], [sflag:$0x4] =	stream.linear.gather [hbm4b:s10+s9], $0x1, $0x38;
	vm0 =	vgt.u32 v1, $0x4;
	vm1 =	vgt.u32 v1, $0x9;
	[tilespmem:$0x1380] =	vst v63  }
0xf: {  	s14 =	simm.s32 $0x100;
	vm8 =	vgt.u32 v1, $0xE;
	v3 =	vsel vm0, $0x1, v2;
	v4 =	vsel vm1, $0x1, v2  }
0x10: {  	vm9 =	vgt.u32 v1, $0x13;
	v47 =	vsel vm8, $0x1, v2;
	[tilespmem:s14], [sflag:$0x4] =	stream.linear.gather [hbm4b:s8+s9], $0x1, $0x38;
	v3 =	vadd.s32 v4, v3;
	[tilespmem:$0x1380] =	vst v63  }
0x11: {  	s15 =	simm.s32 $0x180;
	vm10 =	vgt.u32 v1, $0x1C;
	v48 =	vsel vm9, $0x1, v2;
	v3 =	vadd.s32 v47, v3  }
0x12: {  	v50 =	vmin.u32 v1, $0x1D;
	v49 =	vsel vm10, $0x1, v2;
	[tilespmem:s15], [sflag:$0x4] =	stream.linear.gather [hbm4b:s7+s9], $0x1, $0x38;
	v3 =	vadd.s32 v48, v3;
	[tilespmem:$0x1380] =	vst v63  }
0x13: {  	[tilespmem:$0x300] =	vst v50;
	v3 =	vadd.s32 v49, v3  }
0x14: {  	s16 =	simm.s32 $0x8;
	s17 =	simm.s32 $0x280;
	s18 =	simm.s32 $0x780;
	[tilespmem:$0x280] =	vst v3  }
0x15: {  	[tilespmem:s18], [sflag:$0x2] =	stream.indirect.gather [hbm4b:s6+s16], $0x80, s17, s16, $0xb8;
	[tilespmem:$0x1380] =	vst v63  }
0x16: {  	s19 =	simm.s32 $0x300;
	s20 =	simm.s32 $0xB80;
	s21 =	simm.s32 $0x4  }
0x17: {  	[tilespmem:s20], [sflag:$0x3] =	stream.indirect.gather [hbm4b:s5+s16], $0x80, s19, s16, $0xb8;
	[tilespmem:$0x1380] =	vst v63  }
0x18: {  	_ =	swait.ge [sflag:s21], $0x1  }
0x19: {  	[sflag:s21] =	ssyncset.done $0x0  }
0x1a: {  	[sflag:s21] =	ssyncadd.s32 $0xFFFFFFFF  }
0x1b: {  	_ =	swait.ge [sflag:s21], $0x1  }
0x1c: {  	[sflag:s21] =	ssyncset.done $0x0  }
0x1d: {  	[sflag:s21] =	ssyncadd.s32 $0xFFFFFFFF  }
0x1e: {  	_ =	swait.ge [sflag:s21], $0x1  }
0x1f: {  	[sflag:s21] =	ssyncset.done $0x0  }
0x20: {  	[sflag:s21] =	ssyncadd.s32 $0xFFFFFFFF  }
0x21: {  	_ =	swait.ge [sflag:s21], $0x1  }
0x22: {  	[sflag:s21] =	ssyncset.done $0x0  }
0x23: {  	[sflag:s21] =	ssyncadd.s32 $0xFFFFFFFF  }
0x24: {  	v52 =	vld [tilespmem:$0x100]  }
0x25: {  	v5 =	vld [tilespmem:$0x180]  }
0x26: {  	v51 =	vmulhi.u32 $0x33333334, v1;
	v6 =	vld [tilespmem:$0x80]  }
0x27: {  	v7 =	vadd.s32 $0xFFFFFFF6, v0;
	v53 =	vadd.s32 $0xFFFFFFFB, v0;
	v8 =	vld [tilespmem:$0x0]  }
0x28: {  	v0 =	vadd.s32 $0x4, v0;
	v7 =	vadd.s32 s3, v7;
	v3 =	vmin.u32 v51, $0x3  }
0x29: {  	v0 =	vadd.s32 s3, v0;
	vm12 =	vlt.u32 v7, $0x5;
	v3 =	vmul.u32 $0xFFFFFFFB, v3  }
0x2a: {  	v7 =	vadd.s32 s3, v53;
	v4 =	vperm.xlane v52, v2;
	v5 =	vperm.xlane v5, v2  }
0x2b: {  	vm2 =	vlt.u32 v7, $0x5;
	v3 =	vadd.s32 v1, v3;
	v6 =	vperm.xlane v6, v2  }
0x2c: {  	vm11 =	vlt.s32 v3, $0x4;
	v2 =	vperm.xlane v8, v2;
	v4 =	vsel vm12, v4, v5  }
0x2d: {  	vm13 =	vlt.u32 v0, $0x9;
	v3 =	vnsel vm11, $0x4, v3;
	v54 =	vsel vm2, v6, v4  }
0x2e: {  	v3 =	vshll.u32 v3, $0x2;
	v0 =	vsel vm13, v2, v54  }
0x2f: {  	v0 =	vshra.s32 v0, v3  }
0x30: {  	vm14 =	vlt.u32 v1, $0x14;
	v0 =	vand.u32 $0xF, v0  }
0x31: {  	v0 =	vnsel vm14, $0x0, v0  }
0x32: {  	s22 =	simm.s32 $0x200;
	s23 =	simm.s32 $0x380;
	s24 =	simm.s32 $0x1;
	[tilespmem:$0x200] =	vst v0  }
0x33: {  	[tilespmem:s23], [sflag:$0x1] =	stream.indirect.gather [hbm4b:s4+s16], $0x80, s22, s16, $0xb8;
	[tilespmem:$0x1380] =	vst v63  }
0x34: {  	_ =	swait.ge [sflag:s24], $0x400  }
0x35: {  	[sflag:s24] =	ssyncset.done $0x0  }
0x36: {  	s25 =	simm.s32 $0x2;
	[sflag:s24] =	ssyncadd.s32 $0xFFFFFC00  }
0x37: {  	_ =	swait.ge [sflag:s25], $0x400  }
0x38: {  	[sflag:s25] =	ssyncset.done $0x0  }
0x39: {  	s26 =	simm.s32 $0x3;
	[sflag:s25] =	ssyncadd.s32 $0xFFFFFC00  }
0x3a: {  	_ =	swait.ge [sflag:s26], $0x400  }
0x3b: {  	[sflag:s26] =	ssyncset.done $0x0  }
0x3c: {  	[sflag:s26] =	ssyncadd.s32 $0xFFFFFC00  }
0x3d: {  	v62 =	vld [tilespmem:$0x8D0];
	_ =	sdelay $0x4  }
0x3e: {  	[tilespmem:$0x1FBA0] =	vst v62;
	v62 =	vld [tilespmem:$0x8E0];
	_ =	sdelay $0x4  }
0x3f: {  	[tilespmem:$0x1FBD0] =	vst v62;
	v62 =	vld [tilespmem:$0x4F0];
	_ =	sdelay $0x4  }
0x40: {  	[tilespmem:$0x1FBB0] =	vst v62;
	v62 =	vld [tilespmem:$0xCF0];
	_ =	sdelay $0x4  }
0x41: {  	[tilespmem:$0x1FBC0] =	vst v62;
	v62 =	vld [tilespmem:$0x8F0];
	_ =	sdelay $0x4  }
0x42: {  	[tilespmem:$0x1FC00] =	vst v62;
	v62 =	vld [tilespmem:$0x500];
	_ =	sdelay $0x4  }
0x43: {  	[tilespmem:$0x1FBE0] =	vst v62;
	v62 =	vld [tilespmem:$0xD00];
	_ =	sdelay $0x4  }
0x44: {  	[tilespmem:$0x1FBF0] =	vst v62;
	v62 =	vld [tilespmem:$0x900];
	_ =	sdelay $0x4  }
0x45: {  	[tilespmem:$0x1FC30] =	vst v62;
	v62 =	vld [tilespmem:$0x510];
	_ =	sdelay $0x4  }
0x46: {  	[tilespmem:$0x1FC10] =	vst v62;
	v62 =	vld [tilespmem:$0xD10];
	_ =	sdelay $0x4  }
0x47: {  	[tilespmem:$0x1FC20] =	vst v62;
	v62 =	vld [tilespmem:$0x910];
	_ =	sdelay $0x4  }
0x48: {  	[tilespmem:$0x1FC60] =	vst v62;
	v62 =	vld [tilespmem:$0x520];
	_ =	sdelay $0x4  }
0x49: {  	[tilespmem:$0x1FC40] =	vst v62;
	v62 =	vld [tilespmem:$0xD20];
	_ =	sdelay $0x4  }
0x4a: {  	[tilespmem:$0x1FC50] =	vst v62;
	v62 =	vld [tilespmem:$0x920];
	_ =	sdelay $0x4  }
0x4b: {  	[tilespmem:$0x1FC90] =	vst v62;
	v62 =	vld [tilespmem:$0x530];
	_ =	sdelay $0x2  }
0x4c: {  	v4 =	vld [tilespmem:$0x380]  }
0x4d: {  	v9 =	vld [tilespmem:$0xB80]  }
0x4e: {  	[tilespmem:$0x1FC70] =	vst v62;
	v62 =	vld [tilespmem:$0xD30]  }
0x4f: {  	v15 =	vld [tilespmem:$0x780]  }
0x50: {  	v3 =	vld [tilespmem:$0x390]  }
0x51: {  	v10 =	vld [tilespmem:$0xB90]  }
0x52: {  	v16 =	vld [tilespmem:$0x790]  }
0x53: {  	[tilespmem:$0x1FC80] =	vst v62;
	v62 =	vld [tilespmem:$0x930]  }
0x54: {  	v1 =	vld [tilespmem:$0x3A0]  }
0x55: {  	v11 =	vld [tilespmem:$0xBA0]  }
0x56: {  	v18 =	vld [tilespmem:$0x7A0]  }
0x57: {  	v2 =	vld [tilespmem:$0x3B0]  }
0x58: {  	[tilespmem:$0x1FCC0] =	vst v62;
	v62 =	vld [tilespmem:$0x540]  }
0x59: {  	v12 =	vld [tilespmem:$0xBB0]  }
0x5a: {  	v20 =	vld [tilespmem:$0x7B0]  }
0x5b: {  	v5 =	vld [tilespmem:$0x3C0]  }
0x5c: {  	v13 =	vld [tilespmem:$0xBC0]  }
0x5d: {  	[tilespmem:$0x1FCA0] =	vst v62;
	v62 =	vld [tilespmem:$0xD40]  }
0x5e: {  	v24 =	vld [tilespmem:$0x7C0]  }
0x5f: {  	v6 =	vld [tilespmem:$0x3D0]  }
0x60: {  	v14 =	vld [tilespmem:$0xBD0]  }
0x61: {  	v27 =	vld [tilespmem:$0x7D0]  }
0x62: {  	[tilespmem:$0x1FCB0] =	vst v62;
	v62 =	vld [tilespmem:$0x940]  }
0x63: {  	v7 =	vld [tilespmem:$0x3E0]  }
0x64: {  	v17 =	vld [tilespmem:$0xBE0]  }
0x65: {  	v30 =	vld [tilespmem:$0x7E0]  }
0x66: {  	v8 =	vld [tilespmem:$0x3F0]  }
0x67: {  	[tilespmem:$0x1FCF0] =	vst v62;
	v62 =	vld [tilespmem:$0x550]  }
0x68: {  	v19 =	vld [tilespmem:$0xBF0]  }
0x69: {  	v60 =	vld [tilespmem:$0x7F0]  }
0x6a: {  	v22 =	vld [tilespmem:$0x400]  }
0x6b: {  	v21 =	vld [tilespmem:$0xC00]  }
0x6c: {  	[tilespmem:$0x1FCD0] =	vst v62;
	v62 =	vld [tilespmem:$0xD50]  }
0x6d: {  	v42 =	vld [tilespmem:$0x800]  }
0x6e: {  	v25 =	vld [tilespmem:$0x410]  }
0x6f: {  	v23 =	vld [tilespmem:$0xC10]  }
0x70: {  	v39 =	vld [tilespmem:$0x810]  }
0x71: {  	[tilespmem:$0x1FCE0] =	vst v62;
	v62 =	vld [tilespmem:$0x950]  }
0x72: {  	v28 =	vld [tilespmem:$0x420]  }
0x73: {  	v26 =	vld [tilespmem:$0xC20]  }
0x74: {  	v43 =	vld [tilespmem:$0x820]  }
0x75: {  	v31 =	vld [tilespmem:$0x430]  }
0x76: {  	[tilespmem:$0x1FD20] =	vst v62;
	v62 =	vld [tilespmem:$0x560]  }
0x77: {  	v29 =	vld [tilespmem:$0xC30]  }
0x78: {  	v63 =	vld [tilespmem:$0x830]  }
0x79: {  	v34 =	vld [tilespmem:$0x440]  }
0x7a: {  	v32 =	vld [tilespmem:$0xC40]  }
0x7b: {  	[tilespmem:$0x1FD00] =	vst v62;
	v62 =	vld [tilespmem:$0xD60]  }
0x7c: {  	v51 =	vld [tilespmem:$0x840]  }
0x7d: {  	v36 =	vld [tilespmem:$0x450]  }
0x7e: {  	v33 =	vld [tilespmem:$0xC50]  }
0x7f: {  	v49 =	vld [tilespmem:$0x850]  }
0x80: {  	[tilespmem:$0x1FD10] =	vst v62;
	v62 =	vld [tilespmem:$0x960]  }
0x81: {  	v38 =	vld [tilespmem:$0x460]  }
0x82: {  	v35 =	vld [tilespmem:$0xC60]  }
0x83: {  	v53 =	vld [tilespmem:$0x860]  }
0x84: {  	v40 =	vld [tilespmem:$0x470]  }
0x85: {  	[tilespmem:$0x1FD60] =	vst v62;
	v62 =	vld [tilespmem:$0x570]  }
0x86: {  	v37 =	vld [tilespmem:$0xC70]  }
0x87: {  	v57 =	vld [tilespmem:$0x870]  }
0x88: {  	v45 =	vld [tilespmem:$0x480]  }
0x89: {  	v41 =	vld [tilespmem:$0xC80]  }
0x8a: {  	[tilespmem:$0x1FD30] =	vst v62;
	v62 =	vld [tilespmem:$0xD70]  }
0x8b: {  	v59 =	vld [tilespmem:$0x880]  }
0x8c: {  	v47 =	vld [tilespmem:$0x490]  }
0x8d: {  	v44 =	vld [tilespmem:$0xC90]  }
0x8e: {  	v55 =	vld [tilespmem:$0x890]  }
0x8f: {  	[tilespmem:$0x1FD40] =	vst v62;
	v62 =	vld [tilespmem:$0x970]  }
0x90: {  	v48 =	vld [tilespmem:$0x4A0]  }
0x91: {  	v46 =	vld [tilespmem:$0xCA0]  }
0x92: {  	v56 =	vld [tilespmem:$0x8A0]  }
0x93: {  	v54 =	vld [tilespmem:$0x4B0]  }
0x94: {  	[tilespmem:$0x1FD90] =	vst v62;
	v62 =	vld [tilespmem:$0x580]  }
0x95: {  	v50 =	vld [tilespmem:$0xCB0]  }
0x96: {  	v61 =	vld [tilespmem:$0x8C0]  }
0x97: {  	v58 =	vld [tilespmem:$0x8B0]  }
0x98: {  	v52 =	vld [tilespmem:$0xCC0]  }
0x99: {  	[tilespmem:$0x1FD50] =	vst v62;
	v62 =	vld [tilespmem:$0xD80]  }
0x9a: {  	v0 =	vmov s3;
	[tilespmem:$0x1FB60] =	vst v56;
	v56 =	vld [tilespmem:$0x4C0]  }
0x9b: {  	vm15 =	vlt.u32 v0, $0x1D;
	v0 =	vimm.f32 $0.0e+00;
	[tilespmem:$0x1FB80] =	vst v61;
	v61 =	vld [tilespmem:$0x4D0]  }
0x9c: {  	v0 =	vsel vm15, $0x3F800000, v0;
	[tilespmem:$0x1FB50] =	vst v55;
	v55 =	vld [tilespmem:$0xCD0]  }
0x9d: {  	[tilespmem:$0x1FB70] =	vst v58;
	v58 =	vld [tilespmem:$0x4E0];
	v4 =	vmul.f32 v4, v0  }
0x9e: {  	v1 =	vmul.f32 v1, v0;
	[tilespmem:$0x1FDA0] =	vst v62;
	v62 =	vld [tilespmem:$0x980]  }
0x9f: {  	v5 =	vmul.f32 v5, v0;
	v6 =	vmul.f32 v6, v0;
	v4 =	vadd.f32 v9, v4;
	v9 =	vld [tilespmem:$0x630]  }
0xa0: {  	v1 =	vadd.f32 v11, v1;
	v11 =	vld [tilespmem:$0xE50]  }
0xa1: {  	v5 =	vadd.f32 v13, v5;
	v6 =	vadd.f32 v14, v6;
	v14 =	vld [tilespmem:$0xA50]  }
0xa2: {  	v3 =	vmul.f32 v3, v0;
	v13 =	vadd.f32 v21, v22;
	v22 =	vadd.f32 v33, v36;
	v33 =	vld [tilespmem:$0x1FB50]  }
0xa3: {  	[tilespmem:$0x1FDE0] =	vst v62;
	v62 =	vld [tilespmem:$0x590]  }
0xa4: {  	v2 =	vmul.f32 v2, v0;
	v3 =	vadd.f32 v10, v3;
	v36 =	vld [tilespmem:$0x1FB60]  }
0xa5: {  	v7 =	vmul.f32 v7, v0;
	v0 =	vmul.f32 v8, v0;
	v4 =	vadd.f32 v15, v4;
	v15 =	vld [tilespmem:$0xA30]  }
0xa6: {  	v2 =	vadd.f32 v12, v2;
	v3 =	vadd.f32 v16, v3;
	v16 =	vld [tilespmem:$0xE40]  }
0xa7: {  	v0 =	vadd.f32 v19, v0;
	v1 =	vadd.f32 v18, v1;
	v18 =	vld [tilespmem:$0xA40]  }
0xa8: {  	[tilespmem:$0x1FD70] =	vst v62;
	v62 =	vld [tilespmem:$0xD90]  }
0xa9: {  	v2 =	vadd.f32 v20, v2;
	v0 =	vadd.f32 v60, v0;
	v60 =	vld [tilespmem:$0x660]  }
0xaa: {  	v20 =	vadd.f32 v24, v5;
	v24 =	vadd.f32 v17, v7;
	v7 =	vld [tilespmem:$0x670]  }
0xab: {  	v5 =	vld [tilespmem:$0xE80]  }
0xac: {  	v17 =	vadd.f32 v26, v28;
	v26 =	vadd.f32 v37, v40;
	v40 =	vld [tilespmem:$0x1FB70]  }
0xad: {  	[tilespmem:$0x1FDC0] =	vst v62;
	v62 =	vld [tilespmem:$0x990]  }
0xae: {  	v10 =	vadd.f32 v27, v6;
	v6 =	vld [tilespmem:$0xEA0]  }
0xaf: {  	[tilespmem:$0x1FB90] =	vst v58;
	v58 =	vld [tilespmem:$0xCE0]  }
0xb0: {  	[tilespmem:$0xF90] =	vst v3;
	v3 =	vld [tilespmem:$0x690]  }
0xb1: {  	[tilespmem:$0xFA0] =	vst v1;
	v1 =	vld [tilespmem:$0xE90]  }
0xb2: {  	[tilespmem:$0x1FE10] =	vst v62;
	v62 =	vld [tilespmem:$0x5A0]  }
0xb3: {  	[tilespmem:$0xFF0] =	vst v0;
	v0 =	vld [tilespmem:$0xA90]  }
0xb4: {  	v12 =	vadd.f32 v30, v24;
	v30 =	vadd.f32 v44, v47;
	v44 =	vld [tilespmem:$0x1FB80]  }
0xb5: {  	v28 =	vadd.f32 v41, v45;
	v45 =	vld [tilespmem:$0x1FB90]  }
0xb6: {  	v47 =	vld [tilespmem:$0x1FBA0]  }
0xb7: {  	[tilespmem:$0x1FD80] =	vst v62;
	v62 =	vld [tilespmem:$0xDA0]  }
0xb8: {  	[tilespmem:$0xF80] =	vst v4;
	v4 =	vld [tilespmem:$0xAA0]  }
0xb9: {  	v24 =	vadd.f32 v35, v38;
	v35 =	vadd.f32 v50, v54;
	v50 =	vld [tilespmem:$0x1FBD0]  }
0xba: {  	[tilespmem:$0x1FF40] =	vst v9;
	v9 =	vld [tilespmem:$0xE30]  }
0xbb: {  	v19 =	vadd.f32 v43, v17;
	[tilespmem:$0x1FFF0] =	vst v14;
	v14 =	vld [tilespmem:$0x6B0]  }
0xbc: {  	[tilespmem:$0x1FDD0] =	vst v62;
	v62 =	vld [tilespmem:$0x9A0]  }
0xbd: {  	[tilespmem:$0x1020] =	vst v19;
	v19 =	vld [tilespmem:$0x6C0]  }
0xbe: {  	[tilespmem:$0x1FFC0] =	vst v15;
	v15 =	vld [tilespmem:$0x640]  }
0xbf: {  	[tilespmem:$0x1FFB0] =	vst v16;
	v16 =	vadd.f32 v42, v13;
	v42 =	vld [tilespmem:$0xE60]  }
0xc0: {  	[tilespmem:$0x1FFE0] =	vst v18;
	v18 =	vadd.f32 v29, v31;
	v29 =	vadd.f32 v57, v26;
	v57 =	vld [tilespmem:$0xA80]  }
0xc1: {  	v43 =	vadd.f32 v55, v61;
	[tilespmem:$0x1FE20] =	vst v62;
	v62 =	vld [tilespmem:$0x5B0]  }
0xc2: {  	[tilespmem:$0xFC0] =	vst v20;
	v20 =	vadd.f32 v32, v34;
	v21 =	vadd.f32 v63, v18;
	v63 =	vld [tilespmem:$0xE70]  }
0xc3: {  	v32 =	vadd.f32 v46, v48;
	v13 =	vadd.f32 v47, v43;
	v48 =	vld [tilespmem:$0x1FBB0]  }
0xc4: {  	[tilespmem:$0x1FF90] =	vst v9;
	v9 =	vld [tilespmem:$0x650]  }
0xc5: {  	[tilespmem:$0x10D0] =	vst v13;
	v13 =	vld [tilespmem:$0xEC0]  }
0xc6: {  	[tilespmem:$0x1FDB0] =	vst v62;
	v62 =	vld [tilespmem:$0xDB0]  }
0xc7: {  	[tilespmem:$0x1FF70] =	vst v15;
	v15 =	vadd.f32 v23, v25;
	v23 =	vadd.f32 v51, v20;
	v51 =	vld [tilespmem:$0xA70]  }
0xc8: {  	v25 =	vadd.f32 v49, v22;
	v49 =	vld [tilespmem:$0x1FBC0]  }
0xc9: {  	[tilespmem:$0xFB0] =	vst v2;
	v2 =	vadd.f32 v39, v15;
	v39 =	vld [tilespmem:$0xA60]  }
0xca: {  	[tilespmem:$0x1FFD0] =	vst v11;
	v55 =	vld [tilespmem:$0x1FC00]  }
0xcb: {  	[tilespmem:$0x1FDF0] =	vst v62;
	v62 =	vld [tilespmem:$0x9B0]  }
0xcc: {  	[tilespmem:$0x1FFA0] =	vst v9;
	v9 =	vld [tilespmem:$0x6A0]  }
0xcd: {  	[tilespmem:$0x1010] =	vst v2;
	v2 =	vld [tilespmem:$0x680];
	v11 =	vadd.f32 v49, v48  }
0xce: {  	v27 =	vadd.f32 v53, v24;
	v53 =	vld [tilespmem:$0x1FBE0]  }
0xcf: {  	[tilespmem:$0xFE0] =	vst v12;
	v12 =	vadd.f32 v55, v11;
	v11 =	vld [tilespmem:$0xEB0]  }
0xd0: {  	[tilespmem:$0x1FE40] =	vst v62;
	v62 =	vld [tilespmem:$0x5C0]  }
0xd1: {  	v54 =	vld [tilespmem:$0x1FBF0]  }
0xd2: {  	v31 =	vadd.f32 v59, v28;
	v59 =	vld [tilespmem:$0x1FC30]  }
0xd3: {  	v38 =	vadd.f32 v52, v56;
	v56 =	vld [tilespmem:$0x1FC10]  }
0xd4: {  	v46 =	vadd.f32 v58, v45;
	v58 =	vld [tilespmem:$0x1FC20]  }
0xd5: {  	[tilespmem:$0x1FE00] =	vst v62;
	v62 =	vld [tilespmem:$0xDC0]  }
0xd6: {  	[tilespmem:$0x1050] =	vst v25;
	v25 =	vld [tilespmem:$0x1FC60]  }
0xd7: {  	[tilespmem:$0x1040] =	vst v23;
	v8 =	vadd.f32 v54, v53;
	v23 =	vld [tilespmem:$0x1FC40]  }
0xd8: {  	v24 =	vld [tilespmem:$0x1FC50]  }
0xd9: {  	[tilespmem:$0x1000] =	vst v16;
	v61 =	vadd.f32 v59, v8;
	v8 =	vld [tilespmem:$0xAB0]  }
0xda: {  	v16 =	vadd.f32 v58, v56;
	[tilespmem:$0x1FE50] =	vst v62;
	v62 =	vld [tilespmem:$0x9C0]  }
0xdb: {  	[tilespmem:$0xFD0] =	vst v10;
	v10 =	vadd.f32 v44, v38;
	v28 =	vld [tilespmem:$0x1FC90]  }
0xdc: {  	v16 =	vadd.f32 v25, v16;
	v25 =	vld [tilespmem:$0xED0]  }
0xdd: {  	[tilespmem:$0x10C0] =	vst v10;
	v10 =	vadd.f32 v24, v23;
	v23 =	vld [tilespmem:$0x6D0]  }
0xde: {  	v26 =	vld [tilespmem:$0x1FC70]  }
0xdf: {  	[tilespmem:$0x1FE90] =	vst v62;
	v62 =	vld [tilespmem:$0x5D0]  }
0xe0: {  	[tilespmem:$0x1070] =	vst v29;
	v29 =	vadd.f32 v28, v10;
	v10 =	vld [tilespmem:$0xAC0]  }
0xe1: {  	[tilespmem:$0x1060] =	vst v27;
	v27 =	vld [tilespmem:$0x1FC80]  }
0xe2: {  	v28 =	vld [tilespmem:$0x6E0]  }
0xe3: {  	[tilespmem:$0x1120] =	vst v29;
	v29 =	vld [tilespmem:$0xAE0]  }
0xe4: {  	[tilespmem:$0x1FE30] =	vst v62;
	v62 =	vld [tilespmem:$0xDD0]  }
0xe5: {  	v34 =	vadd.f32 v33, v30;
	v33 =	vld [tilespmem:$0x1FCC0]  }
0xe6: {  	v18 =	vadd.f32 v27, v26;
	v27 =	vld [tilespmem:$0xAD0]  }
0xe7: {  	v30 =	vld [tilespmem:$0x1FCA0]  }
0xe8: {  	v37 =	vadd.f32 v36, v32;
	[tilespmem:$0x1080] =	vst v31;
	v31 =	vld [tilespmem:$0x1FCB0]  }
0xe9: {  	[tilespmem:$0x1FE70] =	vst v62;
	v62 =	vld [tilespmem:$0x9D0]  }
0xea: {  	[tilespmem:$0x10A0] =	vst v37;
	v37 =	vld [tilespmem:$0x1FCF0]  }
0xeb: {  	[tilespmem:$0x1090] =	vst v34;
	v34 =	vld [tilespmem:$0x1FCD0]  }
0xec: {  	v41 =	vadd.f32 v40, v35;
	v35 =	vld [tilespmem:$0x1FCE0]  }
0xed: {  	v43 =	vld [tilespmem:$0x1FD20]  }
0xee: {  	[tilespmem:$0x1FEC0] =	vst v62;
	v62 =	vld [tilespmem:$0x5E0]  }
0xef: {  	v38 =	vld [tilespmem:$0x1FD00]  }
0xf0: {  	v44 =	vld [tilespmem:$0x1FD30]  }
0xf1: {  	v45 =	vld [tilespmem:$0x1FD40]  }
0xf2: {  	v52 =	vadd.f32 v50, v46;
	v46 =	vld [tilespmem:$0x1FD50]  }
0xf3: {  	[tilespmem:$0x1FE60] =	vst v62;
	v62 =	vld [tilespmem:$0xDE0]  }
0xf4: {  	[tilespmem:$0x10B0] =	vst v41;
	v50 =	vld [tilespmem:$0x1FD90]  }
0xf5: {  	s28 =	sor.u32 $0x4, s3;
	[tilespmem:$0x10E0] =	vst v52;
	v52 =	vld [tilespmem:$0x1FDA0]  }
0xf6: {  	p0 =	slt.s32 s28, $0x1D;
	[tilespmem:$0x10F0] =	vst v12;
	v12 =	vimm.f32 $1.000000000e+00;
	v40 =	vld [tilespmem:$0x1FD10]  }
0xf7: {  	[tilespmem:$0x1030] =	vst v21;
	v41 =	vpsel !p0, $0x0, v12;
	v36 =	vadd.f32 v35, v34;
	v56 =	vld [tilespmem:$0x1FDE0]  }
0xf8: {  	v18 =	vadd.f32 v33, v18;
	v21 =	vadd.f32 v45, v44;
	v24 =	vmul.f32 v46, v41;
	[tilespmem:$0x1FEA0] =	vst v62;
	v62 =	vld [tilespmem:$0x9E0]  }
0xf9: {  	[tilespmem:$0x1110] =	vst v16;
	v16 =	vadd.f32 v43, v36;
	v47 =	vld [tilespmem:$0x1FD60]  }
0xfa: {  	[tilespmem:$0x1130] =	vst v18;
	v18 =	vadd.f32 v50, v21;
	v50 =	vld [tilespmem:$0x1FF40];
	v21 =	vadd.f32 v52, v24  }
0xfb: {  	v48 =	vld [tilespmem:$0x1FD70]  }
0xfc: {  	[tilespmem:$0x1150] =	vst v16;
	v16 =	vadd.f32 v56, v21;
	v56 =	vld [tilespmem:$0x1FF90]  }
0xfd: {  	[tilespmem:$0x1FEF0] =	vst v62;
	v62 =	vld [tilespmem:$0x5F0]  }
0xfe: {  	v54 =	vld [tilespmem:$0x1FDC0]  }
0xff: {  	v32 =	vadd.f32 v31, v30;
	v20 =	vadd.f32 v40, v38;
	v49 =	vld [tilespmem:$0x1FD80]  }
0x100: {  	[tilespmem:$0x1100] =	vst v61;
	v61 =	vld [tilespmem:$0x1FE10]  }
0x101: {  	v17 =	vadd.f32 v37, v32;
	v15 =	vadd.f32 v47, v20;
	v20 =	vmul.f32 v48, v41;
	v55 =	vld [tilespmem:$0x1FDD0]  }
0x102: {  	[tilespmem:$0x1FE80] =	vst v62;
	v62 =	vld [tilespmem:$0xDF0]  }
0x103: {  	[tilespmem:$0x1140] =	vst v17;
	v17 =	vadd.f32 v54, v20;
	v54 =	vld [tilespmem:$0x1FF70]  }
0x104: {  	v26 =	vmul.f32 v49, v41;
	v30 =	vld [tilespmem:$0x1FE20]  }
0x105: {  	[tilespmem:$0x1160] =	vst v15;
	v15 =	vadd.f32 v61, v17;
	v61 =	vld [tilespmem:$0x1FFB0]  }
0x106: {  	v20 =	vadd.f32 v55, v26;
	v26 =	vld [tilespmem:$0xEE0]  }
0x107: {  	[tilespmem:$0x1FED0] =	vst v62;
	v62 =	vld [tilespmem:$0x9F0]  }
0x108: {  	v53 =	vld [tilespmem:$0x1FDB0]  }
0x109: {  	v17 =	vadd.f32 v30, v20;
	v30 =	vld [tilespmem:$0x6F0]  }
0x10a: {  	v58 =	vld [tilespmem:$0x1FDF0]  }
0x10b: {  	v59 =	vld [tilespmem:$0x1FE00]  }
0x10c: {  	[tilespmem:$0x1FF20] =	vst v62;
	v62 =	vld [tilespmem:$0x600]  }
0x10d: {  	v24 =	vmul.f32 v53, v41;
	v32 =	vld [tilespmem:$0x1FE40]  }
0x10e: {  	v33 =	vld [tilespmem:$0x1FE50]  }
0x10f: {  	v21 =	vadd.f32 v58, v24;
	v58 =	vld [tilespmem:$0x1FFA0]  }
0x110: {  	v37 =	vld [tilespmem:$0x1FE90]  }
0x111: {  	v24 =	vmul.f32 v59, v41;
	[tilespmem:$0x1FEB0] =	vst v62;
	v62 =	vld [tilespmem:$0xE00]  }
0x112: {  	[tilespmem:$0x1170] =	vst v18;
	v18 =	vadd.f32 v32, v21;
	v32 =	vld [tilespmem:$0xAF0]  }
0x113: {  	v21 =	vadd.f32 v33, v24;
	v33 =	vld [tilespmem:$0x700]  }
0x114: {  	v31 =	vld [tilespmem:$0x1FE30]  }
0x115: {  	[tilespmem:$0x1190] =	vst v15;
	v15 =	vadd.f32 v37, v21;
	v37 =	vld [tilespmem:$0xF10]  }
0x116: {  	[tilespmem:$0x1FF00] =	vst v62;
	v62 =	vld [tilespmem:$0xA00]  }
0x117: {  	v35 =	vld [tilespmem:$0x1FE70]  }
0x118: {  	v34 =	vld [tilespmem:$0x1FE60]  }
0x119: {  	v20 =	vmul.f32 v31, v41;
	v31 =	vld [tilespmem:$0xEF0]  }
0x11a: {  	v38 =	vld [tilespmem:$0x1FEA0]  }
0x11b: {  	s29 =	sor.u32 $0x5, s3;
	[tilespmem:$0x1FF50] =	vst v62;
	v62 =	vld [tilespmem:$0x610]  }
0x11c: {  	p4 =	slt.s32 s29, $0x1D;
	v45 =	vld [tilespmem:$0x1FEF0]  }
0x11d: {  	[tilespmem:$0x1180] =	vst v16;
	v16 =	vadd.f32 v35, v20;
	v20 =	vpsel !p4, $0x0, v12;
	v35 =	vld [tilespmem:$0xB00];
	v24 =	vmul.f32 v34, v41  }
0x11e: {  	v7 =	vmul.f32 v7, v20;
	v36 =	vld [tilespmem:$0x1FE80]  }
0x11f: {  	s3 =	sor.u32 $0x6, s3;
	v34 =	vld [tilespmem:$0xF00];
	v21 =	vadd.f32 v38, v24  }
0x120: {  	p5 =	slt.s32 s3, $0x1D;
	v7 =	vadd.f32 v63, v7;
	[tilespmem:$0x1FEE0] =	vst v62;
	v62 =	vld [tilespmem:$0xE10]  }
0x121: {  	[tilespmem:$0x11B0] =	vst v18;
	v38 =	vld [tilespmem:$0xB10];
	v18 =	vadd.f32 v45, v21;
	v45 =	vpsel !p5, $0x0, v12  }
0x122: {  	v7 =	vadd.f32 v51, v7;
	v51 =	vmul.f32 v14, v45;
	v14 =	vld [tilespmem:$0xB30]  }
0x123: {  	v22 =	vmul.f32 v36, v41;
	v41 =	vld [tilespmem:$0x1FEC0]  }
0x124: {  	v43 =	vld [tilespmem:$0x1FED0]  }
0x125: {  	[tilespmem:$0x1FF30] =	vst v62;
	v62 =	vld [tilespmem:$0xA10]  }
0x126: {  	v36 =	vld [tilespmem:$0x710]  }
0x127: {  	v48 =	vld [tilespmem:$0x1FF20]  }
0x128: {  	v16 =	vadd.f32 v41, v16;
	v41 =	vld [tilespmem:$0x1FFC0]  }
0x129: {  	[tilespmem:$0x11A0] =	vst v17;
	v17 =	vadd.f32 v43, v22;
	v43 =	vld [tilespmem:$0x1FFD0]  }
0x12a: {  	[tilespmem:$0x1FF80] =	vst v62;
	v62 =	vld [tilespmem:$0x620]  }
0x12b: {  	v40 =	vld [tilespmem:$0x1FEB0]  }
0x12c: {  	[tilespmem:$0x11C0] =	vst v15;
	v15 =	vadd.f32 v48, v17;
	v48 =	vld [tilespmem:$0x730]  }
0x12d: {  	v46 =	vld [tilespmem:$0x1FF00]  }
0x12e: {  	v44 =	vld [tilespmem:$0x1FEE0]  }
0x12f: {  	[tilespmem:$0x1FF10] =	vst v62;
	v62 =	vld [tilespmem:$0xE20]  }
0x130: {  	v2 =	vmul.f32 v2, v45;
	v24 =	vmul.f32 v40, v20;
	v40 =	vld [tilespmem:$0x720]  }
0x131: {  	v49 =	vld [tilespmem:$0x1FF30]  }
0x132: {  	v3 =	vmul.f32 v3, v45;
	v2 =	vadd.f32 v5, v2;
	v52 =	vld [tilespmem:$0x1FF50]  }
0x133: {  	[tilespmem:$0x1270] =	vst v7;
	v47 =	vld [tilespmem:$0x1FF10]  }
0x134: {  	v1 =	vadd.f32 v1, v3;
	v2 =	vadd.f32 v57, v2;
	v22 =	vmul.f32 v44, v20;
	v44 =	vld [tilespmem:$0x1FFE0];
	[tilespmem:$0x1FF60] =	vst v62  }
0x135: {  	v9 =	vmul.f32 v9, v45;
	[tilespmem:$0x11E0] =	vst v18;
	v5 =	vadd.f32 v11, v51;
	v21 =	vadd.f32 v46, v24;
	v53 =	vld [tilespmem:$0x1FF60]  }
0x136: {  	v0 =	vadd.f32 v0, v1;
	[tilespmem:$0x1280] =	vst v2;
	v17 =	vadd.f32 v49, v22;
	v22 =	vmul.f32 v50, v20;
	v55 =	vld [tilespmem:$0x1FF80]  }
0x137: {  	[tilespmem:$0x11D0] =	vst v16;
	v16 =	vadd.f32 v52, v21;
	v52 =	vadd.f32 v6, v9;
	v62 =	vld [tilespmem:$0xA20]  }
0x138: {  	[tilespmem:$0x1290] =	vst v0;
	v18 =	vadd.f32 v56, v22;
	v24 =	vmul.f32 v47, v20;
	v47 =	vld [tilespmem:$0x1FFF0]  }
0x139: {  	[tilespmem:$0x11F0] =	vst v15;
	v50 =	vld [tilespmem:$0xF30];
	v22 =	vmul.f32 v58, v20;
	v56 =	vadd.f32 v4, v52;
	v58 =	vadd.f32 v8, v5  }
0x13a: {  	[tilespmem:$0x1200] =	vst v16;
	v4 =	vld [tilespmem:$0xB40];
	v16 =	vadd.f32 v41, v18;
	v21 =	vadd.f32 v53, v24;
	v24 =	vmul.f32 v54, v20  }
0x13b: {  	s30 =	sshllo.u32 s1, $0x3;
	v18 =	vadd.f32 v43, v22;
	[tilespmem:$0x12A0] =	vst v56;
	v41 =	vld [tilespmem:$0x770];
	v17 =	vadd.f32 v55, v17;
	v54 =	vmul.f32 v19, v45  }
0x13c: {  	p6 =	slt.s32 s30, $0x1D;
	[tilespmem:$0x12B0] =	vst v58;
	v55 =	vld [tilespmem:$0xF40];
	v19 =	vmul.f32 v30, v45;
	v59 =	vadd.f32 v62, v21;
	v21 =	vadd.f32 v61, v24  }
0x13d: {  	v63 =	vpsel !p6, $0x0, v12;
	[tilespmem:$0x1230] =	vst v16;
	v15 =	vadd.f32 v47, v18;
	v53 =	vld [tilespmem:$0x740];
	v62 =	vmul.f32 v60, v20  }
0x13e: {  	v57 =	vmul.f32 v23, v45;
	[tilespmem:$0x1210] =	vst v17;
	v20 =	vld [tilespmem:$0xF20];
	v30 =	vadd.f32 v31, v19;
	v17 =	vadd.f32 v44, v21  }
0x13f: {  	v24 =	vld [tilespmem:$0xB20];
	v60 =	vmul.f32 v28, v45;
	v46 =	vadd.f32 v42, v62;
	[tilespmem:$0x1220] =	vst v59;
	v59 =	vadd.f32 v13, v54  }
0x140: {  	[tilespmem:$0x1250] =	vst v15;
	v61 =	vld [tilespmem:$0x750];
	v31 =	vmul.f32 v36, v63;
	v62 =	vadd.f32 v25, v57;
	v42 =	vadd.f32 v32, v30  }
0x141: {  	v28 =	vld [tilespmem:$0xB50];
	v25 =	vadd.f32 v26, v60;
	v26 =	vmul.f32 v33, v63;
	v49 =	vadd.f32 v39, v46;
	[tilespmem:$0x1240] =	vst v17  }
0x142: {  	v21 =	vld [tilespmem:$0xF50];
	v43 =	vadd.f32 v37, v31;
	v44 =	vmul.f32 v48, v63;
	v23 =	vadd.f32 v10, v59;
	[tilespmem:$0x12F0] =	vst v42  }
0x143: {  	v40 =	vmul.f32 v40, v63;
	v33 =	vld [tilespmem:$0x760];
	v0 =	vadd.f32 v27, v62;
	v39 =	vadd.f32 v34, v26;
	[tilespmem:$0x1260] =	vst v49  }
0x144: {  	v48 =	vld [tilespmem:$0xF70];
	v6 =	vmul.f32 v53, v63;
	v36 =	vadd.f32 v29, v25;
	v50 =	vadd.f32 v50, v44;
	[tilespmem:$0x12C0] =	vst v23  }
0x145: {  	v45 =	vld [tilespmem:$0xF60];
	v47 =	vadd.f32 v20, v40;
	[tilespmem:$0x12D0] =	vst v0;
	v46 =	vadd.f32 v35, v39  }
0x146: {  	v8 =	vmul.f32 v61, v63;
	v53 =	vadd.f32 v55, v6;
	v55 =	vld [tilespmem:$0xB70];
	[tilespmem:$0x12E0] =	vst v36;
	v49 =	vadd.f32 v38, v43  }
0x147: {  	v51 =	vld [tilespmem:$0xB60];
	v3 =	vmul.f32 v41, v63;
	v56 =	vadd.f32 v14, v50;
	[tilespmem:$0x1300] =	vst v46  }
0x148: {  	v52 =	vadd.f32 v24, v47;
	v54 =	vmul.f32 v33, v63;
	v57 =	vadd.f32 v21, v8;
	[tilespmem:$0x1310] =	vst v49  }
0x149: {  	v58 =	vadd.f32 v4, v53;
	v61 =	vadd.f32 v48, v3;
	[tilespmem:$0x1330] =	vst v56  }
0x14a: {  	[tilespmem:$0x1320] =	vst v52;
	v59 =	vadd.f32 v45, v54;
	v60 =	vadd.f32 v28, v57  }
0x14b: {  	[tilespmem:$0x1340] =	vst v58;
	v63 =	vadd.f32 v55, v61  }
0x14c: {  	v62 =	vadd.f32 v51, v59;
	[tilespmem:$0x1350] =	vst v60  }
0x14d: {  	p0 =	seq.s32 s1, $0x3;
	[tilespmem:$0x1370] =	vst v63  }
0x14e: {  	s3 =	sadd.s32 $0x180, s2;
	s4 =	simm.s32 @p0 $0x0;
	s5 =	simm.s32 @p0 $0xF80;
	[tilespmem:$0x1360] =	vst v62  }
0x14f: {  	[hbm4b:s3+s4] =	stream.linear.scatter @p0 [tilespmem:s5], [sflag:$0x3], $0x80, $0x38;
	[tilespmem:$0x1380] =	vst v63  }
0x150: {  	s3 =	sadd.s32 $0x190, s2;
	s5 =	simm.s32 @p0 $0x1000  }
0x151: {  	[hbm4b:s3+s4] =	stream.linear.scatter @p0 [tilespmem:s5], [sflag:$0x3], $0x80, $0x38;
	[tilespmem:$0x1380] =	vst v63  }
0x152: {  	s3 =	sadd.s32 $0x1A0, s2;
	s5 =	simm.s32 @p0 $0x1080  }
0x153: {  	[hbm4b:s3+s4] =	stream.linear.scatter @p0 [tilespmem:s5], [sflag:$0x3], $0x80, $0x38;
	[tilespmem:$0x1380] =	vst v63  }
0x154: {  	s3 =	sadd.s32 $0x1B0, s2;
	s5 =	simm.s32 @p0 $0x1100  }
0x155: {  	[hbm4b:s3+s4] =	stream.linear.scatter @p0 [tilespmem:s5], [sflag:$0x3], $0x80, $0x38;
	[tilespmem:$0x1380] =	vst v63  }
0x156: {  	s3 =	sadd.s32 $0x1C0, s2;
	s5 =	simm.s32 @p0 $0x1180  }
0x157: {  	[hbm4b:s3+s4] =	stream.linear.scatter @p0 [tilespmem:s5], [sflag:$0x3], $0x80, $0x38;
	[tilespmem:$0x1380] =	vst v63  }
0x158: {  	s3 =	sadd.s32 $0x1D0, s2;
	s5 =	simm.s32 @p0 $0x1200  }
0x159: {  	[hbm4b:s3+s4] =	stream.linear.scatter @p0 [tilespmem:s5], [sflag:$0x3], $0x80, $0x38;
	[tilespmem:$0x1380] =	vst v63  }
0x15a: {  	s3 =	simm.s32 @p0 $0x3  }
0x15b: {  	_ =	swait.ge @p0 [sflag:s3], $0x80  }
0x15c: {  	[sflag:s3] =	ssyncset.done @p0 $0x0  }
0x15d: {  	[sflag:s3] =	ssyncadd.s32 @p0 $0xFFFFFF80  }
0x15e: {  	_ =	swait.ge @p0 [sflag:s3], $0x80  }
0x15f: {  	[sflag:s3] =	ssyncset.done @p0 $0x0  }
0x160: {  	[sflag:s3] =	ssyncadd.s32 @p0 $0xFFFFFF80  }
0x161: {  	_ =	swait.ge @p0 [sflag:s3], $0x80  }
0x162: {  	[sflag:s3] =	ssyncset.done @p0 $0x0  }
0x163: {  	[sflag:s3] =	ssyncadd.s32 @p0 $0xFFFFFF80  }
0x164: {  	_ =	swait.ge @p0 [sflag:s3], $0x80  }
0x165: {  	[sflag:s3] =	ssyncset.done @p0 $0x0  }
0x166: {  	[sflag:s3] =	ssyncadd.s32 @p0 $0xFFFFFF80  }
0x167: {  	_ =	swait.ge @p0 [sflag:s3], $0x80  }
0x168: {  	[sflag:s3] =	ssyncset.done @p0 $0x0  }
0x169: {  	[sflag:s3] =	ssyncadd.s32 @p0 $0xFFFFFF80  }
0x16a: {  	s31 =	sshll.u32 s1, $0x7;
	_ =	swait.ge @p0 [sflag:s3], $0x80  }
0x16b: {  	s2 =	sadd.s32 s2, s31;
	[sflag:s3] =	ssyncset.done @p0 $0x0  }
0x16c: {  	s4 =	simm.s32 @!p0 $0xF80;
	[sflag:s3] =	ssyncadd.s32 @p0 $0xFFFFFF80;
	s3 =	simm.s32 @!p0 $0x0  }
0x16d: {  	[hbm4b:s2+s3] =	stream.linear.scatter @!p0 [tilespmem:s4], [sflag:$0x5], $0x400, $0x38;
	[tilespmem:$0x1380] =	vst v63  }
0x16e: {  	s2 =	simm.s32 @!p0 $0x5  }
0x16f: {  	_ =	swait.ge @!p0 [sflag:s2], $0x400  }
0x170: {  	[sflag:s2] =	ssyncset.done @!p0 $0x0  }
0x171: {  	[sflag:s2] =	ssyncadd.s32 @!p0 $0xFFFFFC00  }
.LBB2_2:
0x172: {  	_ =	sfence.sel $0x180000  }
0x173: {  	[bflag:$0x0] =	sbarrier.arrive $0xFFFF  }
0x174: {  	p0 =	sne.s32 s1, $0x0;
	_ =	strace $0x90000047  }
0x175: {  	s0 =	sadd.s32 @!p0 $0x100000, s0;
	[bflag:$0x2] =	sbarrier.arrive $0xFFFF  }
0x176: {  	[sflag:s0] =	ssyncadd.tile.s32 @!p0 $0x1;
	_ =	shalt  }
.Lfunc_end2:
_tile_overlayer_lowered:
.L_overlay_start_2:
0x177: {  	(tag) =	ssettag $0x2  }
0x178: {  	s0 =	rddreg [dreg:$0x0];
	s2 =	stileid.u32  }
0x179: {  	s1 =	rddreg [dreg:$0x1];
	p0 =	sne.s32 s2, $0x0  }
0x17a: {  	s3 =	rddreg [dreg:$0x2];
	[bflag:$0x3] =	sbarrier.arrive $0xFFFF;
	s2 =	simm.s32 @!p0 $0x1C05  }
0x17b: {  	[timem:s3], [sflag:s2] =	dma.local @!p0 [hbm:s0], s1  }
0x17c: {  	s0 =	simm.s32 @!p0 $0x5  }
0x17d: {  	_ =	swait.ge @!p0 [sflag:s0], s1  }
0x17e: {  	s1 =	ssub.s32 @!p0 $0x0, s1;
	[sflag:s0] =	ssyncset.done @!p0 $0x0  }
0x17f: {  	[sflag:s0] =	ssyncadd.s32 @!p0 s1  }
0x180: {  	[bflag:$0x3] =	sbarrier.arrive $0xFFFF  }
0x181: {  	_ =	shalt  }

</sc_bundles>
